<compile_context>
chip_gen: v7x
topology: tpu7x:2x2x1
jax: 0.10.2.dev20260603
libtpu: 0.0.44.dev20260713+nightly
codegen_flags: <defaults>
</compile_context>

<pallas_src>
import jax
import jax.numpy as jnp
from jax import lax
from jax.experimental import pallas as pl
from jax.experimental.pallas import tpu as pltpu
from jax.experimental.pallas import tpu_sc as plsc

VOCAB = 100000
EMBED = 128
SEQ = 200
BATCH = 1024

_INFO = plsc.get_sparse_core_info()
NC = _INFO.num_cores
NS = _INFO.num_subcores
L = _INFO.num_lanes
NW = NC * NS
NJ = EMBED // L

N = BATCH * SEQ
CHUNK = 80
ROWS_PER_W = N // NW
CHUNKS_PER_W = ROWS_PER_W // CHUNK
PE_PAD = SEQ + 8


def _body(ids_hbm, segs_hbm, tok_tab_hbm, seg_tab_hbm, pe_hbm, out_hbm,
          idx_v, segid_v, tok_v, out_v, pe_v, seg_v, gsem, osem):
    wid = lax.axis_index("s") * NC + lax.axis_index("c")

    pltpu.sync_copy(pe_hbm, pe_v)
    pltpu.sync_copy(seg_tab_hbm, seg_v)

    s1 = [seg_v[1, pl.ds(L * j, L)] for j in range(NJ)]
    s2 = [seg_v[2, pl.ds(L * j, L)] for j in range(NJ)]

    def stage_and_issue(c, b):
        blk = wid * CHUNKS_PER_W + c
        pltpu.sync_copy(ids_hbm.at[pl.ds(blk, 1)], idx_v.at[b])
        pltpu.sync_copy(segs_hbm.at[pl.ds(blk * CHUNK, CHUNK)],
                        segid_v.at[pl.ds(b * CHUNK, CHUNK)])
        pltpu.async_copy(tok_tab_hbm.at[idx_v.at[b].at[0]], tok_v.at[b],
                         gsem.at[b])

    def compute(c, b):
        base = (wid * CHUNKS_PER_W + c) * CHUNK
        pltpu.make_async_copy(
            tok_tab_hbm.at[idx_v.at[b].at[0]], tok_v.at[b], gsem.at[b]).wait()

        @plsc.parallel_loop(0, CHUNK, unroll=16)
        def row_body(r):
            off = lax.rem(base + r, SEQ)
            sid = segid_v[pl.ds(b * CHUNK + r, L)][0]
            m1 = sid == 1
            m2 = sid == 2
            zero = jnp.zeros((L,), jnp.float32)
            for j in range(NJ):
                t = tok_v[b, r, pl.ds(L * j, L)]
                p = pe_v[off, pl.ds(L * j, L)]
                addon = jnp.where(m1, s1[j], jnp.where(m2, s2[j], zero))
                out_v[b, r, pl.ds(L * j, L)] = t + p + addon

        pltpu.async_copy(out_v.at[b], out_hbm.at[pl.ds(base, CHUNK)], osem.at[b])

    def wait_out(c, b):
        base = (wid * CHUNKS_PER_W + c) * CHUNK
        pltpu.make_async_copy(
            out_v.at[b], out_hbm.at[pl.ds(base, CHUNK)], osem.at[b]).wait()

    stage_and_issue(0, 0)

    def pair_body(c2, _):
        c = c2 * 2
        stage_and_issue(c + 1, 1)

        @pl.when(c2 > 0)
        def _():
            wait_out(c - 2, 0)

        compute(c, 0)

        @pl.when(c + 2 < CHUNKS_PER_W)
        def _():
            stage_and_issue(c + 2, 0)

        @pl.when(c2 > 0)
        def _():
            wait_out(c - 1, 1)

        compute(c + 1, 1)
        return ()

    lax.fori_loop(0, CHUNKS_PER_W // 2, pair_body, ())
    wait_out(CHUNKS_PER_W - 2, 0)
    wait_out(CHUNKS_PER_W - 1, 1)


@jax.jit
def _run(ids2, segs2, token_table, segment_table, pe_pad):
    mesh = plsc.VectorSubcoreMesh(core_axis_name="c", subcore_axis_name="s")
    kfn = pl.kernel(
        _body,
        out_type=jax.ShapeDtypeStruct((N, EMBED), jnp.float32),
        mesh=mesh,
        scratch_types=[
            pltpu.VMEM((2, 1, CHUNK), jnp.int32),
            pltpu.VMEM((2 * CHUNK + L,), jnp.int32),
            pltpu.VMEM((2, CHUNK, EMBED), jnp.float32),
            pltpu.VMEM((2, CHUNK, EMBED), jnp.float32),
            pltpu.VMEM((PE_PAD, EMBED), jnp.float32),
            pltpu.VMEM((3, EMBED), jnp.float32),
            pltpu.SemaphoreType.DMA((2,)),
            pltpu.SemaphoreType.DMA((2,)),
        ],
    )
    return kfn(ids2, segs2, token_table, segment_table, pe_pad)


def kernel(input_ids, segment_ids, token_table, segment_table, pe):
    ids2 = input_ids.reshape(N // CHUNK, CHUNK).astype(jnp.int32)
    segs2 = segment_ids.reshape(N).astype(jnp.int32)
    pe2 = pe.reshape(SEQ, EMBED)
    pe_pad = jnp.concatenate([pe2, pe2[: PE_PAD - SEQ]], axis=0)
    out = _run(ids2, segs2, token_table, segment_table, pe_pad)
    return out.reshape(BATCH, SEQ, EMBED)

# --- scband reference (transcript-rebuilt; emitter-appended) ---
"""Pipeline reference for scband-embedding-layer-27144193310882 (READ-ONLY COPY).

The authoritative reference and input builder live on the scoring server;
editing this copy changes nothing except your own understanding.
"""

import math
import jax, jax.numpy as jnp
import numpy as np

VOCAB = 100000
EMBED = 128
SEQ = 200
BATCH = 1024


def _make_pe(d_model, max_len):
    pe = np.zeros((max_len, d_model), dtype=np.float32)
    for pos in range(max_len):
        for i in range(0, d_model, 2):
            pe[pos, i] = math.sin(pos / 10000 ** (2 * i / d_model))
            pe[pos, i + 1] = math.cos(pos / 10000 ** (2 * (i + 1) / d_model))
    return jnp.asarray(pe)[None, :, :]  # [1, max_len, d_model]


def setup_inputs(seed: int = 0) -> dict:
    key = jax.random.key(seed)
    k1, k2, k3, k4 = jax.random.split(key, 4)
    input_ids = jax.random.randint(k1, (BATCH, SEQ), 0, VOCAB, dtype=jnp.int64 if jax.config.jax_enable_x64 else jnp.int32)
    segment_ids = jax.random.randint(k2, (BATCH, SEQ), 0, 3, dtype=jnp.int64 if jax.config.jax_enable_x64 else jnp.int32)
    token_table = jax.random.normal(k3, (VOCAB, EMBED), dtype=jnp.float32) * 0.02
    token_table = token_table.at[0].set(0.0)  # padding_idx=0
    segment_table = jax.random.normal(k4, (3, EMBED), dtype=jnp.float32) * 0.02
    segment_table = segment_table.at[0].set(0.0)  # padding_idx=0
    pe = _make_pe(EMBED, SEQ)
    return {"input_ids": input_ids, "segment_ids": segment_ids, "token_table": token_table, "segment_table": segment_table, "pe": pe}


def reference(input_ids, segment_ids, token_table, segment_table, pe):
    # token embedding lookup
    tok = jnp.take(token_table, input_ids, axis=0)      # [B, S, E]
    # segment embedding lookup
    seg = jnp.take(segment_table, segment_ids, axis=0)  # [B, S, E]
    # positional embedding is a fixed buffer broadcast over batch
    x = tok + pe + seg
    # dropout in eval mode is identity
    return x

if __name__ == "__main__":
    import jax
    _d = setup_inputs()
    print(jax.jit(kernel)(*tuple(_d.values())))

</pallas_src>

<mosaic_0001>
#map = affine_map<(d0, d1) -> (0, 0)>
#map1 = affine_map<(d0, d1) -> (0)>
module attributes {stable_mosaic.version = 14 : i64} {
  func.func @_body(%arg0: i32, %arg1: i32, %arg2: memref<2560x80xi32, #tpu.memory_space<hbm>>, %arg3: memref<204800xi32, #tpu.memory_space<hbm>>, %arg4: memref<100000x128xf32, #tpu.memory_space<hbm>>, %arg5: memref<3x128xf32, #tpu.memory_space<hbm>>, %arg6: memref<208x128xf32, #tpu.memory_space<hbm>>, %arg7: memref<204800x128xf32, #tpu.memory_space<hbm>>, %arg8: memref<2x1x80xi32, #tpu.memory_space<vmem>>, %arg9: memref<176xi32, #tpu.memory_space<vmem>>, %arg10: memref<2x80x128xf32, #tpu.memory_space<vmem>>, %arg11: memref<2x80x128xf32, #tpu.memory_space<vmem>>, %arg12: memref<208x128xf32, #tpu.memory_space<vmem>>, %arg13: memref<3x128xf32, #tpu.memory_space<vmem>>, %arg14: memref<2x!tpu.dma_semaphore, #tpu.memory_space<semaphore_mem>>, %arg15: memref<2x!tpu.dma_semaphore, #tpu.memory_space<semaphore_mem>>) attributes {dimension_semantics = [#tpu.dimension_semantics<core_parallel>, #tpu.dimension_semantics<subcore_parallel>], iteration_bounds = array<i64: 2, 16>, scalar_prefetch = 0 : i64, scratch_operands = 8 : i64, tpu.core_type = #tpu.core_type<sc_vector_subcore>, window_params = [{transform_indices = #map}, {transform_indices = #map1}, {transform_indices = #map}, {transform_indices = #map}, {transform_indices = #map}, {transform_indices = #map}]} {
    %mul3A = arith.constant 2 : i32
    %mul3A_0 = arith.muli %arg1, %mul3A : i32
    %add3A = arith.addi %mul3A_0, %arg0 : i32
    "tpu.region"() ({
      %run_scoped3A_152 = tpu.sem_alloc : memref<!tpu.dma_semaphore, #tpu.memory_space<semaphore_mem>>
      tpu.enqueue_dma source(%arg6 : memref<208x128xf32, #tpu.memory_space<hbm>>) target(%arg12 : memref<208x128xf32, #tpu.memory_space<vmem>>) target_semaphore(%run_scoped3A_152 : memref<!tpu.dma_semaphore, #tpu.memory_space<semaphore_mem>>)
      tpu.wait_dma2 semaphore(%run_scoped3A_152 : memref<!tpu.dma_semaphore, #tpu.memory_space<semaphore_mem>>) src(%arg6 : memref<208x128xf32, #tpu.memory_space<hbm>>) dst(%arg12 : memref<208x128xf32, #tpu.memory_space<vmem>>)
      tpu.yield
    }) : () -> ()
    "tpu.region"() ({
      %run_scoped3A_152 = tpu.sem_alloc : memref<!tpu.dma_semaphore, #tpu.memory_space<semaphore_mem>>
      tpu.enqueue_dma source(%arg5 : memref<3x128xf32, #tpu.memory_space<hbm>>) target(%arg13 : memref<3x128xf32, #tpu.memory_space<vmem>>) target_semaphore(%run_scoped3A_152 : memref<!tpu.dma_semaphore, #tpu.memory_space<semaphore_mem>>)
      tpu.wait_dma2 semaphore(%run_scoped3A_152 : memref<!tpu.dma_semaphore, #tpu.memory_space<semaphore_mem>>) src(%arg5 : memref<3x128xf32, #tpu.memory_space<hbm>>) dst(%arg13 : memref<3x128xf32, #tpu.memory_space<vmem>>)
      tpu.yield
    }) : () -> ()
    %get3A = arith.constant 1 : i32
    %get3A_1 = arith.index_cast %get3A : i32 to index
    %get3A_2 = arith.constant 0 : index
    %get3A_3 = tpu.vector_load %arg13[%get3A_1, %get3A_2] {strides = array<i32>} : memref<3x128xf32, #tpu.memory_space<vmem>>, vector<1x16xf32>,
    %get3A_4 = vector.shape_cast %get3A_3 : vector<1x16xf32> to vector<16xf32>
    %get3A_5 = arith.constant 1 : i32
    %get3A_6 = arith.index_cast %get3A_5 : i32 to index
    %get3A_7 = arith.constant 16 : index
    %get3A_8 = tpu.vector_load %arg13[%get3A_6, %get3A_7] {strides = array<i32>} : memref<3x128xf32, #tpu.memory_space<vmem>>, vector<1x16xf32>,
    %get3A_9 = vector.shape_cast %get3A_8 : vector<1x16xf32> to vector<16xf32>
    %get3A_10 = arith.constant 1 : i32
    %get3A_11 = arith.index_cast %get3A_10 : i32 to index
    %get3A_12 = arith.constant 32 : index
    %get3A_13 = tpu.vector_load %arg13[%get3A_11, %get3A_12] {strides = array<i32>} : memref<3x128xf32, #tpu.memory_space<vmem>>, vector<1x16xf32>,
    %get3A_14 = vector.shape_cast %get3A_13 : vector<1x16xf32> to vector<16xf32>
    %get3A_15 = arith.constant 1 : i32
    %get3A_16 = arith.index_cast %get3A_15 : i32 to index
    %get3A_17 = arith.constant 48 : index
    %get3A_18 = tpu.vector_load %arg13[%get3A_16, %get3A_17] {strides = array<i32>} : memref<3x128xf32, #tpu.memory_space<vmem>>, vector<1x16xf32>,
    %get3A_19 = vector.shape_cast %get3A_18 : vector<1x16xf32> to vector<16xf32>
    %get3A_20 = arith.constant 1 : i32
    %get3A_21 = arith.index_cast %get3A_20 : i32 to index
    %get3A_22 = arith.constant 64 : index
    %get3A_23 = tpu.vector_load %arg13[%get3A_21, %get3A_22] {strides = array<i32>} : memref<3x128xf32, #tpu.memory_space<vmem>>, vector<1x16xf32>,
    %get3A_24 = vector.shape_cast %get3A_23 : vector<1x16xf32> to vector<16xf32>
    %get3A_25 = arith.constant 1 : i32
    %get3A_26 = arith.index_cast %get3A_25 : i32 to index
    %get3A_27 = arith.constant 80 : index
    %get3A_28 = tpu.vector_load %arg13[%get3A_26, %get3A_27] {strides = array<i32>} : memref<3x128xf32, #tpu.memory_space<vmem>>, vector<1x16xf32>,
    %get3A_29 = vector.shape_cast %get3A_28 : vector<1x16xf32> to vector<16xf32>
    %get3A_30 = arith.constant 1 : i32
    %get3A_31 = arith.index_cast %get3A_30 : i32 to index
    %get3A_32 = arith.constant 96 : index
    %get3A_33 = tpu.vector_load %arg13[%get3A_31, %get3A_32] {strides = array<i32>} : memref<3x128xf32, #tpu.memory_space<vmem>>, vector<1x16xf32>,
    %get3A_34 = vector.shape_cast %get3A_33 : vector<1x16xf32> to vector<16xf32>
    %get3A_35 = arith.constant 1 : i32
    %get3A_36 = arith.index_cast %get3A_35 : i32 to index
    %get3A_37 = arith.constant 112 : index
    %get3A_38 = tpu.vector_load %arg13[%get3A_36, %get3A_37] {strides = array<i32>} : memref<3x128xf32, #tpu.memory_space<vmem>>, vector<1x16xf32>,
    %get3A_39 = vector.shape_cast %get3A_38 : vector<1x16xf32> to vector<16xf32>
    %get3A_40 = arith.constant 2 : i32
    %get3A_41 = arith.index_cast %get3A_40 : i32 to index
    %get3A_42 = arith.constant 0 : index
    %get3A_43 = tpu.vector_load %arg13[%get3A_41, %get3A_42] {strides = array<i32>} : memref<3x128xf32, #tpu.memory_space<vmem>>, vector<1x16xf32>,
    %get3A_44 = vector.shape_cast %get3A_43 : vector<1x16xf32> to vector<16xf32>
    %get3A_45 = arith.constant 2 : i32
    %get3A_46 = arith.index_cast %get3A_45 : i32 to index
    %get3A_47 = arith.constant 16 : index
    %get3A_48 = tpu.vector_load %arg13[%get3A_46, %get3A_47] {strides = array<i32>} : memref<3x128xf32, #tpu.memory_space<vmem>>, vector<1x16xf32>,
    %get3A_49 = vector.shape_cast %get3A_48 : vector<1x16xf32> to vector<16xf32>
    %get3A_50 = arith.constant 2 : i32
    %get3A_51 = arith.index_cast %get3A_50 : i32 to index
    %get3A_52 = arith.constant 32 : index
    %get3A_53 = tpu.vector_load %arg13[%get3A_51, %get3A_52] {strides = array<i32>} : memref<3x128xf32, #tpu.memory_space<vmem>>, vector<1x16xf32>,
    %get3A_54 = vector.shape_cast %get3A_53 : vector<1x16xf32> to vector<16xf32>
    %get3A_55 = arith.constant 2 : i32
    %get3A_56 = arith.index_cast %get3A_55 : i32 to index
    %get3A_57 = arith.constant 48 : index
    %get3A_58 = tpu.vector_load %arg13[%get3A_56, %get3A_57] {strides = array<i32>} : memref<3x128xf32, #tpu.memory_space<vmem>>, vector<1x16xf32>,
    %get3A_59 = vector.shape_cast %get3A_58 : vector<1x16xf32> to vector<16xf32>
    %get3A_60 = arith.constant 2 : i32
    %get3A_61 = arith.index_cast %get3A_60 : i32 to index
    %get3A_62 = arith.constant 64 : index
    %get3A_63 = tpu.vector_load %arg13[%get3A_61, %get3A_62] {strides = array<i32>} : memref<3x128xf32, #tpu.memory_space<vmem>>, vector<1x16xf32>,
    %get3A_64 = vector.shape_cast %get3A_63 : vector<1x16xf32> to vector<16xf32>
    %get3A_65 = arith.constant 2 : i32
    %get3A_66 = arith.index_cast %get3A_65 : i32 to index
    %get3A_67 = arith.constant 80 : index
    %get3A_68 = tpu.vector_load %arg13[%get3A_66, %get3A_67] {strides = array<i32>} : memref<3x128xf32, #tpu.memory_space<vmem>>, vector<1x16xf32>,
    %get3A_69 = vector.shape_cast %get3A_68 : vector<1x16xf32> to vector<16xf32>
    %get3A_70 = arith.constant 2 : i32
    %get3A_71 = arith.index_cast %get3A_70 : i32 to index
    %get3A_72 = arith.constant 96 : index
    %get3A_73 = tpu.vector_load %arg13[%get3A_71, %get3A_72] {strides = array<i32>} : memref<3x128xf32, #tpu.memory_space<vmem>>, vector<1x16xf32>,
    %get3A_74 = vector.shape_cast %get3A_73 : vector<1x16xf32> to vector<16xf32>
    %get3A_75 = arith.constant 2 : i32
    %get3A_76 = arith.index_cast %get3A_75 : i32 to index
    %get3A_77 = arith.constant 112 : index
    %get3A_78 = tpu.vector_load %arg13[%get3A_76, %get3A_77] {strides = array<i32>} : memref<3x128xf32, #tpu.memory_space<vmem>>, vector<1x16xf32>,
    %get3A_79 = vector.shape_cast %get3A_78 : vector<1x16xf32> to vector<16xf32>
    %mul3A_80 = arith.constant 80 : i32
    %mul3A_81 = arith.muli %add3A, %mul3A_80 : i32
    %add3A_82 = arith.constant 0 : i32
    %add3A_83 = arith.addi %mul3A_81, %add3A_82 : i32
    %run_scoped3A = arith.constant 0 : i32
    "tpu.region"() ({
      %run_scoped3A_152 = tpu.sem_alloc : memref<!tpu.dma_semaphore, #tpu.memory_space<semaphore_mem>>
      %dma_start3A_153 = arith.constant 0 : i32
      %dma_start3A_154 = arith.constant 0 : i32
      %dma_start3A_155 = tpu.memref_slice %arg8[%run_scoped3A, %dma_start3A_153, %dma_start3A_154] : memref<2x1x80xi32, #tpu.memory_space<vmem>> -> memref<1x1x80xi32, #tpu.memory_space<vmem>>
      %dma_start3A_156 = tpu.memref_squeeze %dma_start3A_155 : memref<1x1x80xi32, #tpu.memory_space<vmem>> -> memref<1x80xi32, #tpu.memory_space<vmem>>
      %dma_start3A_157 = arith.constant 0 : i32
      %dma_start3A_158 = tpu.memref_slice %arg2[%add3A_83, %dma_start3A_157] : memref<2560x80xi32, #tpu.memory_space<hbm>> -> memref<1x80xi32, #tpu.memory_space<hbm>>
      %dma_start3A_159 = arith.constant 0 : i32
      %dma_start3A_160 = arith.constant 0 : i32
      %dma_start3A_161 = tpu.memref_slice %arg8[%run_scoped3A, %dma_start3A_159, %dma_start3A_160] : memref<2x1x80xi32, #tpu.memory_space<vmem>> -> memref<1x1x80xi32, #tpu.memory_space<vmem>>
      %dma_start3A_162 = tpu.memref_squeeze %dma_start3A_161 : memref<1x1x80xi32, #tpu.memory_space<vmem>> -> memref<1x80xi32, #tpu.memory_space<vmem>>
      %dma_start3A_163 = arith.constant 0 : i32
      %dma_start3A_164 = tpu.memref_slice %arg2[%add3A_83, %dma_start3A_163] : memref<2560x80xi32, #tpu.memory_space<hbm>> -> memref<1x80xi32, #tpu.memory_space<hbm>>
      tpu.enqueue_dma source(%dma_start3A_164 : memref<1x80xi32, #tpu.memory_space<hbm>>) target(%dma_start3A_162 : memref<1x80xi32, #tpu.memory_space<vmem>>) target_semaphore(%run_scoped3A_152 : memref<!tpu.dma_semaphore, #tpu.memory_space<semaphore_mem>>)
      %dma_wait3A_165 = arith.constant 0 : i32
      %dma_wait3A_166 = arith.constant 0 : i32
      %dma_wait3A_167 = tpu.memref_slice %arg8[%run_scoped3A, %dma_wait3A_165, %dma_wait3A_166] : memref<2x1x80xi32, #tpu.memory_space<vmem>> -> memref<1x1x80xi32, #tpu.memory_space<vmem>>
      %dma_wait3A_168 = tpu.memref_squeeze %dma_wait3A_167 : memref<1x1x80xi32, #tpu.memory_space<vmem>> -> memref<1x80xi32, #tpu.memory_space<vmem>>
      %dma_wait3A_169 = arith.constant 0 : i32
      %dma_wait3A_170 = tpu.memref_slice %arg2[%add3A_83, %dma_wait3A_169] : memref<2560x80xi32, #tpu.memory_space<hbm>> -> memref<1x80xi32, #tpu.memory_space<hbm>>
      %dma_wait3A_171 = arith.constant 0 : i32
      %dma_wait3A_172 = arith.constant 0 : i32
      %dma_wait3A_173 = tpu.memref_slice %arg8[%run_scoped3A, %dma_wait3A_171, %dma_wait3A_172] : memref<2x1x80xi32, #tpu.memory_space<vmem>> -> memref<1x1x80xi32, #tpu.memory_space<vmem>>
      %dma_wait3A_174 = tpu.memref_squeeze %dma_wait3A_173 : memref<1x1x80xi32, #tpu.memory_space<vmem>> -> memref<1x80xi32, #tpu.memory_space<vmem>>
      %dma_wait3A_175 = arith.constant 0 : i32
      %dma_wait3A_176 = tpu.memref_slice %arg2[%add3A_83, %dma_wait3A_175] : memref<2560x80xi32, #tpu.memory_space<hbm>> -> memref<1x80xi32, #tpu.memory_space<hbm>>
      tpu.wait_dma2 semaphore(%run_scoped3A_152 : memref<!tpu.dma_semaphore, #tpu.memory_space<semaphore_mem>>) src(%dma_wait3A_176 : memref<1x80xi32, #tpu.memory_space<hbm>>) dst(%dma_wait3A_174 : memref<1x80xi32, #tpu.memory_space<vmem>>)
      tpu.yield
    }) : () -> ()
    %mul3A_84 = arith.constant 80 : i32
    %mul3A_85 = arith.muli %add3A_83, %mul3A_84 : i32
    "tpu.region"() ({
      %run_scoped3A_152 = tpu.sem_alloc : memref<!tpu.dma_semaphore, #tpu.memory_space<semaphore_mem>>
      %dma_start3A_153 = arith.constant 0 : i32
      %dma_start3A_154 = tpu.memref_slice %arg9[%dma_start3A_153] : memref<176xi32, #tpu.memory_space<vmem>> -> memref<80xi32, #tpu.memory_space<vmem>>
      %dma_start3A_155 = tpu.memref_slice %arg3[%mul3A_85] : memref<204800xi32, #tpu.memory_space<hbm>> -> memref<80xi32, #tpu.memory_space<hbm>>
      %dma_start3A_156 = arith.constant 0 : i32
      %dma_start3A_157 = tpu.memref_slice %arg9[%dma_start3A_156] : memref<176xi32, #tpu.memory_space<vmem>> -> memref<80xi32, #tpu.memory_space<vmem>>
      %dma_start3A_158 = tpu.memref_slice %arg3[%mul3A_85] : memref<204800xi32, #tpu.memory_space<hbm>> -> memref<80xi32, #tpu.memory_space<hbm>>
      tpu.enqueue_dma source(%dma_start3A_158 : memref<80xi32, #tpu.memory_space<hbm>>) target(%dma_start3A_157 : memref<80xi32, #tpu.memory_space<vmem>>) target_semaphore(%run_scoped3A_152 : memref<!tpu.dma_semaphore, #tpu.memory_space<semaphore_mem>>)
      %dma_wait3A_159 = arith.constant 0 : i32
      %dma_wait3A_160 = tpu.memref_slice %arg9[%dma_wait3A_159] : memref<176xi32, #tpu.memory_space<vmem>> -> memref<80xi32, #tpu.memory_space<vmem>>
      %dma_wait3A_161 = tpu.memref_slice %arg3[%mul3A_85] : memref<204800xi32, #tpu.memory_space<hbm>> -> memref<80xi32, #tpu.memory_space<hbm>>
      %dma_wait3A_162 = arith.constant 0 : i32
      %dma_wait3A_163 = tpu.memref_slice %arg9[%dma_wait3A_162] : memref<176xi32, #tpu.memory_space<vmem>> -> memref<80xi32, #tpu.memory_space<vmem>>
      %dma_wait3A_164 = tpu.memref_slice %arg3[%mul3A_85] : memref<204800xi32, #tpu.memory_space<hbm>> -> memref<80xi32, #tpu.memory_space<hbm>>
      tpu.wait_dma2 semaphore(%run_scoped3A_152 : memref<!tpu.dma_semaphore, #tpu.memory_space<semaphore_mem>>) src(%dma_wait3A_164 : memref<80xi32, #tpu.memory_space<hbm>>) dst(%dma_wait3A_163 : memref<80xi32, #tpu.memory_space<vmem>>)
      tpu.yield
    }) : () -> ()
    %dma_start3A = arith.constant 0 : i32
    %dma_start3A_86 = arith.constant 0 : i32
    %dma_start3A_87 = arith.constant 0 : i32
    %dma_start3A_88 = arith.constant 0 : i32
    %dma_start3A_89 = arith.constant 0 : i32
    %dma_start3A_90 = arith.constant 0 : i32
    %dma_start3A_91 = tpu.memref_slice %arg10[%dma_start3A_87, %dma_start3A_89, %dma_start3A_90] : memref<2x80x128xf32, #tpu.memory_space<vmem>> -> memref<1x80x128xf32, #tpu.memory_space<vmem>>
    %dma_start3A_92 = tpu.memref_squeeze %dma_start3A_91 : memref<1x80x128xf32, #tpu.memory_space<vmem>> -> memref<80x128xf32, #tpu.memory_space<vmem>>
    %dma_start3A_93 = arith.constant 0 : i32
    %dma_start3A_94 = arith.constant 0 : i32
    %dma_start3A_95 = tpu.memref_slice %arg8[%dma_start3A, %dma_start3A_93, %dma_start3A_94] : memref<2x1x80xi32, #tpu.memory_space<vmem>> -> memref<1x1x80xi32, #tpu.memory_space<vmem>>
    %dma_start3A_96 = tpu.memref_squeeze %dma_start3A_95 : memref<1x1x80xi32, #tpu.memory_space<vmem>> -> memref<1x80xi32, #tpu.memory_space<vmem>>
    %dma_start3A_97 = arith.constant 0 : i32
    %dma_start3A_98 = tpu.memref_slice %dma_start3A_96[%dma_start3A_86, %dma_start3A_97] : memref<1x80xi32, #tpu.memory_space<vmem>> -> memref<1x80xi32, #tpu.memory_space<vmem>>
    %dma_start3A_99 = tpu.memref_squeeze %dma_start3A_98 : memref<1x80xi32, #tpu.memory_space<vmem>> -> memref<80xi32, #tpu.memory_space<vmem>>
    %dma_start3A_100 = arith.constant 0 : i32
    %dma_start3A_101 = arith.constant 0 : i32
    %dma_start3A_102 = tpu.memref_slice %arg4[%dma_start3A_100, %dma_start3A_101] : memref<100000x128xf32, #tpu.memory_space<hbm>> -> memref<100000x128xf32, #tpu.memory_space<hbm>>
    %dma_start3A_103 = tpu.memref_slice %arg14[%dma_start3A_88] : memref<2x!tpu.dma_semaphore, #tpu.memory_space<semaphore_mem>> -> memref<1x!tpu.dma_semaphore, #tpu.memory_space<semaphore_mem>>
    %dma_start3A_104 = tpu.memref_squeeze %dma_start3A_103 : memref<1x!tpu.dma_semaphore, #tpu.memory_space<semaphore_mem>> -> memref<!tpu.dma_semaphore, #tpu.memory_space<semaphore_mem>>
    tpu.enqueue_indirect_dma source(%dma_start3A_102 : memref<100000x128xf32, #tpu.memory_space<hbm>>) target(%dma_start3A_92 : memref<80x128xf32, #tpu.memory_space<vmem>>) offsets(%dma_start3A_99 : memref<80xi32, #tpu.memory_space<vmem>>) semaphore(%dma_start3A_104 : memref<!tpu.dma_semaphore, #tpu.memory_space<semaphore_mem>>)
    %scan3A = arith.constant 0 : i32
    %scan3A_105 = arith.constant 40 : i32
    %scan3A_106 = arith.addi %scan3A, %scan3A_105 : i32
    %scan3A_107 = arith.constant 1 : i32
    scf.for %scan3A_152 = %scan3A to %scan3A_106 step %scan3A_107  : i32 {
      %mul3A_153 = arith.constant 2 : i32
      %mul3A_154 = arith.muli %scan3A_152, %mul3A_153 : i32
      %add3A_155 = arith.constant 1 : i32
      %add3A_156 = arith.addi %mul3A_154, %add3A_155 : i32
      %mul3A_157 = arith.constant 80 : i32
      %mul3A_158 = arith.muli %add3A, %mul3A_157 : i32
      %add3A_159 = arith.addi %mul3A_158, %add3A_156 : i32
      %run_scoped3A_160 = arith.constant 1 : i32
      "tpu.region"() ({
        %run_scoped3A_285 = tpu.sem_alloc : memref<!tpu.dma_semaphore, #tpu.memory_space<semaphore_mem>>
        %dma_start3A_286 = arith.constant 0 : i32
        %dma_start3A_287 = arith.constant 0 : i32
        %dma_start3A_288 = tpu.memref_slice %arg8[%run_scoped3A_160, %dma_start3A_286, %dma_start3A_287] : memref<2x1x80xi32, #tpu.memory_space<vmem>> -> memref<1x1x80xi32, #tpu.memory_space<vmem>>
        %dma_start3A_289 = tpu.memref_squeeze %dma_start3A_288 : memref<1x1x80xi32, #tpu.memory_space<vmem>> -> memref<1x80xi32, #tpu.memory_space<vmem>>
        %dma_start3A_290 = arith.constant 0 : i32
        %dma_start3A_291 = tpu.memref_slice %arg2[%add3A_159, %dma_start3A_290] : memref<2560x80xi32, #tpu.memory_space<hbm>> -> memref<1x80xi32, #tpu.memory_space<hbm>>
        %dma_start3A_292 = arith.constant 0 : i32
        %dma_start3A_293 = arith.constant 0 : i32
        %dma_start3A_294 = tpu.memref_slice %arg8[%run_scoped3A_160, %dma_start3A_292, %dma_start3A_293] : memref<2x1x80xi32, #tpu.memory_space<vmem>> -> memref<1x1x80xi32, #tpu.memory_space<vmem>>
        %dma_start3A_295 = tpu.memref_squeeze %dma_start3A_294 : memref<1x1x80xi32, #tpu.memory_space<vmem>> -> memref<1x80xi32, #tpu.memory_space<vmem>>
        %dma_start3A_296 = arith.constant 0 : i32
        %dma_start3A_297 = tpu.memref_slice %arg2[%add3A_159, %dma_start3A_296] : memref<2560x80xi32, #tpu.memory_space<hbm>> -> memref<1x80xi32, #tpu.memory_space<hbm>>
        tpu.enqueue_dma source(%dma_start3A_297 : memref<1x80xi32, #tpu.memory_space<hbm>>) target(%dma_start3A_295 : memref<1x80xi32, #tpu.memory_space<vmem>>) target_semaphore(%run_scoped3A_285 : memref<!tpu.dma_semaphore, #tpu.memory_space<semaphore_mem>>)
        %dma_wait3A_298 = arith.constant 0 : i32
        %dma_wait3A_299 = arith.constant 0 : i32
        %dma_wait3A_300 = tpu.memref_slice %arg8[%run_scoped3A_160, %dma_wait3A_298, %dma_wait3A_299] : memref<2x1x80xi32, #tpu.memory_space<vmem>> -> memref<1x1x80xi32, #tpu.memory_space<vmem>>
        %dma_wait3A_301 = tpu.memref_squeeze %dma_wait3A_300 : memref<1x1x80xi32, #tpu.memory_space<vmem>> -> memref<1x80xi32, #tpu.memory_space<vmem>>
        %dma_wait3A_302 = arith.constant 0 : i32
        %dma_wait3A_303 = tpu.memref_slice %arg2[%add3A_159, %dma_wait3A_302] : memref<2560x80xi32, #tpu.memory_space<hbm>> -> memref<1x80xi32, #tpu.memory_space<hbm>>
        %dma_wait3A_304 = arith.constant 0 : i32
        %dma_wait3A_305 = arith.constant 0 : i32
        %dma_wait3A_306 = tpu.memref_slice %arg8[%run_scoped3A_160, %dma_wait3A_304, %dma_wait3A_305] : memref<2x1x80xi32, #tpu.memory_space<vmem>> -> memref<1x1x80xi32, #tpu.memory_space<vmem>>
        %dma_wait3A_307 = tpu.memref_squeeze %dma_wait3A_306 : memref<1x1x80xi32, #tpu.memory_space<vmem>> -> memref<1x80xi32, #tpu.memory_space<vmem>>
        %dma_wait3A_308 = arith.constant 0 : i32
        %dma_wait3A_309 = tpu.memref_slice %arg2[%add3A_159, %dma_wait3A_308] : memref<2560x80xi32, #tpu.memory_space<hbm>> -> memref<1x80xi32, #tpu.memory_space<hbm>>
        tpu.wait_dma2 semaphore(%run_scoped3A_285 : memref<!tpu.dma_semaphore, #tpu.memory_space<semaphore_mem>>) src(%dma_wait3A_309 : memref<1x80xi32, #tpu.memory_space<hbm>>) dst(%dma_wait3A_307 : memref<1x80xi32, #tpu.memory_space<vmem>>)
        tpu.yield
      }) : () -> ()
      %mul3A_161 = arith.constant 80 : i32
      %mul3A_162 = arith.muli %add3A_159, %mul3A_161 : i32
      "tpu.region"() ({
        %run_scoped3A_285 = tpu.sem_alloc : memref<!tpu.dma_semaphore, #tpu.memory_space<semaphore_mem>>
        %dma_start3A_286 = arith.constant 80 : i32
        %dma_start3A_287 = tpu.memref_slice %arg9[%dma_start3A_286] : memref<176xi32, #tpu.memory_space<vmem>> -> memref<80xi32, #tpu.memory_space<vmem>>
        %dma_start3A_288 = tpu.memref_slice %arg3[%mul3A_162] : memref<204800xi32, #tpu.memory_space<hbm>> -> memref<80xi32, #tpu.memory_space<hbm>>
        %dma_start3A_289 = arith.constant 80 : i32
        %dma_start3A_290 = tpu.memref_slice %arg9[%dma_start3A_289] : memref<176xi32, #tpu.memory_space<vmem>> -> memref<80xi32, #tpu.memory_space<vmem>>
        %dma_start3A_291 = tpu.memref_slice %arg3[%mul3A_162] : memref<204800xi32, #tpu.memory_space<hbm>> -> memref<80xi32, #tpu.memory_space<hbm>>
        tpu.enqueue_dma source(%dma_start3A_291 : memref<80xi32, #tpu.memory_space<hbm>>) target(%dma_start3A_290 : memref<80xi32, #tpu.memory_space<vmem>>) target_semaphore(%run_scoped3A_285 : memref<!tpu.dma_semaphore, #tpu.memory_space<semaphore_mem>>)
        %dma_wait3A_292 = arith.constant 80 : i32
        %dma_wait3A_293 = tpu.memref_slice %arg9[%dma_wait3A_292] : memref<176xi32, #tpu.memory_space<vmem>> -> memref<80xi32, #tpu.memory_space<vmem>>
        %dma_wait3A_294 = tpu.memref_slice %arg3[%mul3A_162] : memref<204800xi32, #tpu.memory_space<hbm>> -> memref<80xi32, #tpu.memory_space<hbm>>
        %dma_wait3A_295 = arith.constant 80 : i32
        %dma_wait3A_296 = tpu.memref_slice %arg9[%dma_wait3A_295] : memref<176xi32, #tpu.memory_space<vmem>> -> memref<80xi32, #tpu.memory_space<vmem>>
        %dma_wait3A_297 = tpu.memref_slice %arg3[%mul3A_162] : memref<204800xi32, #tpu.memory_space<hbm>> -> memref<80xi32, #tpu.memory_space<hbm>>
        tpu.wait_dma2 semaphore(%run_scoped3A_285 : memref<!tpu.dma_semaphore, #tpu.memory_space<semaphore_mem>>) src(%dma_wait3A_297 : memref<80xi32, #tpu.memory_space<hbm>>) dst(%dma_wait3A_296 : memref<80xi32, #tpu.memory_space<vmem>>)
        tpu.yield
      }) : () -> ()
      %dma_start3A_163 = arith.constant 1 : i32
      %dma_start3A_164 = arith.constant 0 : i32
      %dma_start3A_165 = arith.constant 1 : i32
      %dma_start3A_166 = arith.constant 1 : i32
      %dma_start3A_167 = arith.constant 0 : i32
      %dma_start3A_168 = arith.constant 0 : i32
      %dma_start3A_169 = tpu.memref_slice %arg10[%dma_start3A_165, %dma_start3A_167, %dma_start3A_168] : memref<2x80x128xf32, #tpu.memory_space<vmem>> -> memref<1x80x128xf32, #tpu.memory_space<vmem>>
      %dma_start3A_170 = tpu.memref_squeeze %dma_start3A_169 : memref<1x80x128xf32, #tpu.memory_space<vmem>> -> memref<80x128xf32, #tpu.memory_space<vmem>>
      %dma_start3A_171 = arith.constant 0 : i32
      %dma_start3A_172 = arith.constant 0 : i32
      %dma_start3A_173 = tpu.memref_slice %arg8[%dma_start3A_163, %dma_start3A_171, %dma_start3A_172] : memref<2x1x80xi32, #tpu.memory_space<vmem>> -> memref<1x1x80xi32, #tpu.memory_space<vmem>>
      %dma_start3A_174 = tpu.memref_squeeze %dma_start3A_173 : memref<1x1x80xi32, #tpu.memory_space<vmem>> -> memref<1x80xi32, #tpu.memory_space<vmem>>
      %dma_start3A_175 = arith.constant 0 : i32
      %dma_start3A_176 = tpu.memref_slice %dma_start3A_174[%dma_start3A_164, %dma_start3A_175] : memref<1x80xi32, #tpu.memory_space<vmem>> -> memref<1x80xi32, #tpu.memory_space<vmem>>
      %dma_start3A_177 = tpu.memref_squeeze %dma_start3A_176 : memref<1x80xi32, #tpu.memory_space<vmem>> -> memref<80xi32, #tpu.memory_space<vmem>>
      %dma_start3A_178 = arith.constant 0 : i32
      %dma_start3A_179 = arith.constant 0 : i32
      %dma_start3A_180 = tpu.memref_slice %arg4[%dma_start3A_178, %dma_start3A_179] : memref<100000x128xf32, #tpu.memory_space<hbm>> -> memref<100000x128xf32, #tpu.memory_space<hbm>>
      %dma_start3A_181 = tpu.memref_slice %arg14[%dma_start3A_166] : memref<2x!tpu.dma_semaphore, #tpu.memory_space<semaphore_mem>> -> memref<1x!tpu.dma_semaphore, #tpu.memory_space<semaphore_mem>>
      %dma_start3A_182 = tpu.memref_squeeze %dma_start3A_181 : memref<1x!tpu.dma_semaphore, #tpu.memory_space<semaphore_mem>> -> memref<!tpu.dma_semaphore, #tpu.memory_space<semaphore_mem>>
      tpu.enqueue_indirect_dma source(%dma_start3A_180 : memref<100000x128xf32, #tpu.memory_space<hbm>>) target(%dma_start3A_170 : memref<80x128xf32, #tpu.memory_space<vmem>>) offsets(%dma_start3A_177 : memref<80xi32, #tpu.memory_space<vmem>>) semaphore(%dma_start3A_182 : memref<!tpu.dma_semaphore, #tpu.memory_space<semaphore_mem>>)
      %gt3A = arith.constant 0 : i32
      %gt3A_183 = arith.cmpi sgt, %scan3A_152, %gt3A : i32
      %convert_element_type3A = arith.extui %gt3A_183 : i1 to i32
      %cond3A = arith.constant 0 : i32
      %cond3A_184 = arith.cmpi ne, %convert_element_type3A, %cond3A : i32
      scf.if %cond3A_184 {
        %sub3A = arith.constant 2 : i32
        %sub3A_285 = arith.subi %mul3A_154, %sub3A : i32
        %mul3A_286 = arith.constant 80 : i32
        %mul3A_287 = arith.muli %add3A, %mul3A_286 : i32
        %add3A_288 = arith.addi %mul3A_287, %sub3A_285 : i32
        %mul3A_289 = arith.constant 80 : i32
        %mul3A_290 = arith.muli %add3A_288, %mul3A_289 : i32
        %dma_wait3A_291 = arith.constant 0 : i32
        %dma_wait3A_292 = arith.constant 0 : i32
        %dma_wait3A_293 = arith.constant 0 : i32
        %dma_wait3A_294 = arith.constant 0 : i32
        %dma_wait3A_295 = tpu.memref_slice %arg11[%dma_wait3A_291, %dma_wait3A_293, %dma_wait3A_294] : memref<2x80x128xf32, #tpu.memory_space<vmem>> -> memref<1x80x128xf32, #tpu.memory_space<vmem>>
        %dma_wait3A_296 = tpu.memref_squeeze %dma_wait3A_295 : memref<1x80x128xf32, #tpu.memory_space<vmem>> -> memref<80x128xf32, #tpu.memory_space<vmem>>
        %dma_wait3A_297 = arith.constant 0 : i32
        %dma_wait3A_298 = tpu.memref_slice %arg7[%mul3A_290, %dma_wait3A_297] : memref<204800x128xf32, #tpu.memory_space<hbm>> -> memref<80x128xf32, #tpu.memory_space<hbm>>
        %dma_wait3A_299 = tpu.memref_slice %arg15[%dma_wait3A_292] : memref<2x!tpu.dma_semaphore, #tpu.memory_space<semaphore_mem>> -> memref<1x!tpu.dma_semaphore, #tpu.memory_space<semaphore_mem>>
        %dma_wait3A_300 = tpu.memref_squeeze %dma_wait3A_299 : memref<1x!tpu.dma_semaphore, #tpu.memory_space<semaphore_mem>> -> memref<!tpu.dma_semaphore, #tpu.memory_space<semaphore_mem>>
        %dma_wait3A_301 = arith.constant 0 : i32
        %dma_wait3A_302 = tpu.memref_slice %arg7[%mul3A_290, %dma_wait3A_301] : memref<204800x128xf32, #tpu.memory_space<hbm>> -> memref<80x128xf32, #tpu.memory_space<hbm>>
        %dma_wait3A_303 = arith.constant 0 : i32
        %dma_wait3A_304 = arith.constant 0 : i32
        %dma_wait3A_305 = tpu.memref_slice %arg11[%dma_wait3A_291, %dma_wait3A_303, %dma_wait3A_304] : memref<2x80x128xf32, #tpu.memory_space<vmem>> -> memref<1x80x128xf32, #tpu.memory_space<vmem>>
        %dma_wait3A_306 = tpu.memref_squeeze %dma_wait3A_305 : memref<1x80x128xf32, #tpu.memory_space<vmem>> -> memref<80x128xf32, #tpu.memory_space<vmem>>
        tpu.wait_dma2 semaphore(%dma_wait3A_300 : memref<!tpu.dma_semaphore, #tpu.memory_space<semaphore_mem>>) src(%dma_wait3A_306 : memref<80x128xf32, #tpu.memory_space<vmem>>) dst(%dma_wait3A_302 : memref<80x128xf32, #tpu.memory_space<hbm>>)
      } else {
      }
      %mul3A_185 = arith.constant 80 : i32
      %mul3A_186 = arith.muli %add3A, %mul3A_185 : i32
      %add3A_187 = arith.addi %mul3A_186, %mul3A_154 : i32
      %mul3A_188 = arith.constant 80 : i32
      %mul3A_189 = arith.muli %add3A_187, %mul3A_188 : i32
      %dma_wait3A_190 = arith.constant 0 : i32
      %dma_wait3A_191 = arith.constant 0 : i32
      %dma_wait3A_192 = arith.constant 0 : i32
      %dma_wait3A_193 = arith.constant 0 : i32
      %dma_wait3A_194 = arith.constant 0 : i32
      %dma_wait3A_195 = arith.constant 0 : i32
      %dma_wait3A_196 = tpu.memref_slice %arg10[%dma_wait3A_192, %dma_wait3A_194, %dma_wait3A_195] : memref<2x80x128xf32, #tpu.memory_space<vmem>> -> memref<1x80x128xf32, #tpu.memory_space<vmem>>
      %dma_wait3A_197 = tpu.memref_squeeze %dma_wait3A_196 : memref<1x80x128xf32, #tpu.memory_space<vmem>> -> memref<80x128xf32, #tpu.memory_space<vmem>>
      %dma_wait3A_198 = arith.constant 0 : i32
      %dma_wait3A_199 = arith.constant 0 : i32
      %dma_wait3A_200 = tpu.memref_slice %arg8[%dma_wait3A_190, %dma_wait3A_198, %dma_wait3A_199] : memref<2x1x80xi32, #tpu.memory_space<vmem>> -> memref<1x1x80xi32, #tpu.memory_space<vmem>>
      %dma_wait3A_201 = tpu.memref_squeeze %dma_wait3A_200 : memref<1x1x80xi32, #tpu.memory_space<vmem>> -> memref<1x80xi32, #tpu.memory_space<vmem>>
      %dma_wait3A_202 = arith.constant 0 : i32
      %dma_wait3A_203 = tpu.memref_slice %dma_wait3A_201[%dma_wait3A_191, %dma_wait3A_202] : memref<1x80xi32, #tpu.memory_space<vmem>> -> memref<1x80xi32, #tpu.memory_space<vmem>>
      %dma_wait3A_204 = tpu.memref_squeeze %dma_wait3A_203 : memref<1x80xi32, #tpu.memory_space<vmem>> -> memref<80xi32, #tpu.memory_space<vmem>>
      %dma_wait3A_205 = arith.constant 0 : i32
      %dma_wait3A_206 = arith.constant 0 : i32
      %dma_wait3A_207 = tpu.memref_slice %arg4[%dma_wait3A_205, %dma_wait3A_206] : memref<100000x128xf32, #tpu.memory_space<hbm>> -> memref<100000x128xf32, #tpu.memory_space<hbm>>
      %dma_wait3A_208 = tpu.memref_slice %arg14[%dma_wait3A_193] : memref<2x!tpu.dma_semaphore, #tpu.memory_space<semaphore_mem>> -> memref<1x!tpu.dma_semaphore, #tpu.memory_space<semaphore_mem>>
      %dma_wait3A_209 = tpu.memref_squeeze %dma_wait3A_208 : memref<1x!tpu.dma_semaphore, #tpu.memory_space<semaphore_mem>> -> memref<!tpu.dma_semaphore, #tpu.memory_space<semaphore_mem>>
      tpu.wait_indirect_dma semaphore(%dma_wait3A_209 : memref<!tpu.dma_semaphore, #tpu.memory_space<semaphore_mem>>) src(%dma_wait3A_207 : memref<100000x128xf32, #tpu.memory_space<hbm>>) dst(%dma_wait3A_197 : memref<80x128xf32, #tpu.memory_space<vmem>>)
      %parallel_loop3A = arith.constant 0 : i32
      %parallel_loop3A_210 = arith.constant 80 : i32
      %parallel_loop3A_211 = arith.constant 1 : i32
      scf.for %parallel_loop3A_285 = %parallel_loop3A to %parallel_loop3A_210 step %parallel_loop3A_211  : i32 {
        %parallel_loop3A_286 = arith.addi %mul3A_189, %parallel_loop3A_285 : i32
        %parallel_loop3A_287 = arith.constant 200 : i32
        %parallel_loop3A_288 = arith.remsi %parallel_loop3A_286, %parallel_loop3A_287 : i32
        %parallel_loop3A_289 = arith.constant 0 : i32
        %parallel_loop3A_290 = arith.addi %parallel_loop3A_289, %parallel_loop3A_285 : i32
        %parallel_loop3A_291 = arith.index_cast %parallel_loop3A_290 : i32 to index
        %parallel_loop3A_292 = tpu.vector_load %arg9[%parallel_loop3A_291] {strides = array<i32>} : memref<176xi32, #tpu.memory_space<vmem>>, vector<16xi32>,
        %parallel_loop3A_293 = vector.shape_cast %parallel_loop3A_292 : vector<16xi32> to vector<16xi32>
        %parallel_loop3A_294 = vector.extract_strided_slice %parallel_loop3A_293 {offsets = [0], sizes = [1], strides = [1]} : vector<16xi32> to vector<1xi32>
        %parallel_loop3A_295 = vector.extract %parallel_loop3A_294[0] : i32 from vector<1xi32>
        %parallel_loop3A_296 = arith.constant 1 : i32
        %parallel_loop3A_297 = arith.cmpi eq, %parallel_loop3A_295, %parallel_loop3A_296 : i32
        %parallel_loop3A_298 = arith.constant 2 : i32
        %parallel_loop3A_299 = arith.cmpi eq, %parallel_loop3A_295, %parallel_loop3A_298 : i32
        %parallel_loop3A_300 = arith.constant 0.000000e+00 : f32
        %parallel_loop3A_301 = vector.broadcast %parallel_loop3A_300 : f32 to vector<16xf32>
        %parallel_loop3A_302 = arith.constant 0 : i32
        %parallel_loop3A_303 = arith.index_cast %parallel_loop3A_302 : i32 to index
        %parallel_loop3A_304 = arith.index_cast %parallel_loop3A_285 : i32 to index
        %parallel_loop3A_305 = arith.constant 0 : index
        %parallel_loop3A_306 = tpu.vector_load %arg10[%parallel_loop3A_303, %parallel_loop3A_304, %parallel_loop3A_305] {strides = array<i32>} : memref<2x80x128xf32, #tpu.memory_space<vmem>>, vector<1x1x16xf32>,
        %parallel_loop3A_307 = vector.shape_cast %parallel_loop3A_306 : vector<1x1x16xf32> to vector<16xf32>
        %parallel_loop3A_308 = arith.index_cast %parallel_loop3A_288 : i32 to index
        %parallel_loop3A_309 = arith.constant 0 : index
        %parallel_loop3A_310 = tpu.vector_load %arg12[%parallel_loop3A_308, %parallel_loop3A_309] {strides = array<i32>} : memref<208x128xf32, #tpu.memory_space<vmem>>, vector<1x16xf32>,
        %parallel_loop3A_311 = vector.shape_cast %parallel_loop3A_310 : vector<1x16xf32> to vector<16xf32>
        %parallel_loop3A_312 = arith.select %parallel_loop3A_299, %get3A_44, %parallel_loop3A_301 : vector<16xf32>
        %parallel_loop3A_313 = arith.select %parallel_loop3A_297, %get3A_4, %parallel_loop3A_312 : vector<16xf32>
        %parallel_loop3A_314 = arith.addf %parallel_loop3A_307, %parallel_loop3A_311 : vector<16xf32>
        %parallel_loop3A_315 = arith.addf %parallel_loop3A_314, %parallel_loop3A_313 : vector<16xf32>
        %parallel_loop3A_316 = arith.constant 0 : i32
        %parallel_loop3A_317 = arith.index_cast %parallel_loop3A_316 : i32 to index
        %parallel_loop3A_318 = arith.index_cast %parallel_loop3A_285 : i32 to index
        %parallel_loop3A_319 = arith.constant 0 : index
        %parallel_loop3A_320 = tpu.vector_load %arg11[%parallel_loop3A_317, %parallel_loop3A_318, %parallel_loop3A_319] {strides = array<i32>} : memref<2x80x128xf32, #tpu.memory_space<vmem>>, vector<1x1x16xf32>,
        %parallel_loop3A_321 = vector.shape_cast %parallel_loop3A_320 : vector<1x1x16xf32> to vector<16xf32>
        %parallel_loop3A_322 = vector.shape_cast %parallel_loop3A_315 : vector<16xf32> to vector<1x1x16xf32>
        tpu.vector_store %arg11[%parallel_loop3A_317, %parallel_loop3A_318, %parallel_loop3A_319], %parallel_loop3A_322 {strides = array<i32>} : memref<2x80x128xf32, #tpu.memory_space<vmem>>, vector<1x1x16xf32>,
        %parallel_loop3A_323 = arith.constant 0 : i32
        %parallel_loop3A_324 = arith.index_cast %parallel_loop3A_323 : i32 to index
        %parallel_loop3A_325 = arith.index_cast %parallel_loop3A_285 : i32 to index
        %parallel_loop3A_326 = arith.constant 16 : index
        %parallel_loop3A_327 = tpu.vector_load %arg10[%parallel_loop3A_324, %parallel_loop3A_325, %parallel_loop3A_326] {strides = array<i32>} : memref<2x80x128xf32, #tpu.memory_space<vmem>>, vector<1x1x16xf32>,
        %parallel_loop3A_328 = vector.shape_cast %parallel_loop3A_327 : vector<1x1x16xf32> to vector<16xf32>
        %parallel_loop3A_329 = arith.index_cast %parallel_loop3A_288 : i32 to index
        %parallel_loop3A_330 = arith.constant 16 : index
        %parallel_loop3A_331 = tpu.vector_load %arg12[%parallel_loop3A_329, %parallel_loop3A_330] {strides = array<i32>} : memref<208x128xf32, #tpu.memory_space<vmem>>, vector<1x16xf32>,
        %parallel_loop3A_332 = vector.shape_cast %parallel_loop3A_331 : vector<1x16xf32> to vector<16xf32>
        %parallel_loop3A_333 = arith.select %parallel_loop3A_299, %get3A_49, %parallel_loop3A_301 : vector<16xf32>
        %parallel_loop3A_334 = arith.select %parallel_loop3A_297, %get3A_9, %parallel_loop3A_333 : vector<16xf32>
        %parallel_loop3A_335 = arith.addf %parallel_loop3A_328, %parallel_loop3A_332 : vector<16xf32>
        %parallel_loop3A_336 = arith.addf %parallel_loop3A_335, %parallel_loop3A_334 : vector<16xf32>
        %parallel_loop3A_337 = arith.constant 0 : i32
        %parallel_loop3A_338 = arith.index_cast %parallel_loop3A_337 : i32 to index
        %parallel_loop3A_339 = arith.index_cast %parallel_loop3A_285 : i32 to index
        %parallel_loop3A_340 = arith.constant 16 : index
        %parallel_loop3A_341 = tpu.vector_load %arg11[%parallel_loop3A_338, %parallel_loop3A_339, %parallel_loop3A_340] {strides = array<i32>} : memref<2x80x128xf32, #tpu.memory_space<vmem>>, vector<1x1x16xf32>,
        %parallel_loop3A_342 = vector.shape_cast %parallel_loop3A_341 : vector<1x1x16xf32> to vector<16xf32>
        %parallel_loop3A_343 = vector.shape_cast %parallel_loop3A_336 : vector<16xf32> to vector<1x1x16xf32>
        tpu.vector_store %arg11[%parallel_loop3A_338, %parallel_loop3A_339, %parallel_loop3A_340], %parallel_loop3A_343 {strides = array<i32>} : memref<2x80x128xf32, #tpu.memory_space<vmem>>, vector<1x1x16xf32>,
        %parallel_loop3A_344 = arith.constant 0 : i32
        %parallel_loop3A_345 = arith.index_cast %parallel_loop3A_344 : i32 to index
        %parallel_loop3A_346 = arith.index_cast %parallel_loop3A_285 : i32 to index
        %parallel_loop3A_347 = arith.constant 32 : index
        %parallel_loop3A_348 = tpu.vector_load %arg10[%parallel_loop3A_345, %parallel_loop3A_346, %parallel_loop3A_347] {strides = array<i32>} : memref<2x80x128xf32, #tpu.memory_space<vmem>>, vector<1x1x16xf32>,
        %parallel_loop3A_349 = vector.shape_cast %parallel_loop3A_348 : vector<1x1x16xf32> to vector<16xf32>
        %parallel_loop3A_350 = arith.index_cast %parallel_loop3A_288 : i32 to index
        %parallel_loop3A_351 = arith.constant 32 : index
        %parallel_loop3A_352 = tpu.vector_load %arg12[%parallel_loop3A_350, %parallel_loop3A_351] {strides = array<i32>} : memref<208x128xf32, #tpu.memory_space<vmem>>, vector<1x16xf32>,
        %parallel_loop3A_353 = vector.shape_cast %parallel_loop3A_352 : vector<1x16xf32> to vector<16xf32>
        %parallel_loop3A_354 = arith.select %parallel_loop3A_299, %get3A_54, %parallel_loop3A_301 : vector<16xf32>
        %parallel_loop3A_355 = arith.select %parallel_loop3A_297, %get3A_14, %parallel_loop3A_354 : vector<16xf32>
        %parallel_loop3A_356 = arith.addf %parallel_loop3A_349, %parallel_loop3A_353 : vector<16xf32>
        %parallel_loop3A_357 = arith.addf %parallel_loop3A_356, %parallel_loop3A_355 : vector<16xf32>
        %parallel_loop3A_358 = arith.constant 0 : i32
        %parallel_loop3A_359 = arith.index_cast %parallel_loop3A_358 : i32 to index
        %parallel_loop3A_360 = arith.index_cast %parallel_loop3A_285 : i32 to index
        %parallel_loop3A_361 = arith.constant 32 : index
        %parallel_loop3A_362 = tpu.vector_load %arg11[%parallel_loop3A_359, %parallel_loop3A_360, %parallel_loop3A_361] {strides = array<i32>} : memref<2x80x128xf32, #tpu.memory_space<vmem>>, vector<1x1x16xf32>,
        %parallel_loop3A_363 = vector.shape_cast %parallel_loop3A_362 : vector<1x1x16xf32> to vector<16xf32>
        %parallel_loop3A_364 = vector.shape_cast %parallel_loop3A_357 : vector<16xf32> to vector<1x1x16xf32>
        tpu.vector_store %arg11[%parallel_loop3A_359, %parallel_loop3A_360, %parallel_loop3A_361], %parallel_loop3A_364 {strides = array<i32>} : memref<2x80x128xf32, #tpu.memory_space<vmem>>, vector<1x1x16xf32>,
        %parallel_loop3A_365 = arith.constant 0 : i32
        %parallel_loop3A_366 = arith.index_cast %parallel_loop3A_365 : i32 to index
        %parallel_loop3A_367 = arith.index_cast %parallel_loop3A_285 : i32 to index
        %parallel_loop3A_368 = arith.constant 48 : index
        %parallel_loop3A_369 = tpu.vector_load %arg10[%parallel_loop3A_366, %parallel_loop3A_367, %parallel_loop3A_368] {strides = array<i32>} : memref<2x80x128xf32, #tpu.memory_space<vmem>>, vector<1x1x16xf32>,
        %parallel_loop3A_370 = vector.shape_cast %parallel_loop3A_369 : vector<1x1x16xf32> to vector<16xf32>
        %parallel_loop3A_371 = arith.index_cast %parallel_loop3A_288 : i32 to index
        %parallel_loop3A_372 = arith.constant 48 : index
        %parallel_loop3A_373 = tpu.vector_load %arg12[%parallel_loop3A_371, %parallel_loop3A_372] {strides = array<i32>} : memref<208x128xf32, #tpu.memory_space<vmem>>, vector<1x16xf32>,
        %parallel_loop3A_374 = vector.shape_cast %parallel_loop3A_373 : vector<1x16xf32> to vector<16xf32>
        %parallel_loop3A_375 = arith.select %parallel_loop3A_299, %get3A_59, %parallel_loop3A_301 : vector<16xf32>
        %parallel_loop3A_376 = arith.select %parallel_loop3A_297, %get3A_19, %parallel_loop3A_375 : vector<16xf32>
        %parallel_loop3A_377 = arith.addf %parallel_loop3A_370, %parallel_loop3A_374 : vector<16xf32>
        %parallel_loop3A_378 = arith.addf %parallel_loop3A_377, %parallel_loop3A_376 : vector<16xf32>
        %parallel_loop3A_379 = arith.constant 0 : i32
        %parallel_loop3A_380 = arith.index_cast %parallel_loop3A_379 : i32 to index
        %parallel_loop3A_381 = arith.index_cast %parallel_loop3A_285 : i32 to index
        %parallel_loop3A_382 = arith.constant 48 : index
        %parallel_loop3A_383 = tpu.vector_load %arg11[%parallel_loop3A_380, %parallel_loop3A_381, %parallel_loop3A_382] {strides = array<i32>} : memref<2x80x128xf32, #tpu.memory_space<vmem>>, vector<1x1x16xf32>,
        %parallel_loop3A_384 = vector.shape_cast %parallel_loop3A_383 : vector<1x1x16xf32> to vector<16xf32>
        %parallel_loop3A_385 = vector.shape_cast %parallel_loop3A_378 : vector<16xf32> to vector<1x1x16xf32>
        tpu.vector_store %arg11[%parallel_loop3A_380, %parallel_loop3A_381, %parallel_loop3A_382], %parallel_loop3A_385 {strides = array<i32>} : memref<2x80x128xf32, #tpu.memory_space<vmem>>, vector<1x1x16xf32>,
        %parallel_loop3A_386 = arith.constant 0 : i32
        %parallel_loop3A_387 = arith.index_cast %parallel_loop3A_386 : i32 to index
        %parallel_loop3A_388 = arith.index_cast %parallel_loop3A_285 : i32 to index
        %parallel_loop3A_389 = arith.constant 64 : index
        %parallel_loop3A_390 = tpu.vector_load %arg10[%parallel_loop3A_387, %parallel_loop3A_388, %parallel_loop3A_389] {strides = array<i32>} : memref<2x80x128xf32, #tpu.memory_space<vmem>>, vector<1x1x16xf32>,
        %parallel_loop3A_391 = vector.shape_cast %parallel_loop3A_390 : vector<1x1x16xf32> to vector<16xf32>
        %parallel_loop3A_392 = arith.index_cast %parallel_loop3A_288 : i32 to index
        %parallel_loop3A_393 = arith.constant 64 : index
        %parallel_loop3A_394 = tpu.vector_load %arg12[%parallel_loop3A_392, %parallel_loop3A_393] {strides = array<i32>} : memref<208x128xf32, #tpu.memory_space<vmem>>, vector<1x16xf32>,
        %parallel_loop3A_395 = vector.shape_cast %parallel_loop3A_394 : vector<1x16xf32> to vector<16xf32>
        %parallel_loop3A_396 = arith.select %parallel_loop3A_299, %get3A_64, %parallel_loop3A_301 : vector<16xf32>
        %parallel_loop3A_397 = arith.select %parallel_loop3A_297, %get3A_24, %parallel_loop3A_396 : vector<16xf32>
        %parallel_loop3A_398 = arith.addf %parallel_loop3A_391, %parallel_loop3A_395 : vector<16xf32>
        %parallel_loop3A_399 = arith.addf %parallel_loop3A_398, %parallel_loop3A_397 : vector<16xf32>
        %parallel_loop3A_400 = arith.constant 0 : i32
        %parallel_loop3A_401 = arith.index_cast %parallel_loop3A_400 : i32 to index
        %parallel_loop3A_402 = arith.index_cast %parallel_loop3A_285 : i32 to index
        %parallel_loop3A_403 = arith.constant 64 : index
        %parallel_loop3A_404 = tpu.vector_load %arg11[%parallel_loop3A_401, %parallel_loop3A_402, %parallel_loop3A_403] {strides = array<i32>} : memref<2x80x128xf32, #tpu.memory_space<vmem>>, vector<1x1x16xf32>,
        %parallel_loop3A_405 = vector.shape_cast %parallel_loop3A_404 : vector<1x1x16xf32> to vector<16xf32>
        %parallel_loop3A_406 = vector.shape_cast %parallel_loop3A_399 : vector<16xf32> to vector<1x1x16xf32>
        tpu.vector_store %arg11[%parallel_loop3A_401, %parallel_loop3A_402, %parallel_loop3A_403], %parallel_loop3A_406 {strides = array<i32>} : memref<2x80x128xf32, #tpu.memory_space<vmem>>, vector<1x1x16xf32>,
        %parallel_loop3A_407 = arith.constant 0 : i32
        %parallel_loop3A_408 = arith.index_cast %parallel_loop3A_407 : i32 to index
        %parallel_loop3A_409 = arith.index_cast %parallel_loop3A_285 : i32 to index
        %parallel_loop3A_410 = arith.constant 80 : index
        %parallel_loop3A_411 = tpu.vector_load %arg10[%parallel_loop3A_408, %parallel_loop3A_409, %parallel_loop3A_410] {strides = array<i32>} : memref<2x80x128xf32, #tpu.memory_space<vmem>>, vector<1x1x16xf32>,
        %parallel_loop3A_412 = vector.shape_cast %parallel_loop3A_411 : vector<1x1x16xf32> to vector<16xf32>
        %parallel_loop3A_413 = arith.index_cast %parallel_loop3A_288 : i32 to index
        %parallel_loop3A_414 = arith.constant 80 : index
        %parallel_loop3A_415 = tpu.vector_load %arg12[%parallel_loop3A_413, %parallel_loop3A_414] {strides = array<i32>} : memref<208x128xf32, #tpu.memory_space<vmem>>, vector<1x16xf32>,
        %parallel_loop3A_416 = vector.shape_cast %parallel_loop3A_415 : vector<1x16xf32> to vector<16xf32>
        %parallel_loop3A_417 = arith.select %parallel_loop3A_299, %get3A_69, %parallel_loop3A_301 : vector<16xf32>
        %parallel_loop3A_418 = arith.select %parallel_loop3A_297, %get3A_29, %parallel_loop3A_417 : vector<16xf32>
        %parallel_loop3A_419 = arith.addf %parallel_loop3A_412, %parallel_loop3A_416 : vector<16xf32>
        %parallel_loop3A_420 = arith.addf %parallel_loop3A_419, %parallel_loop3A_418 : vector<16xf32>
        %parallel_loop3A_421 = arith.constant 0 : i32
        %parallel_loop3A_422 = arith.index_cast %parallel_loop3A_421 : i32 to index
        %parallel_loop3A_423 = arith.index_cast %parallel_loop3A_285 : i32 to index
        %parallel_loop3A_424 = arith.constant 80 : index
        %parallel_loop3A_425 = tpu.vector_load %arg11[%parallel_loop3A_422, %parallel_loop3A_423, %parallel_loop3A_424] {strides = array<i32>} : memref<2x80x128xf32, #tpu.memory_space<vmem>>, vector<1x1x16xf32>,
        %parallel_loop3A_426 = vector.shape_cast %parallel_loop3A_425 : vector<1x1x16xf32> to vector<16xf32>
        %parallel_loop3A_427 = vector.shape_cast %parallel_loop3A_420 : vector<16xf32> to vector<1x1x16xf32>
        tpu.vector_store %arg11[%parallel_loop3A_422, %parallel_loop3A_423, %parallel_loop3A_424], %parallel_loop3A_427 {strides = array<i32>} : memref<2x80x128xf32, #tpu.memory_space<vmem>>, vector<1x1x16xf32>,
        %parallel_loop3A_428 = arith.constant 0 : i32
        %parallel_loop3A_429 = arith.index_cast %parallel_loop3A_428 : i32 to index
        %parallel_loop3A_430 = arith.index_cast %parallel_loop3A_285 : i32 to index
        %parallel_loop3A_431 = arith.constant 96 : index
        %parallel_loop3A_432 = tpu.vector_load %arg10[%parallel_loop3A_429, %parallel_loop3A_430, %parallel_loop3A_431] {strides = array<i32>} : memref<2x80x128xf32, #tpu.memory_space<vmem>>, vector<1x1x16xf32>,
        %parallel_loop3A_433 = vector.shape_cast %parallel_loop3A_432 : vector<1x1x16xf32> to vector<16xf32>
        %parallel_loop3A_434 = arith.index_cast %parallel_loop3A_288 : i32 to index
        %parallel_loop3A_435 = arith.constant 96 : index
        %parallel_loop3A_436 = tpu.vector_load %arg12[%parallel_loop3A_434, %parallel_loop3A_435] {strides = array<i32>} : memref<208x128xf32, #tpu.memory_space<vmem>>, vector<1x16xf32>,
        %parallel_loop3A_437 = vector.shape_cast %parallel_loop3A_436 : vector<1x16xf32> to vector<16xf32>
        %parallel_loop3A_438 = arith.select %parallel_loop3A_299, %get3A_74, %parallel_loop3A_301 : vector<16xf32>
        %parallel_loop3A_439 = arith.select %parallel_loop3A_297, %get3A_34, %parallel_loop3A_438 : vector<16xf32>
        %parallel_loop3A_440 = arith.addf %parallel_loop3A_433, %parallel_loop3A_437 : vector<16xf32>
        %parallel_loop3A_441 = arith.addf %parallel_loop3A_440, %parallel_loop3A_439 : vector<16xf32>
        %parallel_loop3A_442 = arith.constant 0 : i32
        %parallel_loop3A_443 = arith.index_cast %parallel_loop3A_442 : i32 to index
        %parallel_loop3A_444 = arith.index_cast %parallel_loop3A_285 : i32 to index
        %parallel_loop3A_445 = arith.constant 96 : index
        %parallel_loop3A_446 = tpu.vector_load %arg11[%parallel_loop3A_443, %parallel_loop3A_444, %parallel_loop3A_445] {strides = array<i32>} : memref<2x80x128xf32, #tpu.memory_space<vmem>>, vector<1x1x16xf32>,
        %parallel_loop3A_447 = vector.shape_cast %parallel_loop3A_446 : vector<1x1x16xf32> to vector<16xf32>
        %parallel_loop3A_448 = vector.shape_cast %parallel_loop3A_441 : vector<16xf32> to vector<1x1x16xf32>
        tpu.vector_store %arg11[%parallel_loop3A_443, %parallel_loop3A_444, %parallel_loop3A_445], %parallel_loop3A_448 {strides = array<i32>} : memref<2x80x128xf32, #tpu.memory_space<vmem>>, vector<1x1x16xf32>,
        %parallel_loop3A_449 = arith.constant 0 : i32
        %parallel_loop3A_450 = arith.index_cast %parallel_loop3A_449 : i32 to index
        %parallel_loop3A_451 = arith.index_cast %parallel_loop3A_285 : i32 to index
        %parallel_loop3A_452 = arith.constant 112 : index
        %parallel_loop3A_453 = tpu.vector_load %arg10[%parallel_loop3A_450, %parallel_loop3A_451, %parallel_loop3A_452] {strides = array<i32>} : memref<2x80x128xf32, #tpu.memory_space<vmem>>, vector<1x1x16xf32>,
        %parallel_loop3A_454 = vector.shape_cast %parallel_loop3A_453 : vector<1x1x16xf32> to vector<16xf32>
        %parallel_loop3A_455 = arith.index_cast %parallel_loop3A_288 : i32 to index
        %parallel_loop3A_456 = arith.constant 112 : index
        %parallel_loop3A_457 = tpu.vector_load %arg12[%parallel_loop3A_455, %parallel_loop3A_456] {strides = array<i32>} : memref<208x128xf32, #tpu.memory_space<vmem>>, vector<1x16xf32>,
        %parallel_loop3A_458 = vector.shape_cast %parallel_loop3A_457 : vector<1x16xf32> to vector<16xf32>
        %parallel_loop3A_459 = arith.select %parallel_loop3A_299, %get3A_79, %parallel_loop3A_301 : vector<16xf32>
        %parallel_loop3A_460 = arith.select %parallel_loop3A_297, %get3A_39, %parallel_loop3A_459 : vector<16xf32>
        %parallel_loop3A_461 = arith.addf %parallel_loop3A_454, %parallel_loop3A_458 : vector<16xf32>
        %parallel_loop3A_462 = arith.addf %parallel_loop3A_461, %parallel_loop3A_460 : vector<16xf32>
        %parallel_loop3A_463 = arith.constant 0 : i32
        %parallel_loop3A_464 = arith.index_cast %parallel_loop3A_463 : i32 to index
        %parallel_loop3A_465 = arith.index_cast %parallel_loop3A_285 : i32 to index
        %parallel_loop3A_466 = arith.constant 112 : index
        %parallel_loop3A_467 = tpu.vector_load %arg11[%parallel_loop3A_464, %parallel_loop3A_465, %parallel_loop3A_466] {strides = array<i32>} : memref<2x80x128xf32, #tpu.memory_space<vmem>>, vector<1x1x16xf32>,
        %parallel_loop3A_468 = vector.shape_cast %parallel_loop3A_467 : vector<1x1x16xf32> to vector<16xf32>
        %parallel_loop3A_469 = vector.shape_cast %parallel_loop3A_462 : vector<16xf32> to vector<1x1x16xf32>
        tpu.vector_store %arg11[%parallel_loop3A_464, %parallel_loop3A_465, %parallel_loop3A_466], %parallel_loop3A_469 {strides = array<i32>} : memref<2x80x128xf32, #tpu.memory_space<vmem>>, vector<1x1x16xf32>,
      } {sc.loop_unroll_factor = 16 : i64, sc.parallel_access}
      %dma_start3A_212 = arith.constant 0 : i32
      %dma_start3A_213 = arith.constant 0 : i32
      %dma_start3A_214 = arith.constant 0 : i32
      %dma_start3A_215 = arith.constant 0 : i32
      %dma_start3A_216 = tpu.memref_slice %arg11[%dma_start3A_212, %dma_start3A_214, %dma_start3A_215] : memref<2x80x128xf32, #tpu.memory_space<vmem>> -> memref<1x80x128xf32, #tpu.memory_space<vmem>>
      %dma_start3A_217 = tpu.memref_squeeze %dma_start3A_216 : memref<1x80x128xf32, #tpu.memory_space<vmem>> -> memref<80x128xf32, #tpu.memory_space<vmem>>
      %dma_start3A_218 = arith.constant 0 : i32
      %dma_start3A_219 = tpu.memref_slice %arg7[%mul3A_189, %dma_start3A_218] : memref<204800x128xf32, #tpu.memory_space<hbm>> -> memref<80x128xf32, #tpu.memory_space<hbm>>
      %dma_start3A_220 = tpu.memref_slice %arg15[%dma_start3A_213] : memref<2x!tpu.dma_semaphore, #tpu.memory_space<semaphore_mem>> -> memref<1x!tpu.dma_semaphore, #tpu.memory_space<semaphore_mem>>
      %dma_start3A_221 = tpu.memref_squeeze %dma_start3A_220 : memref<1x!tpu.dma_semaphore, #tpu.memory_space<semaphore_mem>> -> memref<!tpu.dma_semaphore, #tpu.memory_space<semaphore_mem>>
      %dma_start3A_222 = arith.constant 0 : i32
      %dma_start3A_223 = tpu.memref_slice %arg7[%mul3A_189, %dma_start3A_222] : memref<204800x128xf32, #tpu.memory_space<hbm>> -> memref<80x128xf32, #tpu.memory_space<hbm>>
      %dma_start3A_224 = arith.constant 0 : i32
      %dma_start3A_225 = arith.constant 0 : i32
      %dma_start3A_226 = tpu.memref_slice %arg11[%dma_start3A_212, %dma_start3A_224, %dma_start3A_225] : memref<2x80x128xf32, #tpu.memory_space<vmem>> -> memref<1x80x128xf32, #tpu.memory_space<vmem>>
      %dma_start3A_227 = tpu.memref_squeeze %dma_start3A_226 : memref<1x80x128xf32, #tpu.memory_space<vmem>> -> memref<80x128xf32, #tpu.memory_space<vmem>>
      tpu.enqueue_dma source(%dma_start3A_227 : memref<80x128xf32, #tpu.memory_space<vmem>>) target(%dma_start3A_223 : memref<80x128xf32, #tpu.memory_space<hbm>>) target_semaphore(%dma_start3A_221 : memref<!tpu.dma_semaphore, #tpu.memory_space<semaphore_mem>>)
      %add3A_228 = arith.constant 2 : i32
      %add3A_229 = arith.addi %mul3A_154, %add3A_228 : i32
      %lt3A = arith.constant 80 : i32
      %lt3A_230 = arith.cmpi slt, %add3A_229, %lt3A : i32
      %convert_element_type3A_231 = arith.extui %lt3A_230 : i1 to i32
      %cond3A_232 = arith.constant 0 : i32
      %cond3A_233 = arith.cmpi ne, %convert_element_type3A_231, %cond3A_232 : i32
      scf.if %cond3A_233 {
        %add3A_285 = arith.constant 2 : i32
        %add3A_286 = arith.addi %mul3A_154, %add3A_285 : i32
        %mul3A_287 = arith.constant 80 : i32
        %mul3A_288 = arith.muli %add3A, %mul3A_287 : i32
        %add3A_289 = arith.addi %mul3A_288, %add3A_286 : i32
        %run_scoped3A_290 = arith.constant 0 : i32
        "tpu.region"() ({
          %run_scoped3A_313 = tpu.sem_alloc : memref<!tpu.dma_semaphore, #tpu.memory_space<semaphore_mem>>
          %dma_start3A_314 = arith.constant 0 : i32
          %dma_start3A_315 = arith.constant 0 : i32
          %dma_start3A_316 = tpu.memref_slice %arg8[%run_scoped3A_290, %dma_start3A_314, %dma_start3A_315] : memref<2x1x80xi32, #tpu.memory_space<vmem>> -> memref<1x1x80xi32, #tpu.memory_space<vmem>>
          %dma_start3A_317 = tpu.memref_squeeze %dma_start3A_316 : memref<1x1x80xi32, #tpu.memory_space<vmem>> -> memref<1x80xi32, #tpu.memory_space<vmem>>
          %dma_start3A_318 = arith.constant 0 : i32
          %dma_start3A_319 = tpu.memref_slice %arg2[%add3A_289, %dma_start3A_318] : memref<2560x80xi32, #tpu.memory_space<hbm>> -> memref<1x80xi32, #tpu.memory_space<hbm>>
          %dma_start3A_320 = arith.constant 0 : i32
          %dma_start3A_321 = arith.constant 0 : i32
          %dma_start3A_322 = tpu.memref_slice %arg8[%run_scoped3A_290, %dma_start3A_320, %dma_start3A_321] : memref<2x1x80xi32, #tpu.memory_space<vmem>> -> memref<1x1x80xi32, #tpu.memory_space<vmem>>
          %dma_start3A_323 = tpu.memref_squeeze %dma_start3A_322 : memref<1x1x80xi32, #tpu.memory_space<vmem>> -> memref<1x80xi32, #tpu.memory_space<vmem>>
          %dma_start3A_324 = arith.constant 0 : i32
          %dma_start3A_325 = tpu.memref_slice %arg2[%add3A_289, %dma_start3A_324] : memref<2560x80xi32, #tpu.memory_space<hbm>> -> memref<1x80xi32, #tpu.memory_space<hbm>>
          tpu.enqueue_dma source(%dma_start3A_325 : memref<1x80xi32, #tpu.memory_space<hbm>>) target(%dma_start3A_323 : memref<1x80xi32, #tpu.memory_space<vmem>>) target_semaphore(%run_scoped3A_313 : memref<!tpu.dma_semaphore, #tpu.memory_space<semaphore_mem>>)
          %dma_wait3A_326 = arith.constant 0 : i32
          %dma_wait3A_327 = arith.constant 0 : i32
          %dma_wait3A_328 = tpu.memref_slice %arg8[%run_scoped3A_290, %dma_wait3A_326, %dma_wait3A_327] : memref<2x1x80xi32, #tpu.memory_space<vmem>> -> memref<1x1x80xi32, #tpu.memory_space<vmem>>
          %dma_wait3A_329 = tpu.memref_squeeze %dma_wait3A_328 : memref<1x1x80xi32, #tpu.memory_space<vmem>> -> memref<1x80xi32, #tpu.memory_space<vmem>>
          %dma_wait3A_330 = arith.constant 0 : i32
          %dma_wait3A_331 = tpu.memref_slice %arg2[%add3A_289, %dma_wait3A_330] : memref<2560x80xi32, #tpu.memory_space<hbm>> -> memref<1x80xi32, #tpu.memory_space<hbm>>
          %dma_wait3A_332 = arith.constant 0 : i32
          %dma_wait3A_333 = arith.constant 0 : i32
          %dma_wait3A_334 = tpu.memref_slice %arg8[%run_scoped3A_290, %dma_wait3A_332, %dma_wait3A_333] : memref<2x1x80xi32, #tpu.memory_space<vmem>> -> memref<1x1x80xi32, #tpu.memory_space<vmem>>
          %dma_wait3A_335 = tpu.memref_squeeze %dma_wait3A_334 : memref<1x1x80xi32, #tpu.memory_space<vmem>> -> memref<1x80xi32, #tpu.memory_space<vmem>>
          %dma_wait3A_336 = arith.constant 0 : i32
          %dma_wait3A_337 = tpu.memref_slice %arg2[%add3A_289, %dma_wait3A_336] : memref<2560x80xi32, #tpu.memory_space<hbm>> -> memref<1x80xi32, #tpu.memory_space<hbm>>
          tpu.wait_dma2 semaphore(%run_scoped3A_313 : memref<!tpu.dma_semaphore, #tpu.memory_space<semaphore_mem>>) src(%dma_wait3A_337 : memref<1x80xi32, #tpu.memory_space<hbm>>) dst(%dma_wait3A_335 : memref<1x80xi32, #tpu.memory_space<vmem>>)
          tpu.yield
        }) : () -> ()
        %mul3A_291 = arith.constant 80 : i32
        %mul3A_292 = arith.muli %add3A_289, %mul3A_291 : i32
        "tpu.region"() ({
          %run_scoped3A_313 = tpu.sem_alloc : memref<!tpu.dma_semaphore, #tpu.memory_space<semaphore_mem>>
          %dma_start3A_314 = arith.constant 0 : i32
          %dma_start3A_315 = tpu.memref_slice %arg9[%dma_start3A_314] : memref<176xi32, #tpu.memory_space<vmem>> -> memref<80xi32, #tpu.memory_space<vmem>>
          %dma_start3A_316 = tpu.memref_slice %arg3[%mul3A_292] : memref<204800xi32, #tpu.memory_space<hbm>> -> memref<80xi32, #tpu.memory_space<hbm>>
          %dma_start3A_317 = arith.constant 0 : i32
          %dma_start3A_318 = tpu.memref_slice %arg9[%dma_start3A_317] : memref<176xi32, #tpu.memory_space<vmem>> -> memref<80xi32, #tpu.memory_space<vmem>>
          %dma_start3A_319 = tpu.memref_slice %arg3[%mul3A_292] : memref<204800xi32, #tpu.memory_space<hbm>> -> memref<80xi32, #tpu.memory_space<hbm>>
          tpu.enqueue_dma source(%dma_start3A_319 : memref<80xi32, #tpu.memory_space<hbm>>) target(%dma_start3A_318 : memref<80xi32, #tpu.memory_space<vmem>>) target_semaphore(%run_scoped3A_313 : memref<!tpu.dma_semaphore, #tpu.memory_space<semaphore_mem>>)
          %dma_wait3A_320 = arith.constant 0 : i32
          %dma_wait3A_321 = tpu.memref_slice %arg9[%dma_wait3A_320] : memref<176xi32, #tpu.memory_space<vmem>> -> memref<80xi32, #tpu.memory_space<vmem>>
          %dma_wait3A_322 = tpu.memref_slice %arg3[%mul3A_292] : memref<204800xi32, #tpu.memory_space<hbm>> -> memref<80xi32, #tpu.memory_space<hbm>>
          %dma_wait3A_323 = arith.constant 0 : i32
          %dma_wait3A_324 = tpu.memref_slice %arg9[%dma_wait3A_323] : memref<176xi32, #tpu.memory_space<vmem>> -> memref<80xi32, #tpu.memory_space<vmem>>
          %dma_wait3A_325 = tpu.memref_slice %arg3[%mul3A_292] : memref<204800xi32, #tpu.memory_space<hbm>> -> memref<80xi32, #tpu.memory_space<hbm>>
          tpu.wait_dma2 semaphore(%run_scoped3A_313 : memref<!tpu.dma_semaphore, #tpu.memory_space<semaphore_mem>>) src(%dma_wait3A_325 : memref<80xi32, #tpu.memory_space<hbm>>) dst(%dma_wait3A_324 : memref<80xi32, #tpu.memory_space<vmem>>)
          tpu.yield
        }) : () -> ()
        %dma_start3A_293 = arith.constant 0 : i32
        %dma_start3A_294 = arith.constant 0 : i32
        %dma_start3A_295 = arith.constant 0 : i32
        %dma_start3A_296 = arith.constant 0 : i32
        %dma_start3A_297 = arith.constant 0 : i32
        %dma_start3A_298 = arith.constant 0 : i32
        %dma_start3A_299 = tpu.memref_slice %arg10[%dma_start3A_295, %dma_start3A_297, %dma_start3A_298] : memref<2x80x128xf32, #tpu.memory_space<vmem>> -> memref<1x80x128xf32, #tpu.memory_space<vmem>>
        %dma_start3A_300 = tpu.memref_squeeze %dma_start3A_299 : memref<1x80x128xf32, #tpu.memory_space<vmem>> -> memref<80x128xf32, #tpu.memory_space<vmem>>
        %dma_start3A_301 = arith.constant 0 : i32
        %dma_start3A_302 = arith.constant 0 : i32
        %dma_start3A_303 = tpu.memref_slice %arg8[%dma_start3A_293, %dma_start3A_301, %dma_start3A_302] : memref<2x1x80xi32, #tpu.memory_space<vmem>> -> memref<1x1x80xi32, #tpu.memory_space<vmem>>
        %dma_start3A_304 = tpu.memref_squeeze %dma_start3A_303 : memref<1x1x80xi32, #tpu.memory_space<vmem>> -> memref<1x80xi32, #tpu.memory_space<vmem>>
        %dma_start3A_305 = arith.constant 0 : i32
        %dma_start3A_306 = tpu.memref_slice %dma_start3A_304[%dma_start3A_294, %dma_start3A_305] : memref<1x80xi32, #tpu.memory_space<vmem>> -> memref<1x80xi32, #tpu.memory_space<vmem>>
        %dma_start3A_307 = tpu.memref_squeeze %dma_start3A_306 : memref<1x80xi32, #tpu.memory_space<vmem>> -> memref<80xi32, #tpu.memory_space<vmem>>
        %dma_start3A_308 = arith.constant 0 : i32
        %dma_start3A_309 = arith.constant 0 : i32
        %dma_start3A_310 = tpu.memref_slice %arg4[%dma_start3A_308, %dma_start3A_309] : memref<100000x128xf32, #tpu.memory_space<hbm>> -> memref<100000x128xf32, #tpu.memory_space<hbm>>
        %dma_start3A_311 = tpu.memref_slice %arg14[%dma_start3A_296] : memref<2x!tpu.dma_semaphore, #tpu.memory_space<semaphore_mem>> -> memref<1x!tpu.dma_semaphore, #tpu.memory_space<semaphore_mem>>
        %dma_start3A_312 = tpu.memref_squeeze %dma_start3A_311 : memref<1x!tpu.dma_semaphore, #tpu.memory_space<semaphore_mem>> -> memref<!tpu.dma_semaphore, #tpu.memory_space<semaphore_mem>>
        tpu.enqueue_indirect_dma source(%dma_start3A_310 : memref<100000x128xf32, #tpu.memory_space<hbm>>) target(%dma_start3A_300 : memref<80x128xf32, #tpu.memory_space<vmem>>) offsets(%dma_start3A_307 : memref<80xi32, #tpu.memory_space<vmem>>) semaphore(%dma_start3A_312 : memref<!tpu.dma_semaphore, #tpu.memory_space<semaphore_mem>>)
      } else {
      }
      %gt3A_234 = arith.constant 0 : i32
      %gt3A_235 = arith.cmpi sgt, %scan3A_152, %gt3A_234 : i32
      %convert_element_type3A_236 = arith.extui %gt3A_235 : i1 to i32
      %cond3A_237 = arith.constant 0 : i32
      %cond3A_238 = arith.cmpi ne, %convert_element_type3A_236, %cond3A_237 : i32
      scf.if %cond3A_238 {
        %sub3A = arith.constant 1 : i32
        %sub3A_285 = arith.subi %mul3A_154, %sub3A : i32
        %mul3A_286 = arith.constant 80 : i32
        %mul3A_287 = arith.muli %add3A, %mul3A_286 : i32
        %add3A_288 = arith.addi %mul3A_287, %sub3A_285 : i32
        %mul3A_289 = arith.constant 80 : i32
        %mul3A_290 = arith.muli %add3A_288, %mul3A_289 : i32
        %dma_wait3A_291 = arith.constant 1 : i32
        %dma_wait3A_292 = arith.constant 1 : i32
        %dma_wait3A_293 = arith.constant 0 : i32
        %dma_wait3A_294 = arith.constant 0 : i32
        %dma_wait3A_295 = tpu.memref_slice %arg11[%dma_wait3A_291, %dma_wait3A_293, %dma_wait3A_294] : memref<2x80x128xf32, #tpu.memory_space<vmem>> -> memref<1x80x128xf32, #tpu.memory_space<vmem>>
        %dma_wait3A_296 = tpu.memref_squeeze %dma_wait3A_295 : memref<1x80x128xf32, #tpu.memory_space<vmem>> -> memref<80x128xf32, #tpu.memory_space<vmem>>
        %dma_wait3A_297 = arith.constant 0 : i32
        %dma_wait3A_298 = tpu.memref_slice %arg7[%mul3A_290, %dma_wait3A_297] : memref<204800x128xf32, #tpu.memory_space<hbm>> -> memref<80x128xf32, #tpu.memory_space<hbm>>
        %dma_wait3A_299 = tpu.memref_slice %arg15[%dma_wait3A_292] : memref<2x!tpu.dma_semaphore, #tpu.memory_space<semaphore_mem>> -> memref<1x!tpu.dma_semaphore, #tpu.memory_space<semaphore_mem>>
        %dma_wait3A_300 = tpu.memref_squeeze %dma_wait3A_299 : memref<1x!tpu.dma_semaphore, #tpu.memory_space<semaphore_mem>> -> memref<!tpu.dma_semaphore, #tpu.memory_space<semaphore_mem>>
        %dma_wait3A_301 = arith.constant 0 : i32
        %dma_wait3A_302 = tpu.memref_slice %arg7[%mul3A_290, %dma_wait3A_301] : memref<204800x128xf32, #tpu.memory_space<hbm>> -> memref<80x128xf32, #tpu.memory_space<hbm>>
        %dma_wait3A_303 = arith.constant 0 : i32
        %dma_wait3A_304 = arith.constant 0 : i32
        %dma_wait3A_305 = tpu.memref_slice %arg11[%dma_wait3A_291, %dma_wait3A_303, %dma_wait3A_304] : memref<2x80x128xf32, #tpu.memory_space<vmem>> -> memref<1x80x128xf32, #tpu.memory_space<vmem>>
        %dma_wait3A_306 = tpu.memref_squeeze %dma_wait3A_305 : memref<1x80x128xf32, #tpu.memory_space<vmem>> -> memref<80x128xf32, #tpu.memory_space<vmem>>
        tpu.wait_dma2 semaphore(%dma_wait3A_300 : memref<!tpu.dma_semaphore, #tpu.memory_space<semaphore_mem>>) src(%dma_wait3A_306 : memref<80x128xf32, #tpu.memory_space<vmem>>) dst(%dma_wait3A_302 : memref<80x128xf32, #tpu.memory_space<hbm>>)
      } else {
      }
      %add3A_239 = arith.constant 1 : i32
      %add3A_240 = arith.addi %mul3A_154, %add3A_239 : i32
      %mul3A_241 = arith.constant 80 : i32
      %mul3A_242 = arith.muli %add3A, %mul3A_241 : i32
      %add3A_243 = arith.addi %mul3A_242, %add3A_240 : i32
      %mul3A_244 = arith.constant 80 : i32
      %mul3A_245 = arith.muli %add3A_243, %mul3A_244 : i32
      %dma_wait3A_246 = arith.constant 1 : i32
      %dma_wait3A_247 = arith.constant 0 : i32
      %dma_wait3A_248 = arith.constant 1 : i32
      %dma_wait3A_249 = arith.constant 1 : i32
      %dma_wait3A_250 = arith.constant 0 : i32
      %dma_wait3A_251 = arith.constant 0 : i32
      %dma_wait3A_252 = tpu.memref_slice %arg10[%dma_wait3A_248, %dma_wait3A_250, %dma_wait3A_251] : memref<2x80x128xf32, #tpu.memory_space<vmem>> -> memref<1x80x128xf32, #tpu.memory_space<vmem>>
      %dma_wait3A_253 = tpu.memref_squeeze %dma_wait3A_252 : memref<1x80x128xf32, #tpu.memory_space<vmem>> -> memref<80x128xf32, #tpu.memory_space<vmem>>
      %dma_wait3A_254 = arith.constant 0 : i32
      %dma_wait3A_255 = arith.constant 0 : i32
      %dma_wait3A_256 = tpu.memref_slice %arg8[%dma_wait3A_246, %dma_wait3A_254, %dma_wait3A_255] : memref<2x1x80xi32, #tpu.memory_space<vmem>> -> memref<1x1x80xi32, #tpu.memory_space<vmem>>
      %dma_wait3A_257 = tpu.memref_squeeze %dma_wait3A_256 : memref<1x1x80xi32, #tpu.memory_space<vmem>> -> memref<1x80xi32, #tpu.memory_space<vmem>>
      %dma_wait3A_258 = arith.constant 0 : i32
      %dma_wait3A_259 = tpu.memref_slice %dma_wait3A_257[%dma_wait3A_247, %dma_wait3A_258] : memref<1x80xi32, #tpu.memory_space<vmem>> -> memref<1x80xi32, #tpu.memory_space<vmem>>
      %dma_wait3A_260 = tpu.memref_squeeze %dma_wait3A_259 : memref<1x80xi32, #tpu.memory_space<vmem>> -> memref<80xi32, #tpu.memory_space<vmem>>
      %dma_wait3A_261 = arith.constant 0 : i32
      %dma_wait3A_262 = arith.constant 0 : i32
      %dma_wait3A_263 = tpu.memref_slice %arg4[%dma_wait3A_261, %dma_wait3A_262] : memref<100000x128xf32, #tpu.memory_space<hbm>> -> memref<100000x128xf32, #tpu.memory_space<hbm>>
      %dma_wait3A_264 = tpu.memref_slice %arg14[%dma_wait3A_249] : memref<2x!tpu.dma_semaphore, #tpu.memory_space<semaphore_mem>> -> memref<1x!tpu.dma_semaphore, #tpu.memory_space<semaphore_mem>>
      %dma_wait3A_265 = tpu.memref_squeeze %dma_wait3A_264 : memref<1x!tpu.dma_semaphore, #tpu.memory_space<semaphore_mem>> -> memref<!tpu.dma_semaphore, #tpu.memory_space<semaphore_mem>>
      tpu.wait_indirect_dma semaphore(%dma_wait3A_265 : memref<!tpu.dma_semaphore, #tpu.memory_space<semaphore_mem>>) src(%dma_wait3A_263 : memref<100000x128xf32, #tpu.memory_space<hbm>>) dst(%dma_wait3A_253 : memref<80x128xf32, #tpu.memory_space<vmem>>)
      %parallel_loop3A_266 = arith.constant 0 : i32
      %parallel_loop3A_267 = arith.constant 80 : i32
      %parallel_loop3A_268 = arith.constant 1 : i32
      scf.for %parallel_loop3A_285 = %parallel_loop3A_266 to %parallel_loop3A_267 step %parallel_loop3A_268  : i32 {
        %parallel_loop3A_286 = arith.addi %mul3A_245, %parallel_loop3A_285 : i32
        %parallel_loop3A_287 = arith.constant 200 : i32
        %parallel_loop3A_288 = arith.remsi %parallel_loop3A_286, %parallel_loop3A_287 : i32
        %parallel_loop3A_289 = arith.constant 80 : i32
        %parallel_loop3A_290 = arith.addi %parallel_loop3A_289, %parallel_loop3A_285 : i32
        %parallel_loop3A_291 = arith.index_cast %parallel_loop3A_290 : i32 to index
        %parallel_loop3A_292 = tpu.vector_load %arg9[%parallel_loop3A_291] {strides = array<i32>} : memref<176xi32, #tpu.memory_space<vmem>>, vector<16xi32>,
        %parallel_loop3A_293 = vector.shape_cast %parallel_loop3A_292 : vector<16xi32> to vector<16xi32>
        %parallel_loop3A_294 = vector.extract_strided_slice %parallel_loop3A_293 {offsets = [0], sizes = [1], strides = [1]} : vector<16xi32> to vector<1xi32>
        %parallel_loop3A_295 = vector.extract %parallel_loop3A_294[0] : i32 from vector<1xi32>
        %parallel_loop3A_296 = arith.constant 1 : i32
        %parallel_loop3A_297 = arith.cmpi eq, %parallel_loop3A_295, %parallel_loop3A_296 : i32
        %parallel_loop3A_298 = arith.constant 2 : i32
        %parallel_loop3A_299 = arith.cmpi eq, %parallel_loop3A_295, %parallel_loop3A_298 : i32
        %parallel_loop3A_300 = arith.constant 0.000000e+00 : f32
        %parallel_loop3A_301 = vector.broadcast %parallel_loop3A_300 : f32 to vector<16xf32>
        %parallel_loop3A_302 = arith.constant 1 : i32
        %parallel_loop3A_303 = arith.index_cast %parallel_loop3A_302 : i32 to index
        %parallel_loop3A_304 = arith.index_cast %parallel_loop3A_285 : i32 to index
        %parallel_loop3A_305 = arith.constant 0 : index
        %parallel_loop3A_306 = tpu.vector_load %arg10[%parallel_loop3A_303, %parallel_loop3A_304, %parallel_loop3A_305] {strides = array<i32>} : memref<2x80x128xf32, #tpu.memory_space<vmem>>, vector<1x1x16xf32>,
        %parallel_loop3A_307 = vector.shape_cast %parallel_loop3A_306 : vector<1x1x16xf32> to vector<16xf32>
        %parallel_loop3A_308 = arith.index_cast %parallel_loop3A_288 : i32 to index
        %parallel_loop3A_309 = arith.constant 0 : index
        %parallel_loop3A_310 = tpu.vector_load %arg12[%parallel_loop3A_308, %parallel_loop3A_309] {strides = array<i32>} : memref<208x128xf32, #tpu.memory_space<vmem>>, vector<1x16xf32>,
        %parallel_loop3A_311 = vector.shape_cast %parallel_loop3A_310 : vector<1x16xf32> to vector<16xf32>
        %parallel_loop3A_312 = arith.select %parallel_loop3A_299, %get3A_44, %parallel_loop3A_301 : vector<16xf32>
        %parallel_loop3A_313 = arith.select %parallel_loop3A_297, %get3A_4, %parallel_loop3A_312 : vector<16xf32>
        %parallel_loop3A_314 = arith.addf %parallel_loop3A_307, %parallel_loop3A_311 : vector<16xf32>
        %parallel_loop3A_315 = arith.addf %parallel_loop3A_314, %parallel_loop3A_313 : vector<16xf32>
        %parallel_loop3A_316 = arith.constant 1 : i32
        %parallel_loop3A_317 = arith.index_cast %parallel_loop3A_316 : i32 to index
        %parallel_loop3A_318 = arith.index_cast %parallel_loop3A_285 : i32 to index
        %parallel_loop3A_319 = arith.constant 0 : index
        %parallel_loop3A_320 = tpu.vector_load %arg11[%parallel_loop3A_317, %parallel_loop3A_318, %parallel_loop3A_319] {strides = array<i32>} : memref<2x80x128xf32, #tpu.memory_space<vmem>>, vector<1x1x16xf32>,
        %parallel_loop3A_321 = vector.shape_cast %parallel_loop3A_320 : vector<1x1x16xf32> to vector<16xf32>
        %parallel_loop3A_322 = vector.shape_cast %parallel_loop3A_315 : vector<16xf32> to vector<1x1x16xf32>
        tpu.vector_store %arg11[%parallel_loop3A_317, %parallel_loop3A_318, %parallel_loop3A_319], %parallel_loop3A_322 {strides = array<i32>} : memref<2x80x128xf32, #tpu.memory_space<vmem>>, vector<1x1x16xf32>,
        %parallel_loop3A_323 = arith.constant 1 : i32
        %parallel_loop3A_324 = arith.index_cast %parallel_loop3A_323 : i32 to index
        %parallel_loop3A_325 = arith.index_cast %parallel_loop3A_285 : i32 to index
        %parallel_loop3A_326 = arith.constant 16 : index
        %parallel_loop3A_327 = tpu.vector_load %arg10[%parallel_loop3A_324, %parallel_loop3A_325, %parallel_loop3A_326] {strides = array<i32>} : memref<2x80x128xf32, #tpu.memory_space<vmem>>, vector<1x1x16xf32>,
        %parallel_loop3A_328 = vector.shape_cast %parallel_loop3A_327 : vector<1x1x16xf32> to vector<16xf32>
        %parallel_loop3A_329 = arith.index_cast %parallel_loop3A_288 : i32 to index
        %parallel_loop3A_330 = arith.constant 16 : index
        %parallel_loop3A_331 = tpu.vector_load %arg12[%parallel_loop3A_329, %parallel_loop3A_330] {strides = array<i32>} : memref<208x128xf32, #tpu.memory_space<vmem>>, vector<1x16xf32>,
        %parallel_loop3A_332 = vector.shape_cast %parallel_loop3A_331 : vector<1x16xf32> to vector<16xf32>
        %parallel_loop3A_333 = arith.select %parallel_loop3A_299, %get3A_49, %parallel_loop3A_301 : vector<16xf32>
        %parallel_loop3A_334 = arith.select %parallel_loop3A_297, %get3A_9, %parallel_loop3A_333 : vector<16xf32>
        %parallel_loop3A_335 = arith.addf %parallel_loop3A_328, %parallel_loop3A_332 : vector<16xf32>
        %parallel_loop3A_336 = arith.addf %parallel_loop3A_335, %parallel_loop3A_334 : vector<16xf32>
        %parallel_loop3A_337 = arith.constant 1 : i32
        %parallel_loop3A_338 = arith.index_cast %parallel_loop3A_337 : i32 to index
        %parallel_loop3A_339 = arith.index_cast %parallel_loop3A_285 : i32 to index
        %parallel_loop3A_340 = arith.constant 16 : index
        %parallel_loop3A_341 = tpu.vector_load %arg11[%parallel_loop3A_338, %parallel_loop3A_339, %parallel_loop3A_340] {strides = array<i32>} : memref<2x80x128xf32, #tpu.memory_space<vmem>>, vector<1x1x16xf32>,
        %parallel_loop3A_342 = vector.shape_cast %parallel_loop3A_341 : vector<1x1x16xf32> to vector<16xf32>
        %parallel_loop3A_343 = vector.shape_cast %parallel_loop3A_336 : vector<16xf32> to vector<1x1x16xf32>
        tpu.vector_store %arg11[%parallel_loop3A_338, %parallel_loop3A_339, %parallel_loop3A_340], %parallel_loop3A_343 {strides = array<i32>} : memref<2x80x128xf32, #tpu.memory_space<vmem>>, vector<1x1x16xf32>,
        %parallel_loop3A_344 = arith.constant 1 : i32
        %parallel_loop3A_345 = arith.index_cast %parallel_loop3A_344 : i32 to index
        %parallel_loop3A_346 = arith.index_cast %parallel_loop3A_285 : i32 to index
        %parallel_loop3A_347 = arith.constant 32 : index
        %parallel_loop3A_348 = tpu.vector_load %arg10[%parallel_loop3A_345, %parallel_loop3A_346, %parallel_loop3A_347] {strides = array<i32>} : memref<2x80x128xf32, #tpu.memory_space<vmem>>, vector<1x1x16xf32>,
        %parallel_loop3A_349 = vector.shape_cast %parallel_loop3A_348 : vector<1x1x16xf32> to vector<16xf32>
        %parallel_loop3A_350 = arith.index_cast %parallel_loop3A_288 : i32 to index
        %parallel_loop3A_351 = arith.constant 32 : index
        %parallel_loop3A_352 = tpu.vector_load %arg12[%parallel_loop3A_350, %parallel_loop3A_351] {strides = array<i32>} : memref<208x128xf32, #tpu.memory_space<vmem>>, vector<1x16xf32>,
        %parallel_loop3A_353 = vector.shape_cast %parallel_loop3A_352 : vector<1x16xf32> to vector<16xf32>
        %parallel_loop3A_354 = arith.select %parallel_loop3A_299, %get3A_54, %parallel_loop3A_301 : vector<16xf32>
        %parallel_loop3A_355 = arith.select %parallel_loop3A_297, %get3A_14, %parallel_loop3A_354 : vector<16xf32>
        %parallel_loop3A_356 = arith.addf %parallel_loop3A_349, %parallel_loop3A_353 : vector<16xf32>
        %parallel_loop3A_357 = arith.addf %parallel_loop3A_356, %parallel_loop3A_355 : vector<16xf32>
        %parallel_loop3A_358 = arith.constant 1 : i32
        %parallel_loop3A_359 = arith.index_cast %parallel_loop3A_358 : i32 to index
        %parallel_loop3A_360 = arith.index_cast %parallel_loop3A_285 : i32 to index
        %parallel_loop3A_361 = arith.constant 32 : index
        %parallel_loop3A_362 = tpu.vector_load %arg11[%parallel_loop3A_359, %parallel_loop3A_360, %parallel_loop3A_361] {strides = array<i32>} : memref<2x80x128xf32, #tpu.memory_space<vmem>>, vector<1x1x16xf32>,
        %parallel_loop3A_363 = vector.shape_cast %parallel_loop3A_362 : vector<1x1x16xf32> to vector<16xf32>
        %parallel_loop3A_364 = vector.shape_cast %parallel_loop3A_357 : vector<16xf32> to vector<1x1x16xf32>
        tpu.vector_store %arg11[%parallel_loop3A_359, %parallel_loop3A_360, %parallel_loop3A_361], %parallel_loop3A_364 {strides = array<i32>} : memref<2x80x128xf32, #tpu.memory_space<vmem>>, vector<1x1x16xf32>,
        %parallel_loop3A_365 = arith.constant 1 : i32
        %parallel_loop3A_366 = arith.index_cast %parallel_loop3A_365 : i32 to index
        %parallel_loop3A_367 = arith.index_cast %parallel_loop3A_285 : i32 to index
        %parallel_loop3A_368 = arith.constant 48 : index
        %parallel_loop3A_369 = tpu.vector_load %arg10[%parallel_loop3A_366, %parallel_loop3A_367, %parallel_loop3A_368] {strides = array<i32>} : memref<2x80x128xf32, #tpu.memory_space<vmem>>, vector<1x1x16xf32>,
        %parallel_loop3A_370 = vector.shape_cast %parallel_loop3A_369 : vector<1x1x16xf32> to vector<16xf32>
        %parallel_loop3A_371 = arith.index_cast %parallel_loop3A_288 : i32 to index
        %parallel_loop3A_372 = arith.constant 48 : index
        %parallel_loop3A_373 = tpu.vector_load %arg12[%parallel_loop3A_371, %parallel_loop3A_372] {strides = array<i32>} : memref<208x128xf32, #tpu.memory_space<vmem>>, vector<1x16xf32>,
        %parallel_loop3A_374 = vector.shape_cast %parallel_loop3A_373 : vector<1x16xf32> to vector<16xf32>
        %parallel_loop3A_375 = arith.select %parallel_loop3A_299, %get3A_59, %parallel_loop3A_301 : vector<16xf32>
        %parallel_loop3A_376 = arith.select %parallel_loop3A_297, %get3A_19, %parallel_loop3A_375 : vector<16xf32>
        %parallel_loop3A_377 = arith.addf %parallel_loop3A_370, %parallel_loop3A_374 : vector<16xf32>
        %parallel_loop3A_378 = arith.addf %parallel_loop3A_377, %parallel_loop3A_376 : vector<16xf32>
        %parallel_loop3A_379 = arith.constant 1 : i32
        %parallel_loop3A_380 = arith.index_cast %parallel_loop3A_379 : i32 to index
        %parallel_loop3A_381 = arith.index_cast %parallel_loop3A_285 : i32 to index
        %parallel_loop3A_382 = arith.constant 48 : index
        %parallel_loop3A_383 = tpu.vector_load %arg11[%parallel_loop3A_380, %parallel_loop3A_381, %parallel_loop3A_382] {strides = array<i32>} : memref<2x80x128xf32, #tpu.memory_space<vmem>>, vector<1x1x16xf32>,
        %parallel_loop3A_384 = vector.shape_cast %parallel_loop3A_383 : vector<1x1x16xf32> to vector<16xf32>
        %parallel_loop3A_385 = vector.shape_cast %parallel_loop3A_378 : vector<16xf32> to vector<1x1x16xf32>
        tpu.vector_store %arg11[%parallel_loop3A_380, %parallel_loop3A_381, %parallel_loop3A_382], %parallel_loop3A_385 {strides = array<i32>} : memref<2x80x128xf32, #tpu.memory_space<vmem>>, vector<1x1x16xf32>,
        %parallel_loop3A_386 = arith.constant 1 : i32
        %parallel_loop3A_387 = arith.index_cast %parallel_loop3A_386 : i32 to index
        %parallel_loop3A_388 = arith.index_cast %parallel_loop3A_285 : i32 to index
        %parallel_loop3A_389 = arith.constant 64 : index
        %parallel_loop3A_390 = tpu.vector_load %arg10[%parallel_loop3A_387, %parallel_loop3A_388, %parallel_loop3A_389] {strides = array<i32>} : memref<2x80x128xf32, #tpu.memory_space<vmem>>, vector<1x1x16xf32>,
        %parallel_loop3A_391 = vector.shape_cast %parallel_loop3A_390 : vector<1x1x16xf32> to vector<16xf32>
        %parallel_loop3A_392 = arith.index_cast %parallel_loop3A_288 : i32 to index
        %parallel_loop3A_393 = arith.constant 64 : index
        %parallel_loop3A_394 = tpu.vector_load %arg12[%parallel_loop3A_392, %parallel_loop3A_393] {strides = array<i32>} : memref<208x128xf32, #tpu.memory_space<vmem>>, vector<1x16xf32>,
        %parallel_loop3A_395 = vector.shape_cast %parallel_loop3A_394 : vector<1x16xf32> to vector<16xf32>
        %parallel_loop3A_396 = arith.select %parallel_loop3A_299, %get3A_64, %parallel_loop3A_301 : vector<16xf32>
        %parallel_loop3A_397 = arith.select %parallel_loop3A_297, %get3A_24, %parallel_loop3A_396 : vector<16xf32>
        %parallel_loop3A_398 = arith.addf %parallel_loop3A_391, %parallel_loop3A_395 : vector<16xf32>
        %parallel_loop3A_399 = arith.addf %parallel_loop3A_398, %parallel_loop3A_397 : vector<16xf32>
        %parallel_loop3A_400 = arith.constant 1 : i32
        %parallel_loop3A_401 = arith.index_cast %parallel_loop3A_400 : i32 to index
        %parallel_loop3A_402 = arith.index_cast %parallel_loop3A_285 : i32 to index
        %parallel_loop3A_403 = arith.constant 64 : index
        %parallel_loop3A_404 = tpu.vector_load %arg11[%parallel_loop3A_401, %parallel_loop3A_402, %parallel_loop3A_403] {strides = array<i32>} : memref<2x80x128xf32, #tpu.memory_space<vmem>>, vector<1x1x16xf32>,
        %parallel_loop3A_405 = vector.shape_cast %parallel_loop3A_404 : vector<1x1x16xf32> to vector<16xf32>
        %parallel_loop3A_406 = vector.shape_cast %parallel_loop3A_399 : vector<16xf32> to vector<1x1x16xf32>
        tpu.vector_store %arg11[%parallel_loop3A_401, %parallel_loop3A_402, %parallel_loop3A_403], %parallel_loop3A_406 {strides = array<i32>} : memref<2x80x128xf32, #tpu.memory_space<vmem>>, vector<1x1x16xf32>,
        %parallel_loop3A_407 = arith.constant 1 : i32
        %parallel_loop3A_408 = arith.index_cast %parallel_loop3A_407 : i32 to index
        %parallel_loop3A_409 = arith.index_cast %parallel_loop3A_285 : i32 to index
        %parallel_loop3A_410 = arith.constant 80 : index
        %parallel_loop3A_411 = tpu.vector_load %arg10[%parallel_loop3A_408, %parallel_loop3A_409, %parallel_loop3A_410] {strides = array<i32>} : memref<2x80x128xf32, #tpu.memory_space<vmem>>, vector<1x1x16xf32>,
        %parallel_loop3A_412 = vector.shape_cast %parallel_loop3A_411 : vector<1x1x16xf32> to vector<16xf32>
        %parallel_loop3A_413 = arith.index_cast %parallel_loop3A_288 : i32 to index
        %parallel_loop3A_414 = arith.constant 80 : index
        %parallel_loop3A_415 = tpu.vector_load %arg12[%parallel_loop3A_413, %parallel_loop3A_414] {strides = array<i32>} : memref<208x128xf32, #tpu.memory_space<vmem>>, vector<1x16xf32>,
        %parallel_loop3A_416 = vector.shape_cast %parallel_loop3A_415 : vector<1x16xf32> to vector<16xf32>
        %parallel_loop3A_417 = arith.select %parallel_loop3A_299, %get3A_69, %parallel_loop3A_301 : vector<16xf32>
        %parallel_loop3A_418 = arith.select %parallel_loop3A_297, %get3A_29, %parallel_loop3A_417 : vector<16xf32>
        %parallel_loop3A_419 = arith.addf %parallel_loop3A_412, %parallel_loop3A_416 : vector<16xf32>
        %parallel_loop3A_420 = arith.addf %parallel_loop3A_419, %parallel_loop3A_418 : vector<16xf32>
        %parallel_loop3A_421 = arith.constant 1 : i32
        %parallel_loop3A_422 = arith.index_cast %parallel_loop3A_421 : i32 to index
        %parallel_loop3A_423 = arith.index_cast %parallel_loop3A_285 : i32 to index
        %parallel_loop3A_424 = arith.constant 80 : index
        %parallel_loop3A_425 = tpu.vector_load %arg11[%parallel_loop3A_422, %parallel_loop3A_423, %parallel_loop3A_424] {strides = array<i32>} : memref<2x80x128xf32, #tpu.memory_space<vmem>>, vector<1x1x16xf32>,
        %parallel_loop3A_426 = vector.shape_cast %parallel_loop3A_425 : vector<1x1x16xf32> to vector<16xf32>
        %parallel_loop3A_427 = vector.shape_cast %parallel_loop3A_420 : vector<16xf32> to vector<1x1x16xf32>
        tpu.vector_store %arg11[%parallel_loop3A_422, %parallel_loop3A_423, %parallel_loop3A_424], %parallel_loop3A_427 {strides = array<i32>} : memref<2x80x128xf32, #tpu.memory_space<vmem>>, vector<1x1x16xf32>,
        %parallel_loop3A_428 = arith.constant 1 : i32
        %parallel_loop3A_429 = arith.index_cast %parallel_loop3A_428 : i32 to index
        %parallel_loop3A_430 = arith.index_cast %parallel_loop3A_285 : i32 to index
        %parallel_loop3A_431 = arith.constant 96 : index
        %parallel_loop3A_432 = tpu.vector_load %arg10[%parallel_loop3A_429, %parallel_loop3A_430, %parallel_loop3A_431] {strides = array<i32>} : memref<2x80x128xf32, #tpu.memory_space<vmem>>, vector<1x1x16xf32>,
        %parallel_loop3A_433 = vector.shape_cast %parallel_loop3A_432 : vector<1x1x16xf32> to vector<16xf32>
        %parallel_loop3A_434 = arith.index_cast %parallel_loop3A_288 : i32 to index
        %parallel_loop3A_435 = arith.constant 96 : index
        %parallel_loop3A_436 = tpu.vector_load %arg12[%parallel_loop3A_434, %parallel_loop3A_435] {strides = array<i32>} : memref<208x128xf32, #tpu.memory_space<vmem>>, vector<1x16xf32>,
        %parallel_loop3A_437 = vector.shape_cast %parallel_loop3A_436 : vector<1x16xf32> to vector<16xf32>
        %parallel_loop3A_438 = arith.select %parallel_loop3A_299, %get3A_74, %parallel_loop3A_301 : vector<16xf32>
        %parallel_loop3A_439 = arith.select %parallel_loop3A_297, %get3A_34, %parallel_loop3A_438 : vector<16xf32>
        %parallel_loop3A_440 = arith.addf %parallel_loop3A_433, %parallel_loop3A_437 : vector<16xf32>
        %parallel_loop3A_441 = arith.addf %parallel_loop3A_440, %parallel_loop3A_439 : vector<16xf32>
        %parallel_loop3A_442 = arith.constant 1 : i32
        %parallel_loop3A_443 = arith.index_cast %parallel_loop3A_442 : i32 to index
        %parallel_loop3A_444 = arith.index_cast %parallel_loop3A_285 : i32 to index
        %parallel_loop3A_445 = arith.constant 96 : index
        %parallel_loop3A_446 = tpu.vector_load %arg11[%parallel_loop3A_443, %parallel_loop3A_444, %parallel_loop3A_445] {strides = array<i32>} : memref<2x80x128xf32, #tpu.memory_space<vmem>>, vector<1x1x16xf32>,
        %parallel_loop3A_447 = vector.shape_cast %parallel_loop3A_446 : vector<1x1x16xf32> to vector<16xf32>
        %parallel_loop3A_448 = vector.shape_cast %parallel_loop3A_441 : vector<16xf32> to vector<1x1x16xf32>
        tpu.vector_store %arg11[%parallel_loop3A_443, %parallel_loop3A_444, %parallel_loop3A_445], %parallel_loop3A_448 {strides = array<i32>} : memref<2x80x128xf32, #tpu.memory_space<vmem>>, vector<1x1x16xf32>,
        %parallel_loop3A_449 = arith.constant 1 : i32
        %parallel_loop3A_450 = arith.index_cast %parallel_loop3A_449 : i32 to index
        %parallel_loop3A_451 = arith.index_cast %parallel_loop3A_285 : i32 to index
        %parallel_loop3A_452 = arith.constant 112 : index
        %parallel_loop3A_453 = tpu.vector_load %arg10[%parallel_loop3A_450, %parallel_loop3A_451, %parallel_loop3A_452] {strides = array<i32>} : memref<2x80x128xf32, #tpu.memory_space<vmem>>, vector<1x1x16xf32>,
        %parallel_loop3A_454 = vector.shape_cast %parallel_loop3A_453 : vector<1x1x16xf32> to vector<16xf32>
        %parallel_loop3A_455 = arith.index_cast %parallel_loop3A_288 : i32 to index
        %parallel_loop3A_456 = arith.constant 112 : index
        %parallel_loop3A_457 = tpu.vector_load %arg12[%parallel_loop3A_455, %parallel_loop3A_456] {strides = array<i32>} : memref<208x128xf32, #tpu.memory_space<vmem>>, vector<1x16xf32>,
        %parallel_loop3A_458 = vector.shape_cast %parallel_loop3A_457 : vector<1x16xf32> to vector<16xf32>
        %parallel_loop3A_459 = arith.select %parallel_loop3A_299, %get3A_79, %parallel_loop3A_301 : vector<16xf32>
        %parallel_loop3A_460 = arith.select %parallel_loop3A_297, %get3A_39, %parallel_loop3A_459 : vector<16xf32>
        %parallel_loop3A_461 = arith.addf %parallel_loop3A_454, %parallel_loop3A_458 : vector<16xf32>
        %parallel_loop3A_462 = arith.addf %parallel_loop3A_461, %parallel_loop3A_460 : vector<16xf32>
        %parallel_loop3A_463 = arith.constant 1 : i32
        %parallel_loop3A_464 = arith.index_cast %parallel_loop3A_463 : i32 to index
        %parallel_loop3A_465 = arith.index_cast %parallel_loop3A_285 : i32 to index
        %parallel_loop3A_466 = arith.constant 112 : index
        %parallel_loop3A_467 = tpu.vector_load %arg11[%parallel_loop3A_464, %parallel_loop3A_465, %parallel_loop3A_466] {strides = array<i32>} : memref<2x80x128xf32, #tpu.memory_space<vmem>>, vector<1x1x16xf32>,
        %parallel_loop3A_468 = vector.shape_cast %parallel_loop3A_467 : vector<1x1x16xf32> to vector<16xf32>
        %parallel_loop3A_469 = vector.shape_cast %parallel_loop3A_462 : vector<16xf32> to vector<1x1x16xf32>
        tpu.vector_store %arg11[%parallel_loop3A_464, %parallel_loop3A_465, %parallel_loop3A_466], %parallel_loop3A_469 {strides = array<i32>} : memref<2x80x128xf32, #tpu.memory_space<vmem>>, vector<1x1x16xf32>,
      } {sc.loop_unroll_factor = 16 : i64, sc.parallel_access}
      %dma_start3A_269 = arith.constant 1 : i32
      %dma_start3A_270 = arith.constant 1 : i32
      %dma_start3A_271 = arith.constant 0 : i32
      %dma_start3A_272 = arith.constant 0 : i32
      %dma_start3A_273 = tpu.memref_slice %arg11[%dma_start3A_269, %dma_start3A_271, %dma_start3A_272] : memref<2x80x128xf32, #tpu.memory_space<vmem>> -> memref<1x80x128xf32, #tpu.memory_space<vmem>>
      %dma_start3A_274 = tpu.memref_squeeze %dma_start3A_273 : memref<1x80x128xf32, #tpu.memory_space<vmem>> -> memref<80x128xf32, #tpu.memory_space<vmem>>
      %dma_start3A_275 = arith.constant 0 : i32
      %dma_start3A_276 = tpu.memref_slice %arg7[%mul3A_245, %dma_start3A_275] : memref<204800x128xf32, #tpu.memory_space<hbm>> -> memref<80x128xf32, #tpu.memory_space<hbm>>
      %dma_start3A_277 = tpu.memref_slice %arg15[%dma_start3A_270] : memref<2x!tpu.dma_semaphore, #tpu.memory_space<semaphore_mem>> -> memref<1x!tpu.dma_semaphore, #tpu.memory_space<semaphore_mem>>
      %dma_start3A_278 = tpu.memref_squeeze %dma_start3A_277 : memref<1x!tpu.dma_semaphore, #tpu.memory_space<semaphore_mem>> -> memref<!tpu.dma_semaphore, #tpu.memory_space<semaphore_mem>>
      %dma_start3A_279 = arith.constant 0 : i32
      %dma_start3A_280 = tpu.memref_slice %arg7[%mul3A_245, %dma_start3A_279] : memref<204800x128xf32, #tpu.memory_space<hbm>> -> memref<80x128xf32, #tpu.memory_space<hbm>>
      %dma_start3A_281 = arith.constant 0 : i32
      %dma_start3A_282 = arith.constant 0 : i32
      %dma_start3A_283 = tpu.memref_slice %arg11[%dma_start3A_269, %dma_start3A_281, %dma_start3A_282] : memref<2x80x128xf32, #tpu.memory_space<vmem>> -> memref<1x80x128xf32, #tpu.memory_space<vmem>>
      %dma_start3A_284 = tpu.memref_squeeze %dma_start3A_283 : memref<1x80x128xf32, #tpu.memory_space<vmem>> -> memref<80x128xf32, #tpu.memory_space<vmem>>
      tpu.enqueue_dma source(%dma_start3A_284 : memref<80x128xf32, #tpu.memory_space<vmem>>) target(%dma_start3A_280 : memref<80x128xf32, #tpu.memory_space<hbm>>) target_semaphore(%dma_start3A_278 : memref<!tpu.dma_semaphore, #tpu.memory_space<semaphore_mem>>)
    }
    %scan3A_108 = arith.constant 40 : i32
    %mul3A_109 = arith.constant 80 : i32
    %mul3A_110 = arith.muli %add3A, %mul3A_109 : i32
    %add3A_111 = arith.constant 78 : i32
    %add3A_112 = arith.addi %mul3A_110, %add3A_111 : i32
    %mul3A_113 = arith.constant 80 : i32
    %mul3A_114 = arith.muli %add3A_112, %mul3A_113 : i32
    %dma_wait3A = arith.constant 0 : i32
    %dma_wait3A_115 = arith.constant 0 : i32
    %dma_wait3A_116 = arith.constant 0 : i32
    %dma_wait3A_117 = arith.constant 0 : i32
    %dma_wait3A_118 = tpu.memref_slice %arg11[%dma_wait3A, %dma_wait3A_116, %dma_wait3A_117] : memref<2x80x128xf32, #tpu.memory_space<vmem>> -> memref<1x80x128xf32, #tpu.memory_space<vmem>>
    %dma_wait3A_119 = tpu.memref_squeeze %dma_wait3A_118 : memref<1x80x128xf32, #tpu.memory_space<vmem>> -> memref<80x128xf32, #tpu.memory_space<vmem>>
    %dma_wait3A_120 = arith.constant 0 : i32
    %dma_wait3A_121 = tpu.memref_slice %arg7[%mul3A_114, %dma_wait3A_120] : memref<204800x128xf32, #tpu.memory_space<hbm>> -> memref<80x128xf32, #tpu.memory_space<hbm>>
    %dma_wait3A_122 = tpu.memref_slice %arg15[%dma_wait3A_115] : memref<2x!tpu.dma_semaphore, #tpu.memory_space<semaphore_mem>> -> memref<1x!tpu.dma_semaphore, #tpu.memory_space<semaphore_mem>>
    %dma_wait3A_123 = tpu.memref_squeeze %dma_wait3A_122 : memref<1x!tpu.dma_semaphore, #tpu.memory_space<semaphore_mem>> -> memref<!tpu.dma_semaphore, #tpu.memory_space<semaphore_mem>>
    %dma_wait3A_124 = arith.constant 0 : i32
    %dma_wait3A_125 = tpu.memref_slice %arg7[%mul3A_114, %dma_wait3A_124] : memref<204800x128xf32, #tpu.memory_space<hbm>> -> memref<80x128xf32, #tpu.memory_space<hbm>>
    %dma_wait3A_126 = arith.constant 0 : i32
    %dma_wait3A_127 = arith.constant 0 : i32
    %dma_wait3A_128 = tpu.memref_slice %arg11[%dma_wait3A, %dma_wait3A_126, %dma_wait3A_127] : memref<2x80x128xf32, #tpu.memory_space<vmem>> -> memref<1x80x128xf32, #tpu.memory_space<vmem>>
    %dma_wait3A_129 = tpu.memref_squeeze %dma_wait3A_128 : memref<1x80x128xf32, #tpu.memory_space<vmem>> -> memref<80x128xf32, #tpu.memory_space<vmem>>
    tpu.wait_dma2 semaphore(%dma_wait3A_123 : memref<!tpu.dma_semaphore, #tpu.memory_space<semaphore_mem>>) src(%dma_wait3A_129 : memref<80x128xf32, #tpu.memory_space<vmem>>) dst(%dma_wait3A_125 : memref<80x128xf32, #tpu.memory_space<hbm>>)
    %mul3A_130 = arith.constant 80 : i32
    %mul3A_131 = arith.muli %add3A, %mul3A_130 : i32
    %add3A_132 = arith.constant 79 : i32
    %add3A_133 = arith.addi %mul3A_131, %add3A_132 : i32
    %mul3A_134 = arith.constant 80 : i32
    %mul3A_135 = arith.muli %add3A_133, %mul3A_134 : i32
    %dma_wait3A_136 = arith.constant 1 : i32
    %dma_wait3A_137 = arith.constant 1 : i32
    %dma_wait3A_138 = arith.constant 0 : i32
    %dma_wait3A_139 = arith.constant 0 : i32
    %dma_wait3A_140 = tpu.memref_slice %arg11[%dma_wait3A_136, %dma_wait3A_138, %dma_wait3A_139] : memref<2x80x128xf32, #tpu.memory_space<vmem>> -> memref<1x80x128xf32, #tpu.memory_space<vmem>>
    %dma_wait3A_141 = tpu.memref_squeeze %dma_wait3A_140 : memref<1x80x128xf32, #tpu.memory_space<vmem>> -> memref<80x128xf32, #tpu.memory_space<vmem>>
    %dma_wait3A_142 = arith.constant 0 : i32
    %dma_wait3A_143 = tpu.memref_slice %arg7[%mul3A_135, %dma_wait3A_142] : memref<204800x128xf32, #tpu.memory_space<hbm>> -> memref<80x128xf32, #tpu.memory_space<hbm>>
    %dma_wait3A_144 = tpu.memref_slice %arg15[%dma_wait3A_137] : memref<2x!tpu.dma_semaphore, #tpu.memory_space<semaphore_mem>> -> memref<1x!tpu.dma_semaphore, #tpu.memory_space<semaphore_mem>>
    %dma_wait3A_145 = tpu.memref_squeeze %dma_wait3A_144 : memref<1x!tpu.dma_semaphore, #tpu.memory_space<semaphore_mem>> -> memref<!tpu.dma_semaphore, #tpu.memory_space<semaphore_mem>>
    %dma_wait3A_146 = arith.constant 0 : i32
    %dma_wait3A_147 = tpu.memref_slice %arg7[%mul3A_135, %dma_wait3A_146] : memref<204800x128xf32, #tpu.memory_space<hbm>> -> memref<80x128xf32, #tpu.memory_space<hbm>>
    %dma_wait3A_148 = arith.constant 0 : i32
    %dma_wait3A_149 = arith.constant 0 : i32
    %dma_wait3A_150 = tpu.memref_slice %arg11[%dma_wait3A_136, %dma_wait3A_148, %dma_wait3A_149] : memref<2x80x128xf32, #tpu.memory_space<vmem>> -> memref<1x80x128xf32, #tpu.memory_space<vmem>>
    %dma_wait3A_151 = tpu.memref_squeeze %dma_wait3A_150 : memref<1x80x128xf32, #tpu.memory_space<vmem>> -> memref<80x128xf32, #tpu.memory_space<vmem>>
    tpu.wait_dma2 semaphore(%dma_wait3A_145 : memref<!tpu.dma_semaphore, #tpu.memory_space<semaphore_mem>>) src(%dma_wait3A_151 : memref<80x128xf32, #tpu.memory_space<vmem>>) dst(%dma_wait3A_147 : memref<80x128xf32, #tpu.memory_space<hbm>>)
    return
  }
}

</mosaic_0001>

<sc_bundles>
// kernel: _run.3.cloned.1.call-start
scs
__scs_entry_jumppad:
0x0: {  	(pc) =	sbr.rel $0x88, $3  }
0x1: {  	(tag) =	ssettag $0x0;
	lr =	simm.s32 $0x1  }
0x2: {  	[smem:$0x3F9C] =	sst lr;
	_ =	strace $0xD0000000  }
0x3: {  	_ = 	snop  }
0x4: {  	_ = 	snop  }
0x5: {  	_ = 	snop  }
0x6: {  	_ = 	snop  }
0x7: {  	_ = 	snop  }
__scs_overlays_trampoline_lowered:
0x8: {  	[smem:$0x3FAB] =	sst s0  }
0x9: {  	[smem:$0x3FAC] =	sst s1  }
0xa: {  	[smem:$0x3FAD] =	sst s2  }
0xb: {  	[smem:$0x3FAE] =	sst s3  }
0xc: {  	[smem:$0x3FAF] =	sst s4  }
0xd: {  	[smem:$0x3FB0] =	sst s5  }
0xe: {  	[smem:$0x3FB1] =	sst s6  }
0xf: {  	[smem:$0x3FB2] =	sst s7  }
0x10: {  	[smem:$0x3FB3] =	sst s8  }
0x11: {  	[smem:$0x3FB4] =	sst s9;
	s0 =	simm.s32 @!p0 $0x0  }
0x12: {  	s1 =	sld [smem:$0x3F9A];
	s0 =	simm.s32 @p0 $0x1  }
0x13: {  	[smem:$0x3FB5] =	sst s0;
	s0 =	simm.s32 @!p1 $0x0  }
0x14: {  	s2 =	sld [smem:$0x3F99];
	s0 =	simm.s32 @p1 $0x1  }
0x15: {  	[smem:$0x3FB6] =	sst s0;
	s0 =	simm.s32 @!p2 $0x0  }
0x16: {  	s3 =	sld [smem:$0x3FDB];
	s0 =	simm.s32 @p2 $0x1  }
0x17: {  	s4 =	simm.s32 $0x1BF5;
	[smem:$0x3FB8] =	sst s0  }
0x18: {  	s0 =	sld [smem:$0x3F9B];
	_ =	swait.ge [sflag:s4], $0x0  }
0x19: {  	s7 =	sld [smem:$0x3F9C]  }
0x1a: {  	s8 =	sadd.s32 $0xFFFFE003, lr  }
0x1b: {  	s9 =	sadd.s32 $0xFFFFFEF7, lr;
	s5 =	simm.s32 $0xFFFFFFFF;
	p2 =	slt.u32 s8, $0xFFFFF086  }
0x1c: {  	p1 =	slt.u32 s9, $0xF7A;
	s5 =	simm.s32 @!p2 $0x0  }
0x1d: {  	s5 =	simm.s32 @p1 $0x1;
	p0 =	seq.s32 s7, s2  }
0x1e: {  	s7 =	smul.u32 @!p0 $0xF7A, s2;
	p2 =	seq.s32 @!p0 s5, $0x0  }
0x1f: {  	s9 =	smul.u32 $0xF7A, s1;
	s8 =	simm.s32 @!p0 $0x1BF5;
	p2 =	por !p2, p0  }
0x20: {  	[sflag:s8] =	ssyncset.s32 @!p0 $0xFFFFF086;
	s6 =	sadd.s32 @!p0 s3, s7;
	s7 =	simm.s32 @!p0 $0x108  }
0x21: {  	s3 =	sadd.s32 s3, s9;
	s6 =	sadd.s32 @!p0 $0x88, s6;
	s7 =	simm.s32 @p2 $0x1082  }
0x22: {  	[simem:s7], [sflag:s8] =	dma.local @!p0 [hbm:s6], $0xF7A  }
0x23: {  	s9 =	sor.u32 $0xD0000000, s2;
	s6 =	simm.s32 $0x108;
	_ =	swait.ge @!p0 [sflag:s8], $0x0  }
0x24: {  	s3 =	sadd.s32 $0x88, s3;
	s6 =	simm.s32 @!p1 $0x1082;
	[sflag:s4] =	ssyncset.s32 $0xFFFFF086  }
0x25: {  	[simem:s6], [sflag:s4] =	dma.local [hbm:s3], $0xF7A  }
0x26: {  	[smem:$0x3F9C] =	sst s1;
	(tag) =	ssettag s2;
	_ =	strace s9  }
0x27: {  	s1 =	sld [smem:$0x3FAC]  }
0x28: {  	s2 =	sld [smem:$0x3FAD]  }
0x29: {  	s4 =	sld [smem:$0x3FAF]  }
0x2a: {  	p0 =	seq.s32 s5, $0x0;
	s5 =	sld [smem:$0x3FB0]  }
0x2b: {  	s6 =	sld [smem:$0x3FB1]  }
0x2c: {  	s7 =	sld [smem:$0x3FB2]  }
0x2d: {  	s3 =	simm.s32 $0x108;
	s8 =	sld [smem:$0x3FB3]  }
0x2e: {  	s3 =	simm.s32 @!p0 $0x1082;
	s9 =	sld [smem:$0x3FB4]  }
0x2f: {  	lr =	sadd.s32 s0, s3;
	s0 =	sld [smem:$0x3FAB]  }
0x30: {  	s3 =	sld [smem:$0x3FAE]  }
0x31: {  	[smem:$0x3FB7] =	sst s10  }
0x32: {  	s10 =	sld [smem:$0x3FB5];
	_ =	sdelay $0x3  }
0x33: {  	p0 =	seq.s32 s10, $0x1;
	s10 =	sld [smem:$0x3FB7];
	_ =	sdelay $0x3  }
0x34: {  	[smem:$0x3FB7] =	sst s10  }
0x35: {  	s10 =	sld [smem:$0x3FB6];
	_ =	sdelay $0x3  }
0x36: {  	p1 =	seq.s32 s10, $0x1;
	s10 =	sld [smem:$0x3FB7];
	_ =	sdelay $0x3  }
0x37: {  	[smem:$0x3FB7] =	sst s10  }
0x38: {  	s10 =	sld [smem:$0x3FB8]  }
0x39: {  	_ = 	snop;
	(pc) =	sbr.ind lr, $3  }
0x3a: {  	_ = 	snop  }
0x3b: {  	_ = 	snop  }
0x3c: {  	p2 =	seq.s32 s10, $0x1;
	s10 =	sld [smem:$0x3FB7]  }
0x3d: {  	_ =	shalt  }
0x3e: {  	_ =	shalt  }
0x3f: {  	_ =	shalt  }
0x40: {  	_ =	shalt  }
0x41: {  	_ =	shalt  }
0x42: {  	_ =	shalt  }
0x43: {  	_ =	shalt  }
0x44: {  	_ =	shalt  }
0x45: {  	_ =	shalt  }
0x46: {  	_ =	shalt  }
0x47: {  	_ =	shalt  }
0x48: {  	_ =	shalt  }
0x49: {  	_ =	shalt  }
0x4a: {  	_ =	shalt  }
0x4b: {  	_ =	shalt  }
0x4c: {  	_ =	shalt  }
0x4d: {  	_ =	shalt  }
0x4e: {  	_ =	shalt  }
0x4f: {  	_ =	shalt  }
0x50: {  	_ =	shalt  }
0x51: {  	_ =	shalt  }
0x52: {  	_ =	shalt  }
0x53: {  	_ =	shalt  }
0x54: {  	_ =	shalt  }
0x55: {  	_ =	shalt  }
0x56: {  	_ =	shalt  }
0x57: {  	_ =	shalt  }
0x58: {  	_ =	shalt  }
0x59: {  	_ =	shalt  }
0x5a: {  	_ =	shalt  }
0x5b: {  	_ =	shalt  }
0x5c: {  	_ =	shalt  }
0x5d: {  	_ =	shalt  }
0x5e: {  	_ =	shalt  }
0x5f: {  	_ =	shalt  }
0x60: {  	_ =	shalt  }
0x61: {  	_ =	shalt  }
0x62: {  	_ =	shalt  }
0x63: {  	_ =	shalt  }
0x64: {  	_ =	shalt  }
0x65: {  	_ =	shalt  }
0x66: {  	_ =	shalt  }
0x67: {  	_ =	shalt  }
0x68: {  	_ =	shalt  }
0x69: {  	_ =	shalt  }
0x6a: {  	_ =	shalt  }
0x6b: {  	_ =	shalt  }
0x6c: {  	_ =	shalt  }
0x6d: {  	_ =	shalt  }
0x6e: {  	_ =	shalt  }
0x6f: {  	_ =	shalt  }
0x70: {  	_ =	shalt  }
0x71: {  	_ =	shalt  }
0x72: {  	_ =	shalt  }
0x73: {  	_ =	shalt  }
0x74: {  	_ =	shalt  }
0x75: {  	_ =	shalt  }
0x76: {  	_ =	shalt  }
0x77: {  	_ =	shalt  }
0x78: {  	_ =	shalt  }
0x79: {  	_ =	shalt  }
0x7a: {  	_ =	shalt  }
0x7b: {  	_ =	shalt  }
0x7c: {  	_ =	shalt  }
0x7d: {  	_ =	shalt  }
0x7e: {  	_ =	shalt  }
0x7f: {  	_ =	shalt  }
0x80: {  	_ =	shalt  }
0x81: {  	_ =	shalt  }
0x82: {  	_ =	shalt  }
0x83: {  	_ =	shalt  }
0x84: {  	_ =	shalt  }
0x85: {  	_ =	shalt  }
0x86: {  	_ =	shalt  }
0x87: {  	_ =	shalt  }
.Lfunc_end0:
.L_simem_size_0:
called_computation_lowered:
.L_overlay_start_0:
0x88: {  	s2 =	sld [smem:$0x3FD9]  }
0x89: {  	s3 =	sld [smem:$0x3FFE];
	_ =	sdelay $0x1  }
0x8a: {  	s1 =	srdreg.scid  }
0x8b: {  	s0 =	sand.u32 $0x1, s1  }
0x8c: {  	s17 =	sshll.u32 s0, $0xA;
	s2 =	sadd.s32 s3, s2  }
0x8d: {  	s2 =	sadd.s32 s2, s17  }
0x8e: {  	[smem:$0x3FC3] =	sst s2  }
0x8f: {  	_ = 	snop  }
0x90: {  	s2 =	sld [smem:$0x3FC8]  }
0x91: {  	s18 =	sld [smem:$0x3FC7]  }
0x92: {  	s4 =	sld [smem:$0x3FC6]  }
0x93: {  	s5 =	sld [smem:$0x3FC5]  }
0x94: {  	s6 =	sld [smem:$0x3FD0];
	(tm) =	ssettm $0x1  }
0x95: {  	s7 =	sld [smem:$0x3FFB];
	_ =	sdelay $0x3  }
0x96: {  	_ =	strace s7  }
0x97: {  	s7 =	sld [smem:$0x3FFC];
	_ =	sdelay $0x3  }
0x98: {  	_ =	strace s7  }
0x99: {  	s7 =	sld [smem:$0x3FFD];
	_ =	sdelay $0x3  }
0x9a: {  	_ =	strace s7  }
0x9b: {  	_ =	strace $0x8FFFFFFF  }
0x9c: {  	s19 =	sld [smem:$0x3FDB];
	_ =	sdelay $0x1  }
0x9d: {  	s8 =	simm.s32 $_scs_section_size  }
0x9e: {  	s9 =	simm.s32 $_size__tile_overlayer_lowered;
	s10 =	simm.s32 $_tile_overlayer_lowered  }
0x9f: {  	s22 =	simm.s32 $0x1BFF;
	s21 =	sshll.u32 s10, $0x1;
	s7 =	sadd.s32 s8, s19  }
0xa0: {  	s11 =	simm.s32 $0x0;
	s20 =	sshll.u32 s9, $0x1;
	s9 =	sadd.s32 s21, s7  }
0xa1: {  	[timem:s11], [sflag:s22] =	dma.local [hbm:s9], s20  }
0xa2: {  	_ =	swait.ge [sflag:s22], s20  }
0xa3: {  	s8 =	ssub.s32 $0x0, s20;
	[sflag:s22] =	ssyncset.done $0x0  }
0xa4: {  	[sflag:s22] =	ssyncadd.s32 s8;
	_ =	sdelay $0x1  }
0xa5: {  	s23 =	simm.s32 $0x1B8B  }
0xa6: {  	_ =	swait.ge [sflag:s23], $0x1  }
0xa7: {  	[sflag:s23] =	ssyncset.done $0x0  }
0xa8: {  	s25 =	simm.s32 $0x1B8E;
	s24 =	sld [smem:$0x3FFE];
	[sflag:s23] =	ssyncadd.s32 $0xFFFFFFFF  }
0xa9: {  	s26 =	simm.s32 $execute0_lowered;
	[smem:$0x3FD2] =	sst s25  }
0xaa: {  	s9 =	sshll.u32 s26, $0x1;
	_ =	strace $0x80000046;
	[dreg:$0x1] =	wrdreg $0xFFFFFFFF  }
0xab: {  	s28 =	simm.s32 $_size_execute0_lowered;
	s7 =	sadd.s32 s7, s9;
	[dreg:$0x0] =	wrdreg $0x0  }
0xac: {  	s9 =	sshll.u32 s28, $0x1;
	[dreg:$0x2] =	wrdreg s7  }
0xad: {  	[dreg:$0x3] =	wrdreg s9  }
0xae: {  	[dreg:$0x4] =	wrdreg $0xC0  }
0xaf: {  	_ =	task [dreg:s11], $0x5FFFF  }
0xb0: {  	[dreg:$0x1] =	wrdreg $0xFFFFFFFF  }
0xb1: {  	[dreg:$0x0] =	wrdreg $0x60  }
0xb2: {  	[dreg:$0x2] =	wrdreg s24  }
0xb3: {  	[dreg:$0x3] =	wrdreg s2  }
0xb4: {  	[dreg:$0x4] =	wrdreg s18  }
0xb5: {  	[dreg:$0x5] =	wrdreg s4  }
0xb6: {  	[dreg:$0x6] =	wrdreg s5  }
0xb7: {  	[dreg:$0x7] =	wrdreg s6  }
0xb8: {  	[dreg:$0x8] =	wrdreg $0x9  }
0xb9: {  	_ =	task.clear_ibuf [dreg:s11], $0x9FFFF;
	_ =	strace $0x90000046  }
0xba: {  	s29 =	simm.s32 $0x9;
	_ =	strace $0x80000048  }
0xbb: {  	_ =	swait.ge [sflag:s29], $0x1  }
0xbc: {  	[sflag:s29] =	ssyncadd.s32 $0xFFFFFFFF  }
0xbd: {  	_ =	strace $0x90000048  }
0xbe: {  	_ =	sfence  }
0xbf: {  	s30 =	sld [smem:$0x0];
	_ =	sdelay $0x2  }
0xc0: {  	s31 =	sshll.u32 s1, $0xD;
	s1 =	sshrl.u32 s1, $0x2  }
0xc1: {  	s3 =	sand.u32 $0x4000, s31;
	s1 =	sadd.s32 s1, s30  }
0xc2: {  	s0 =	sor.u32 s3, s0;
	s1 =	sshll.u32 s1, $0x11  }
0xc3: {  	s0 =	sor.u32 s1, s0  }
0xc4: {  	s0 =	sadd.s32 $0x8F2B, s0  }
0xc5: {  	[sflag:s0] =	ssyncadd.remote.s32 $0x1  }
0xc6: {  	_ =	sfence.sel $0xFFFF  }
0xc7: {  	[dreg:$0x0] =	wrdreg $0xFFFFFFFF;
	(pc) =	sbr.abs _section_cstart, $3  }
0xc8: {  	[dreg:$0x1] =	wrdreg $0xFFFFFFFF  }
0xc9: {  	_ =	task.clear_ibuf [dreg:s11], $0x2FFFF;
	_ =	strace $0x9FFFFFFF  }
0xca: {  	(tm) =	ssettm $0x7FFFFFFF  }
0xcb: {  	_ =	shalt  }
tec
execute0_lowered:
.L_overlay_start_1:
0x0: {  	(tag) =	ssettag $0x1  }
0x1: {  	s1 =	srdreg.scid;
	s2 =	stileid.u32  }
0x2: {  	s0 =	rddreg [dreg:$0x0];
	s1 =	sand.u32 $0x1, s1;
	s2 =	sshll.u32 s2, $0x1  }
0x3: {  	s5 =	rddreg [dreg:$0x1];
	s6 =	simm.s32 $0x0;
	s2 =	sor.u32 s1, s2  }
0x4: {  	[smem:$0x7FF] =	sst s6;
	s3 =	smul.u32 $0x500, s2  }
0x5: {  	s7 =	sadd.s32 $0x400, s0;
	_ =	strace $0x80000047;
	s29 =	smul.u32 $0x50, s2  }
0x6: {  	s1 =	ssub.s32 $0x2, s1;
	[dreg:$0x7] =	wrdreg s7;
	s4 =	smul.u32 $0x320, s2  }
0x7: {  	s28 =	sshrl.u32 s1, $0x1;
	[dreg:$0x8] =	wrdreg s29;
	s30 =	sadd.s32 s7, s3  }
0x8: {  	s0 =	ssub.s32 s1, s28;
	s31 =	sadd.s32 s5, s4;
	[dreg:$0x9] =	wrdreg s30  }
0x9: {  	s0 =	smax.u32 s0, $0x1;
	[dreg:$0xa] =	wrdreg s31  }
0xa: {  	s2 =	simm.s32 $0x0;
	[dreg:$0xb] =	wrdreg s0  }
.LBB2_1:
0xb: {  	[dreg:$0xc] =	wrdreg s2  }
0xc: {  	s0 =	rddreg [dreg:$0x4];
	s1 =	simm.s32 $0xA200;
	s22 =	simm.s32 $0x5  }
0xd: {  	[tilespmem:s1], [sflag:$0x5] =	stream.linear.gather [hbm4b:s0+s6], $0x6800, $0x38;
	[tilespmem:$0x10C00] =	vst v63  }
0xe: {  	_ =	swait.ge [sflag:s22], $0x6800  }
0xf: {  	[sflag:s22] =	ssyncset.done $0x0  }
0x10: {  	[sflag:s22] =	ssyncadd.s32 $0xFFFF9800  }
0x11: {  	s24 =	simm.s32 $0x10A00;
	s23 =	rddreg [dreg:$0x3]  }
0x12: {  	[tilespmem:s24], [sflag:$0x5] =	stream.linear.gather [hbm4b:s23+s6], $0x180, $0x38;
	[tilespmem:$0x10C00] =	vst v63  }
0x13: {  	_ =	swait.ge [sflag:s22], $0x180  }
0x14: {  	[sflag:s22] =	ssyncset.done $0x0  }
0x15: {  	[sflag:s22] =	ssyncadd.s32 $0xFFFFFE80  }
0x16: {  	v0 =	vld [tilespmem:$0x10A80]  }
0x17: {  	v1 =	vld [tilespmem:$0x10A90]  }
0x18: {  	v2 =	vld [tilespmem:$0x10AA0]  }
0x19: {  	v3 =	vld [tilespmem:$0x10AB0]  }
0x1a: {  	v4 =	vld [tilespmem:$0x10AC0]  }
0x1b: {  	v5 =	vld [tilespmem:$0x10AD0]  }
0x1c: {  	v6 =	vld [tilespmem:$0x10AE0]  }
0x1d: {  	v7 =	vld [tilespmem:$0x10AF0]  }
0x1e: {  	v8 =	vld [tilespmem:$0x10B00]  }
0x1f: {  	v9 =	vld [tilespmem:$0x10B10]  }
0x20: {  	v10 =	vld [tilespmem:$0x10B20]  }
0x21: {  	v11 =	vld [tilespmem:$0x10B30]  }
0x22: {  	v12 =	vld [tilespmem:$0x10B40]  }
0x23: {  	v13 =	vld [tilespmem:$0x10B50]  }
0x24: {  	s25 =	rddreg [dreg:$0x9];
	v14 =	vld [tilespmem:$0x10B60]  }
0x25: {  	v15 =	vld [tilespmem:$0x10B70];
	[tilespmem:s6], [sflag:$0x5] =	stream.linear.gather [hbm4b:s25+s6], $0x80, $0x38  }
0x26: {  	_ =	swait.ge [sflag:s22], $0x80  }
0x27: {  	[sflag:s22] =	ssyncset.done $0x0  }
0x28: {  	s28 =	simm.s32 $0x100;
	s26 =	rddreg [dreg:$0xa];
	[sflag:s22] =	ssyncadd.s32 $0xFFFFFF80  }
0x29: {  	[tilespmem:s28], [sflag:$0x5] =	stream.linear.gather [hbm4b:s26+s6], $0x50, $0x38;
	[tilespmem:$0x10C00] =	vst v63  }
0x2a: {  	_ =	swait.ge [sflag:s22], $0x50  }
0x2b: {  	[sflag:s22] =	ssyncset.done $0x0  }
0x2c: {  	s30 =	simm.s32 $0x50;
	[sflag:s22] =	ssyncadd.s32 $0xFFFFFFB0  }
0x2d: {  	s31 =	simm.s32 $0x200;
	s5 =	simm.s32 $0x0;
	s29 =	rddreg [dreg:$0x2]  }
0x2e: {  	[tilespmem:s31], [sflag:$0x1] =	stream.indirect.gather [hbm4b:s29+s30], $0x80, s6, s30, $0xb8;
	[tilespmem:$0x10C00] =	vst v63  }
.LBB2_2:
0x2f: {  	s0 =	sshllo.u32 s5, $0x1;
	s3 =	rddreg [dreg:$0x8]  }
0x30: {  	s7 =	sadd.s32 s3, s0;
	s0 =	sshll.u32 s0, $0x4  }
0x31: {  	s2 =	rddreg [dreg:$0x7];
	s1 =	sshll.u32 s7, $0x4;
	s0 =	sand.u32 $0x70, s0  }
0x32: {  	s4 =	simm.s32 $0x80;
	s1 =	sand.u32 $0xFFFFF80, s1;
	s0 =	sadd.s32 s2, s0  }
0x33: {  	s22 =	simm.s32 $0x5;
	[dreg:$0xe] =	wrdreg s7;
	s0 =	sadd.s32 s1, s0  }
0x34: {  	[tilespmem:s4], [sflag:$0x5] =	stream.linear.gather [hbm4b:s0+s6], $0x80, $0x38;
	[tilespmem:$0x10C00] =	vst v63  }
0x35: {  	_ =	swait.ge [sflag:s22], $0x80  }
0x36: {  	s21 =	smul.u32 $0x50, s7;
	[sflag:s22] =	ssyncset.done $0x0  }
0x37: {  	[sflag:s22] =	ssyncadd.s32 $0xFFFFFF80  }
0x38: {  	s23 =	sshrl.u32 s21, $0x3;
	s24 =	rddreg [dreg:$0x1]  }
0x39: {  	s25 =	simm.s32 $0x150;
	[dreg:$0xf] =	wrdreg s21;
	s1 =	sadd.s32 s24, s23  }
0x3a: {  	[tilespmem:s25], [sflag:$0x5] =	stream.linear.gather [hbm4b:s1+s6], $0x50, $0x38;
	[tilespmem:$0x10C00] =	vst v63  }
0x3b: {  	_ =	swait.ge [sflag:s22], $0x50  }
0x3c: {  	[sflag:s22] =	ssyncset.done $0x0  }
0x3d: {  	s28 =	simm.s32 $0x50;
	p0 =	seq.s32 s5, $0x0;
	[sflag:s22] =	ssyncadd.s32 $0xFFFFFFB0  }
0x3e: {  	s29 =	simm.s32 $0x2A00;
	s1 =	simm.s32 @!p0 $0x3;
	s26 =	rddreg [dreg:$0x2]  }
0x3f: {  	[tilespmem:s29], [sflag:$0x2] =	stream.indirect.gather [hbm4b:s26+s28], $0x80, s4, s28, $0xb8;
	[tilespmem:$0x10C00] =	vst v63  }
0x40: {  	_ =	swait.ge @!p0 [sflag:s1], $0x2800  }
0x41: {  	[sflag:s1] =	ssyncset.done @!p0 $0x0  }
0x42: {  	s31 =	simm.s32 $0x1;
	[dreg:$0xd] =	wrdreg s5;
	[sflag:s1] =	ssyncadd.s32 @!p0 $0xFFFFD800  }
0x43: {  	s30 =	sshll.u32 s5, $0x1;
	s13 =	simm.s32 $0x0;
	_ =	swait.ge [sflag:s31], $0x2800  }
0x44: {  	s1 =	sadd.s32 s3, s30;
	[dreg:$0x10] =	wrdreg s30;
	[sflag:s31] =	ssyncset.done $0x0  }
0x45: {  	[dreg:$0x11] =	wrdreg s1;
	s25 =	smul.u32 $0x50, s1;
	[sflag:s31] =	ssyncadd.s32 $0xFFFFD800  }
.LBB2_3:
0x46: {  	v16 =	vld [tilespmem:s13+$0x100];
	_ =	sdelay $0x4  }
0x47: {  	(v2sf) =	vpush v16, $0x0;
	_ =	sdelay $0x3  }
0x48: {  	s1 =	sadd.s32 s25, s13  }
0x49: {  	s2 =	smulhi.u32 $0x51EB851F, s1;
	_ =	sdelay $0x1  }
0x4a: {  	s2 =	sshrl.u32 s2, $0x6  }
0x4b: {  	s2 =	smul.u32 $0xC8, s2;
	_ =	sdelay $0x1  }
0x4c: {  	s15 =	sshll.u32 s13, $0x7;
	s1 =	ssub.s32 s1, s2  }
0x4d: {  	v16 =	vld [tilespmem:s15+$0x200];
	s1 =	sshll.u32 s1, $0x7  }
0x4e: {  	v17 =	vld [tilespmem:s1+$0xA200];
	_ =	sdelay $0x2  }
0x4f: {  	s24 =	spop (v2sf)  }
0x50: {  	p1 =	seq.s32 s24, $0x2  }
0x51: {  	v16 =	vadd.f32 v17, v16;
	p0 =	seq.s32 s24, $0x1;
	v18 =	vpsel !p1, $0x0, v8  }
0x52: {  	v17 =	vpsel p0, v0, v18  }
0x53: {  	v16 =	vadd.f32 v17, v16;
	_ =	sdelay $0x1  }
0x54: {  	[tilespmem:s15+$0x5200] =	vst v16;
	v16 =	vld [tilespmem:s15+$0x210]  }
0x55: {  	v17 =	vld [tilespmem:s1+$0xA210];
	_ =	sdelay $0x4  }
0x56: {  	v34 =	vpsel !p1, $0x0, v9;
	v16 =	vadd.f32 v17, v16  }
0x57: {  	v17 =	vpsel p0, v1, v34  }
0x58: {  	v16 =	vadd.f32 v16, v17;
	_ =	sdelay $0x1  }
0x59: {  	[tilespmem:s15+$0x5210] =	vst v16;
	v16 =	vld [tilespmem:s15+$0x220]  }
0x5a: {  	v17 =	vld [tilespmem:s1+$0xA220];
	_ =	sdelay $0x4  }
0x5b: {  	v35 =	vpsel !p1, $0x0, v10;
	v16 =	vadd.f32 v17, v16  }
0x5c: {  	v17 =	vpsel p0, v2, v35  }
0x5d: {  	v16 =	vadd.f32 v16, v17;
	_ =	sdelay $0x1  }
0x5e: {  	[tilespmem:s15+$0x5220] =	vst v16;
	v16 =	vld [tilespmem:s15+$0x230]  }
0x5f: {  	v17 =	vld [tilespmem:s1+$0xA230];
	_ =	sdelay $0x4  }
0x60: {  	v36 =	vpsel !p1, $0x0, v11;
	v16 =	vadd.f32 v17, v16  }
0x61: {  	v17 =	vpsel p0, v3, v36  }
0x62: {  	v16 =	vadd.f32 v16, v17;
	v17 =	vld [tilespmem:s13+$0x101];
	_ =	sdelay $0x1  }
0x63: {  	[tilespmem:s15+$0x5230] =	vst v16;
	v16 =	vld [tilespmem:s15+$0x240]  }
0x64: {  	v37 =	vld [tilespmem:s1+$0xA240];
	_ =	sdelay $0x1  }
0x65: {  	v19 =	vld [tilespmem:s13+$0x102];
	(v2sf) =	vpush v17, $0x0;
	_ =	sdelay $0x1  }
0x66: {  	v38 =	vld [tilespmem:s13+$0x103];
	s26 =	sor.u32 $0x1, s13  }
0x67: {  	s7 =	sor.u32 $0x2, s13;
	s4 =	sadd.s32 s25, s26;
	v17 =	vpsel !p1, $0x0, v12;
	v16 =	vadd.f32 v37, v16  }
0x68: {  	s10 =	sor.u32 $0x3, s13;
	s8 =	sadd.s32 s25, s7;
	s6 =	smulhi.u32 $0x51EB851F, s4;
	v17 =	vpsel p0, v4, v17  }
0x69: {  	s31 =	sor.u32 $0x4, s13;
	s11 =	sadd.s32 s25, s10;
	s9 =	smulhi.u32 $0x51EB851F, s8;
	(v2sf) =	vpush v19, $0x0;
	v16 =	vadd.f32 v16, v17;
	v17 =	vld [tilespmem:s13+$0x104]  }
0x6a: {  	s19 =	sor.u32 $0x5, s13;
	s3 =	sadd.s32 s25, s31;
	s28 =	smulhi.u32 $0x51EB851F, s11  }
0x6b: {  	s16 =	sshll.u32 s26, $0x7;
	s20 =	sadd.s32 s25, s19;
	s12 =	smulhi.u32 $0x51EB851F, s3;
	(v2sf) =	vpush v38, $0x0  }
0x6c: {  	s18 =	sshll.u32 s7, $0x7;
	s21 =	smulhi.u32 $0x51EB851F, s20;
	s0 =	simm.s32 @!p1 $0x0  }
0x6d: {  	s6 =	sshrl.u32 s6, $0x6;
	s9 =	sshrl.u32 s9, $0x6;
	s0 =	simm.s32 @p1 $0x1  }
0x6e: {  	s6 =	smul.u32 $0xC8, s6;
	[smem:$0x7E3] =	sst s0;
	s0 =	simm.s32 @!p0 $0x0;
	(v2sf) =	vpush v17, $0x0;
	v17 =	vld [tilespmem:s13+$0x105]  }
0x6f: {  	v41 =	vld [tilespmem:s16+$0x200];
	s30 =	sshrl.u32 s28, $0x6;
	s9 =	smul.u32 $0xC8, s9;
	s0 =	simm.s32 @p0 $0x1  }
0x70: {  	v42 =	vld [tilespmem:s18+$0x200];
	s12 =	sshrl.u32 s12, $0x6;
	[smem:$0x7E4] =	sst s0;
	s0 =	smul.u32 $0xC8, s30  }
0x71: {  	s10 =	sshll.u32 s10, $0x7;
	s17 =	smul.u32 $0xC8, s12;
	s4 =	ssub.s32 s4, s6;
	[tilespmem:s15+$0x5240] =	vst v16;
	v16 =	vld [tilespmem:s15+$0x250]  }
0x72: {  	s29 =	ssub.s32 s8, s9;
	s6 =	sshll.u32 s4, $0x7;
	s4 =	ssub.s32 s11, s0;
	v39 =	vld [tilespmem:s1+$0xA250]  }
0x73: {  	v43 =	vld [tilespmem:s10+$0x200];
	s7 =	sshll.u32 s4, $0x7;
	s4 =	ssub.s32 s3, s17;
	s5 =	spop (v2sf);
	(v2sf) =	vpush v17, $0x0  }
0x74: {  	s2 =	sshll.u32 s29, $0x7;
	v20 =	vld [tilespmem:s6+$0xA200];
	s8 =	sshll.u32 s4, $0x7;
	s4 =	sshrl.u32 s21, $0x6  }
0x75: {  	v21 =	vld [tilespmem:s2+$0xA200];
	s4 =	smul.u32 $0xC8, s4  }
0x76: {  	v44 =	vld [tilespmem:s16+$0x210];
	s12 =	sshll.u32 s19, $0x7  }
0x77: {  	v40 =	vpsel !p1, $0x0, v13;
	s11 =	sshll.u32 s31, $0x7;
	v23 =	vld [tilespmem:s7+$0xA200];
	s4 =	ssub.s32 s20, s4;
	v16 =	vadd.f32 v39, v16;
	p1 =	seq.s32 s5, $0x1  }
0x78: {  	v49 =	vld [tilespmem:s18+$0x210];
	v18 =	vpsel p0, v5, v40;
	p3 =	seq.s32 s5, $0x2;
	s14 =	spop (v2sf);
	s0 =	simm.s32 @!p1 $0x0  }
0x79: {  	v51 =	vld [tilespmem:s10+$0x210];
	v19 =	vadd.f32 v20, v41;
	v16 =	vadd.f32 v16, v18;
	v22 =	vpsel !p3, $0x0, v8;
	p2 =	seq.s32 s14, $0x1;
	p5 =	seq.s32 s14, $0x2;
	s0 =	simm.s32 @p1 $0x1  }
0x7a: {  	v52 =	vld [tilespmem:s12+$0x200];
	v18 =	vadd.f32 v21, v42;
	s14 =	spop (v2sf);
	v22 =	vpsel p1, v0, v22;
	v24 =	vpsel !p5, $0x0, v8;
	[smem:$0x7E7] =	sst s0;
	s0 =	simm.s32 @!p5 $0x0  }
0x7b: {  	v46 =	vld [tilespmem:s11+$0x200];
	s4 =	sshll.u32 s4, $0x7;
	p6 =	seq.s32 s14, $0x2;
	v19 =	vadd.f32 v22, v19;
	v45 =	vpsel p2, v0, v24;
	s0 =	simm.s32 @p5 $0x1  }
0x7c: {  	v47 =	vld [tilespmem:s8+$0xA200];
	v20 =	vadd.f32 v23, v43;
	p0 =	seq.s32 s14, $0x1;
	v25 =	vpsel !p6, $0x0, v8;
	v18 =	vadd.f32 v45, v18;
	[smem:$0x7E6] =	sst s0;
	s0 =	simm.s32 @!p2 $0x0  }
0x7d: {  	v54 =	vld [tilespmem:s4+$0xA200];
	v25 =	vpsel p0, v0, v25;
	[tilespmem:s16+$0x5200] =	vst v19;
	s0 =	simm.s32 @p2 $0x1  }
0x7e: {  	v20 =	vadd.f32 v25, v20;
	v48 =	vld [tilespmem:s6+$0xA210];
	[tilespmem:s18+$0x5200] =	vst v18;
	[smem:$0x7E8] =	sst s0;
	s0 =	simm.s32 @!p0 $0x0;
	s22 =	spop (v2sf)  }
0x7f: {  	v50 =	vld [tilespmem:s2+$0xA210];
	s0 =	simm.s32 @p0 $0x1;
	p0 =	seq.s32 s22, $0x2  }
0x80: {  	v58 =	vld [tilespmem:s16+$0x220];
	v27 =	vpsel !p3, $0x0, v9;
	[tilespmem:s10+$0x5200] =	vst v20;
	[smem:$0x7EA] =	sst s0;
	s0 =	simm.s32 @!p0 $0x0  }
0x81: {  	v55 =	vpsel p1, v1, v27;
	v56 =	vld [tilespmem:s7+$0xA210];
	p4 =	seq.s32 s22, $0x1;
	s0 =	simm.s32 @p0 $0x1  }
0x82: {  	v30 =	vld [tilespmem:s18+$0x220];
	v59 =	vpsel !p5, $0x0, v9;
	v19 =	vadd.f32 v47, v46;
	v26 =	vpsel !p0, $0x0, v8;
	[smem:$0x7EB] =	sst s0;
	s0 =	simm.s32 @!p3 $0x0;
	s23 =	spop (v2sf)  }
0x83: {  	v33 =	vld [tilespmem:s10+$0x220];
	v22 =	vadd.f32 v54, v52;
	s24 =	sld [smem:$0x7EA];
	v21 =	vadd.f32 v48, v44;
	v53 =	vpsel p4, v0, v26;
	s0 =	simm.s32 @p3 $0x1;
	p0 =	seq.s32 s23, $0x2  }
0x84: {  	v61 =	vld [tilespmem:s11+$0x210];
	v60 =	vpsel p2, v1, v59;
	v18 =	vadd.f32 v50, v49;
	v19 =	vadd.f32 v53, v19;
	[smem:$0x7E5] =	sst s0;
	s0 =	simm.s32 @!p0 $0x0  }
0x85: {  	v35 =	vld [tilespmem:s12+$0x210];
	[tilespmem:s15+$0x5250] =	vst v16;
	v31 =	vpsel !p6, $0x0, v9;
	v57 =	vadd.f32 v21, v55;
	v29 =	vpsel !p0, $0x0, v8;
	s0 =	simm.s32 @p0 $0x1;
	p0 =	seq.s32 s23, $0x1  }
0x86: {  	v16 =	vld [tilespmem:s15+$0x260];
	v25 =	vadd.f32 v56, v51;
	p2 =	seq.s32 s24, $0x1;
	v18 =	vadd.f32 v18, v60;
	[tilespmem:s11+$0x5200] =	vst v19;
	v26 =	vpsel p0, v0, v29  }
0x87: {  	v17 =	vld [tilespmem:s1+$0xA260];
	v24 =	vpsel p2, v1, v31;
	[tilespmem:s16+$0x5210] =	vst v57;
	v22 =	vadd.f32 v26, v22  }
0x88: {  	v24 =	vadd.f32 v25, v24;
	v62 =	vld [tilespmem:s8+$0xA210];
	[tilespmem:s18+$0x5210] =	vst v18;
	[smem:$0x7EC] =	sst s0;
	s0 =	simm.s32 @!p0 $0x0  }
0x89: {  	s26 =	sld [smem:$0x7EB];
	v63 =	vld [tilespmem:s6+$0xA220];
	s0 =	simm.s32 @p0 $0x1;
	[tilespmem:s12+$0x5200] =	vst v22  }
0x8a: {  	v32 =	vld [tilespmem:s2+$0xA220];
	[smem:$0x7EE] =	sst s0;
	[tilespmem:s10+$0x5210] =	vst v24  }
0x8b: {  	v24 =	vld [tilespmem:s4+$0xA210]  }
0x8c: {  	v38 =	vld [tilespmem:s7+$0xA220]  }
0x8d: {  	v39 =	vld [tilespmem:s16+$0x230]  }
0x8e: {  	s28 =	sld [smem:$0x7E7];
	v41 =	vld [tilespmem:s11+$0x220]  }
0x8f: {  	s29 =	sld [smem:$0x7E6];
	v45 =	vld [tilespmem:s18+$0x230]  }
0x90: {  	s30 =	sld [smem:$0x7E8];
	v49 =	vld [tilespmem:s10+$0x230]  }
0x91: {  	s31 =	sld [smem:$0x7EC];
	v51 =	vld [tilespmem:s12+$0x220]  }
0x92: {  	v36 =	vpsel !p3, $0x0, v10;
	p1 =	seq.s32 s26, $0x1;
	s3 =	sld [smem:$0x7EE];
	v56 =	vld [tilespmem:s16+$0x240]  }
0x93: {  	v34 =	vpsel !p1, $0x0, v9;
	s0 =	simm.s32 @!p4 $0x0;
	v19 =	vadd.f32 v62, v61;
	v21 =	vadd.f32 v63, v58;
	s9 =	sld [smem:$0x7E6];
	v58 =	vld [tilespmem:s11+$0x230]  }
0x94: {  	v46 =	vpsel !p6, $0x0, v10;
	p5 =	por p4, p4;
	v50 =	vpsel !p1, $0x0, v10;
	v37 =	vpsel p4, v1, v34;
	s0 =	simm.s32 @p4 $0x1;
	s5 =	sld [smem:$0x7E5];
	v62 =	vld [tilespmem:s18+$0x240]  }
0x95: {  	v53 =	vpsel p5, v2, v50;
	v18 =	vadd.f32 v32, v30;
	v32 =	vld [tilespmem:s10+$0x240];
	v19 =	vadd.f32 v19, v37;
	p4 =	seq.s32 s28, $0x1;
	p3 =	seq.s32 s29, $0x1;
	p0 =	seq.s32 s31, $0x1  }
0x96: {  	s14 =	sld [smem:$0x7E8];
	v34 =	vld [tilespmem:s12+$0x230];
	p5 =	seq.s32 s9, $0x1;
	v22 =	vpsel p4, v2, v36;
	v40 =	vpsel !p3, $0x0, v10;
	v44 =	vpsel !p0, $0x0, v9  }
0x97: {  	v29 =	vld [tilespmem:s13+$0x107];
	[tilespmem:s11+$0x5210] =	vst v19;
	p3 =	seq.s32 s30, $0x1;
	v57 =	vpsel !p5, $0x0, v11;
	v61 =	vpsel !p0, $0x0, v10;
	v21 =	vadd.f32 v21, v22  }
0x98: {  	v42 =	vld [tilespmem:s8+$0xA220];
	v23 =	vpsel p3, v2, v40;
	v20 =	vadd.f32 v24, v35;
	p3 =	seq.s32 s3, $0x1;
	v24 =	vpsel p2, v2, v46;
	p2 =	seq.s32 s5, $0x1  }
0x99: {  	v18 =	vadd.f32 v18, v23;
	v52 =	vpsel !p2, $0x0, v11;
	p2 =	seq.s32 s14, $0x1;
	v30 =	vpsel p3, v2, v61;
	v61 =	vld [tilespmem:s16+$0x260]  }
0x9a: {  	[smem:$0x7ED] =	sst s0;
	v25 =	vadd.f32 v38, v33;
	v47 =	vpsel p3, v1, v44;
	[tilespmem:s16+$0x5220] =	vst v21;
	v23 =	vpsel p2, v3, v57;
	v57 =	vld [tilespmem:s13+$0x106]  }
0x9b: {  	s19 =	sld [smem:$0x7EB];
	v20 =	vadd.f32 v20, v47;
	v43 =	vld [tilespmem:s6+$0xA230];
	[tilespmem:s18+$0x5220] =	vst v18  }
0x9c: {  	s21 =	sld [smem:$0x7ED];
	v24 =	vadd.f32 v25, v24;
	v48 =	vld [tilespmem:s2+$0xA230]  }
0x9d: {  	v19 =	vadd.f32 v42, v41;
	[tilespmem:s12+$0x5210] =	vst v20;
	v41 =	vld [tilespmem:s11+$0x240]  }
0x9e: {  	p1 =	por p4, p4;
	v21 =	vpsel p4, v3, v52;
	p4 =	seq.s32 s19, $0x1;
	[tilespmem:s10+$0x5220] =	vst v24;
	v54 =	vld [tilespmem:s4+$0xA220]  }
0x9f: {  	p3 =	seq.s32 s21, $0x1;
	v33 =	vpsel !p4, $0x0, v11;
	v55 =	vld [tilespmem:s7+$0xA230];
	v19 =	vadd.f32 v19, v53  }
0xa0: {  	v36 =	vpsel p3, v3, v33;
	v33 =	vld [tilespmem:s18+$0x260]  }
0xa1: {  	v22 =	vadd.f32 v43, v39;
	[tilespmem:s11+$0x5220] =	vst v19;
	v39 =	vld [tilespmem:s16+$0x250]  }
0xa2: {  	s17 =	sld [smem:$0x7EA];
	v18 =	vadd.f32 v48, v45;
	v59 =	vld [tilespmem:s8+$0xA230]  }
0xa3: {  	s20 =	sld [smem:$0x7E5];
	v45 =	vld [tilespmem:s18+$0x250];
	v21 =	vadd.f32 v22, v21;
	v20 =	vadd.f32 v54, v51  }
0xa4: {  	s22 =	sld [smem:$0x7EC];
	s3 =	sor.u32 $0x6, s13;
	v25 =	vadd.f32 v55, v49;
	v49 =	vld [tilespmem:s10+$0x250];
	v18 =	vadd.f32 v18, v23  }
0xa5: {  	v63 =	vpsel !p6, $0x0, v11;
	s24 =	sld [smem:$0x7EB];
	p0 =	seq.s32 s17, $0x1;
	s5 =	sadd.s32 s25, s3;
	v51 =	vld [tilespmem:s12+$0x240];
	[tilespmem:s16+$0x5230] =	vst v21;
	v20 =	vadd.f32 v20, v30  }
0xa6: {  	s23 =	sld [smem:$0x7EE];
	s17 =	smulhi.u32 $0x51EB851F, s5;
	p4 =	seq.s32 s20, $0x1;
	v24 =	vpsel p0, v3, v63;
	v60 =	vld [tilespmem:s6+$0xA240];
	[tilespmem:s18+$0x5230] =	vst v18  }
0xa7: {  	s26 =	sld [smem:$0x7E7];
	v35 =	vpsel !p4, $0x0, v12;
	v24 =	vadd.f32 v25, v24;
	v31 =	vld [tilespmem:s2+$0xA240];
	v19 =	vadd.f32 v59, v58;
	[tilespmem:s12+$0x5220] =	vst v20  }
0xa8: {  	v40 =	vpsel !p5, $0x0, v12;
	s17 =	sshrl.u32 s17, $0x6;
	v21 =	vpsel p1, v4, v35;
	p1 =	seq.s32 s24, $0x1;
	v37 =	vld [tilespmem:s4+$0xA230]  }
0xa9: {  	s0 =	simm.s32 @!p6 $0x0;
	s17 =	smul.u32 $0xC8, s17;
	v23 =	vpsel p2, v4, v40;
	p2 =	seq.s32 s22, $0x1;
	v50 =	vpsel !p1, $0x0, v12;
	[tilespmem:s10+$0x5230] =	vst v24;
	v59 =	vld [tilespmem:s11+$0x250];
	v19 =	vadd.f32 v19, v36  }
0xaa: {  	v44 =	vpsel !p2, $0x0, v11;
	p2 =	seq.s32 s23, $0x1;
	v52 =	vpsel p3, v4, v50;
	p3 =	seq.s32 s26, $0x1;
	s26 =	sshll.u32 s3, $0x7;
	v38 =	vld [tilespmem:s7+$0xA240]  }
0xab: {  	s0 =	simm.s32 @p6 $0x1;
	s17 =	ssub.s32 s5, s17;
	v47 =	vpsel p2, v3, v44;
	v44 =	vld [tilespmem:s26+$0x200];
	v22 =	vadd.f32 v60, v56;
	[tilespmem:s11+$0x5230] =	vst v19  }
0xac: {  	[smem:$0x7E9] =	sst s0;
	s0 =	sshll.u32 s17, $0x7;
	v18 =	vadd.f32 v31, v62;
	v42 =	vld [tilespmem:s8+$0xA240]  }
0xad: {  	v31 =	vld [tilespmem:s0+$0xA200];
	v21 =	vadd.f32 v22, v21;
	v20 =	vadd.f32 v37, v34  }
0xae: {  	v37 =	vld [tilespmem:s12+$0x250];
	v18 =	vadd.f32 v18, v23  }
0xaf: {  	v46 =	vpsel !p6, $0x0, v12;
	v25 =	vadd.f32 v38, v32;
	[tilespmem:s16+$0x5240] =	vst v21;
	v20 =	vadd.f32 v20, v47;
	v47 =	vld [tilespmem:s13+$0x108]  }
0xb0: {  	v24 =	vpsel p0, v4, v46;
	v43 =	vld [tilespmem:s6+$0xA250];
	[tilespmem:s18+$0x5240] =	vst v18  }
0xb1: {  	s30 =	sld [smem:$0x7EA];
	(v2sf) =	vpush v57, $0x0;
	v24 =	vadd.f32 v25, v24;
	v48 =	vld [tilespmem:s2+$0xA250]  }
0xb2: {  	s28 =	sld [smem:$0x7E8];
	v19 =	vadd.f32 v42, v41;
	[tilespmem:s12+$0x5230] =	vst v20;
	v41 =	vld [tilespmem:s11+$0x260]  }
0xb3: {  	s29 =	sld [smem:$0x7EC];
	v54 =	vpsel !p4, $0x0, v13;
	[tilespmem:s10+$0x5240] =	vst v24;
	v53 =	vld [tilespmem:s4+$0xA240]  }
0xb4: {  	s9 =	sld [smem:$0x7E3];
	v58 =	vpsel !p5, $0x0, v13;
	p5 =	seq.s32 s30, $0x1;
	v55 =	vld [tilespmem:s7+$0xA250];
	v19 =	vadd.f32 v19, v52;
	v52 =	vpsel !p6, $0x0, v14  }
0xb5: {  	s19 =	sld [smem:$0x7E4];
	v56 =	vpsel p3, v5, v54;
	v54 =	vpsel p5, v6, v52;
	v52 =	vld [tilespmem:s26+$0x230]  }
0xb6: {  	v16 =	vadd.f32 v17, v16;
	s20 =	sld [smem:$0x7E5];
	p0 =	seq.s32 s29, $0x1;
	v22 =	vadd.f32 v43, v39;
	v39 =	vld [tilespmem:s10+$0x260]  }
0xb7: {  	(v2sf) =	vpush v29, $0x0;
	s29 =	sld [smem:$0x7EC];
	v28 =	vpsel !p0, $0x0, v13;
	v62 =	vpsel !p0, $0x0, v12;
	p0 =	seq.s32 s9, $0x1;
	[tilespmem:s11+$0x5240] =	vst v19;
	v43 =	vld [tilespmem:s12+$0x260]  }
0xb8: {  	v34 =	vpsel !p6, $0x0, v13;
	v30 =	vpsel !p0, $0x0, v14;
	p0 =	seq.s32 s19, $0x1;
	v18 =	vadd.f32 v48, v45;
	v60 =	vld [tilespmem:s8+$0xA250]  }
0xb9: {  	p4 =	seq.s32 s28, $0x1;
	s23 =	sor.u32 $0x7, s13;
	s3 =	sld [smem:$0x7E6];
	v45 =	vpsel p0, v6, v30;
	v21 =	vadd.f32 v22, v56;
	v20 =	vadd.f32 v53, v51;
	v53 =	vld [tilespmem:s13+$0x109]  }
0xba: {  	v25 =	vpsel p5, v5, v34;
	p5 =	seq.s32 s29, $0x1;
	s29 =	sshll.u32 s23, $0x7;
	p0 =	seq.s32 s20, $0x1;
	v22 =	vpsel p4, v5, v58;
	v16 =	vadd.f32 v16, v45;
	v58 =	vld [tilespmem:s13+$0x10A]  }
0xbb: {  	v46 =	vpsel !p0, $0x0, v14;
	v18 =	vadd.f32 v18, v22;
	v22 =	vpsel p2, v4, v62;
	v62 =	vld [tilespmem:s29+$0x200];
	[tilespmem:s16+$0x5250] =	vst v21  }
0xbc: {  	s31 =	sld [smem:$0x7ED];
	s28 =	sor.u32 $0x8, s13;
	v48 =	vpsel p3, v6, v46;
	p3 =	seq.s32 s3, $0x1;
	[tilespmem:s15+$0x5260] =	vst v16;
	v63 =	vld [tilespmem:s6+$0xA260]  }
0xbd: {  	s22 =	sld [smem:$0x7EB];
	s20 =	sshll.u32 s28, $0x7;
	v23 =	vadd.f32 v55, v49;
	v20 =	vadd.f32 v20, v22;
	v49 =	vpsel !p3, $0x0, v14;
	v16 =	vld [tilespmem:s1+$0xA270]  }
0xbe: {  	[tilespmem:s18+$0x5250] =	vst v18;
	v50 =	vpsel p4, v6, v49;
	v49 =	vld [tilespmem:s20+$0x210]  }
0xbf: {  	v36 =	vpsel !p1, $0x0, v13;
	p1 =	seq.s32 s31, $0x1;
	(v2sf) =	vpush v47, $0x0;
	v35 =	vld [tilespmem:s2+$0xA260];
	[tilespmem:s12+$0x5240] =	vst v20  }
0xc0: {  	s19 =	sor.u32 $0x9, s13;
	s21 =	spop (v2sf);
	v23 =	vadd.f32 v23, v25;
	p3 =	seq.s32 s22, $0x1;
	v19 =	vadd.f32 v60, v59;
	v38 =	vld [tilespmem:s4+$0xA250]  }
0xc1: {  	v25 =	vpsel p1, v5, v36;
	v55 =	vpsel !p3, $0x0, v14;
	p4 =	seq.s32 s21, $0x2;
	p3 =	seq.s32 s21, $0x1;
	s21 =	sshll.u32 s19, $0x7;
	v60 =	vld [tilespmem:s26+$0x210]  }
0xc2: {  	[tilespmem:s10+$0x5250] =	vst v23;
	v36 =	vld [tilespmem:s21+$0x200];
	v19 =	vadd.f32 v19, v25  }
0xc3: {  	v40 =	vld [tilespmem:s7+$0xA260];
	(v2sf) =	vpush v53, $0x0  }
0xc4: {  	v53 =	vld [tilespmem:s21+$0x210];
	(v2sf) =	vpush v58, $0x0;
	[tilespmem:s11+$0x5250] =	vst v19;
	v18 =	vadd.f32 v35, v33  }
0xc5: {  	v42 =	vld [tilespmem:s8+$0xA260];
	v20 =	vadd.f32 v38, v37  }
0xc6: {  	v28 =	vpsel p2, v5, v28;
	v58 =	vld [tilespmem:s29+$0x220];
	v18 =	vadd.f32 v18, v50  }
0xc7: {  	s24 =	sadd.s32 s25, s23;
	v21 =	vadd.f32 v63, v61;
	v33 =	vld [tilespmem:s20+$0x200];
	v17 =	vadd.f32 v20, v28  }
0xc8: {  	s30 =	smulhi.u32 $0x51EB851F, s24;
	s31 =	sadd.s32 s25, s28;
	s9 =	sor.u32 $0xA, s13;
	v35 =	vld [tilespmem:s26+$0x220];
	v23 =	vadd.f32 v40, v39;
	[tilespmem:s18+$0x5260] =	vst v18  }
0xc9: {  	s14 =	sadd.s32 s25, s9;
	s3 =	smulhi.u32 $0x51EB851F, s31;
	v56 =	vpsel !p4, $0x0, v8;
	v40 =	vld [tilespmem:s29+$0x210];
	v20 =	vadd.f32 v31, v44;
	[tilespmem:s12+$0x5250] =	vst v17;
	v17 =	vadd.f32 v21, v48  }
0xca: {  	s23 =	spop (v2sf);
	s22 =	smulhi.u32 $0x51EB851F, s14;
	v57 =	vpsel p3, v0, v56;
	v21 =	vadd.f32 v23, v54;
	v27 =	vadd.f32 v42, v41;
	v18 =	vld [tilespmem:s2+$0xA270];
	s2 =	sshrl.u32 s30, $0x6  }
0xcb: {  	s5 =	sadd.s32 s25, s19;
	p0 =	seq.s32 s23, $0x1;
	v23 =	vpsel p1, v6, v55;
	v20 =	vadd.f32 v57, v20;
	v51 =	vld [tilespmem:s4+$0xA260];
	s2 =	smul.u32 $0xC8, s2;
	[tilespmem:s16+$0x5260] =	vst v17  }
0xcc: {  	p1 =	por p4, p4;
	p4 =	seq.s32 s23, $0x2;
	s23 =	sshll.u32 s9, $0x7;
	[tilespmem:s10+$0x5260] =	vst v21;
	v23 =	vadd.f32 v27, v23;
	v17 =	vld [tilespmem:s6+$0xA270]  }
0xcd: {  	[tilespmem:s26+$0x5200] =	vst v20;
	v19 =	vld [tilespmem:s7+$0xA270];
	s7 =	sshrl.u32 s3, $0x6;
	s2 =	ssub.s32 s24, s2;
	s6 =	smulhi.u32 $0x51EB851F, s5  }
0xce: {  	v61 =	vld [tilespmem:s0+$0xA210];
	s3 =	simm.s32 @!p1 $0x0;
	s24 =	spop (v2sf);
	[tilespmem:s11+$0x5260] =	vst v23;
	s7 =	smul.u32 $0xC8, s7  }
0xcf: {  	s17 =	sshll.u32 s2, $0x7;
	s3 =	simm.s32 @p1 $0x1;
	v20 =	vld [tilespmem:s8+$0xA270];
	s1 =	sshrl.u32 s6, $0x6  }
0xd0: {  	v63 =	vld [tilespmem:s17+$0xA200];
	s6 =	sshrl.u32 s22, $0x6;
	s7 =	ssub.s32 s31, s7;
	s1 =	smul.u32 $0xC8, s1  }
0xd1: {  	v59 =	vpsel !p5, $0x0, v14;
	[smem:$0x7EF] =	sst s3;
	v22 =	vadd.f32 v51, v43;
	s6 =	smul.u32 $0xC8, s6;
	v43 =	vld [tilespmem:s23+$0x200];
	s28 =	sshll.u32 s7, $0x7  }
0xd2: {  	v21 =	vpsel p2, v6, v59;
	s3 =	simm.s32 @!p4 $0x0;
	s30 =	spop (v2sf);
	v34 =	vld [tilespmem:s28+$0xA200];
	s1 =	ssub.s32 s5, s1  }
0xd3: {  	v32 =	vpsel !p1, $0x0, v9;
	s31 =	spop (v2sf);
	v21 =	vadd.f32 v22, v21;
	v22 =	vadd.f32 v61, v60;
	s2 =	ssub.s32 s14, s6;
	v60 =	vld [tilespmem:s23+$0x210];
	s1 =	sshll.u32 s1, $0x7  }
0xd4: {  	v48 =	vpsel !p1, $0x0, v10;
	v26 =	vpsel p3, v1, v32;
	s3 =	simm.s32 @p4 $0x1;
	p1 =	seq.s32 s31, $0x2;
	s6 =	sshll.u32 s2, $0x7;
	v38 =	vld [tilespmem:s1+$0xA200]  }
0xd5: {  	[smem:$0x7F1] =	sst s3;
	s3 =	simm.s32 @!p1 $0x0;
	[tilespmem:s12+$0x5260] =	vst v21;
	v22 =	vadd.f32 v22, v26;
	v45 =	vld [tilespmem:s6+$0xA200]  }
0xd6: {  	v37 =	vpsel !p4, $0x0, v8;
	v54 =	vpsel !p1, $0x0, v8;
	v24 =	vadd.f32 v63, v62;
	s3 =	simm.s32 @p1 $0x1;
	p1 =	seq.s32 s31, $0x1;
	v21 =	vld [tilespmem:s4+$0xA270]  }
0xd7: {  	p2 =	seq.s32 s24, $0x2;
	v29 =	vpsel p1, v0, v54;
	v54 =	vld [tilespmem:s26+$0x250];
	[tilespmem:s26+$0x5210] =	vst v22;
	v22 =	vpsel p0, v0, v37  }
0xd8: {  	p5 =	seq.s32 s24, $0x1;
	v41 =	vpsel !p2, $0x0, v8;
	p6 =	seq.s32 s30, $0x2;
	v39 =	vld [tilespmem:s0+$0xA220];
	v22 =	vadd.f32 v22, v24;
	v23 =	vadd.f32 v34, v33  }
0xd9: {  	v42 =	vpsel p5, v0, v41;
	s2 =	simm.s32 @!p6 $0x0;
	v37 =	vld [tilespmem:s26+$0x240]  }
0xda: {  	s5 =	sld [smem:$0x7EF];
	s2 =	simm.s32 @p6 $0x1;
	v34 =	vld [tilespmem:s20+$0x220];
	[tilespmem:s29+$0x5200] =	vst v22;
	v44 =	vadd.f32 v42, v23;
	v23 =	vadd.f32 v45, v43  }
0xdb: {  	v47 =	vpsel !p6, $0x0, v8;
	p6 =	seq.s32 s30, $0x1;
	[smem:$0x7F5] =	sst s2;
	v25 =	vadd.f32 v38, v36;
	v46 =	vld [tilespmem:s17+$0xA210]  }
0xdc: {  	v50 =	vpsel p6, v0, v47;
	s2 =	simm.s32 @!p6 $0x0;
	[smem:$0x7E0] =	sst s3;
	v38 =	vld [tilespmem:s21+$0x220];
	[tilespmem:s20+$0x5200] =	vst v44;
	v23 =	vadd.f32 v29, v23  }
0xdd: {  	s2 =	simm.s32 @p6 $0x1;
	s4 =	sld [smem:$0x7F5];
	v25 =	vadd.f32 v50, v25;
	v26 =	vadd.f32 v39, v35;
	v51 =	vld [tilespmem:s28+$0xA210]  }
0xde: {  	v28 =	vpsel p3, v2, v48;
	[smem:$0x7F6] =	sst s2;
	v44 =	vld [tilespmem:s29+$0x230];
	[tilespmem:s23+$0x5200] =	vst v23  }
0xdf: {  	v55 =	vpsel !p4, $0x0, v9;
	p4 =	por p1, p1;
	s2 =	simm.s32 @!p1 $0x0;
	s7 =	sld [smem:$0x7F6];
	[tilespmem:s21+$0x5200] =	vst v25;
	v26 =	vadd.f32 v26, v28;
	v61 =	vld [tilespmem:s6+$0xA210]  }
0xe0: {  	s8 =	sld [smem:$0x7E0];
	s2 =	simm.s32 @p1 $0x1;
	p1 =	seq.s32 s4, $0x1;
	v56 =	vld [tilespmem:s1+$0xA210];
	v24 =	vadd.f32 v46, v40  }
0xe1: {  	v59 =	vpsel !p2, $0x0, v9;
	p6 =	por p0, p0;
	v63 =	vpsel !p1, $0x0, v9;
	v46 =	vld [tilespmem:s23+$0x220];
	[tilespmem:s26+$0x5220] =	vst v26;
	v26 =	vpsel p0, v1, v55;
	p0 =	seq.s32 s5, $0x1  }
0xe2: {  	v57 =	vld [tilespmem:s0+$0xA230];
	v24 =	vadd.f32 v24, v26;
	v22 =	vadd.f32 v51, v49;
	v33 =	vpsel !p0, $0x0, v11;
	p0 =	seq.s32 s7, $0x1  }
0xe3: {  	v29 =	vpsel p5, v1, v59;
	v55 =	vld [tilespmem:s21+$0x230];
	v35 =	vpsel p0, v1, v63;
	p0 =	seq.s32 s8, $0x1  }
0xe4: {  	v51 =	vld [tilespmem:s20+$0x230];
	[tilespmem:s29+$0x5210] =	vst v24;
	v22 =	vadd.f32 v22, v29;
	v39 =	vpsel !p0, $0x0, v9;
	v23 =	vadd.f32 v61, v60  }
0xe5: {  	s9 =	sld [smem:$0x7F1];
	v25 =	vadd.f32 v56, v53;
	v62 =	vld [tilespmem:s17+$0xA220];
	v42 =	vpsel p4, v1, v39  }
0xe6: {  	s22 =	sld [smem:$0x7E0];
	v63 =	vld [tilespmem:s23+$0x230];
	[tilespmem:s20+$0x5210] =	vst v22;
	v23 =	vadd.f32 v23, v42  }
0xe7: {  	s19 =	sld [smem:$0x7F6];
	v25 =	vadd.f32 v25, v35;
	v28 =	vadd.f32 v57, v52;
	v36 =	vld [tilespmem:s28+$0xA220]  }
0xe8: {  	[smem:$0x7E1] =	sst s2;
	v27 =	vpsel p3, v3, v33;
	p0 =	seq.s32 s9, $0x1;
	v61 =	vld [tilespmem:s29+$0x240];
	[tilespmem:s23+$0x5210] =	vst v23  }
0xe9: {  	s24 =	sld [smem:$0x7E1];
	v40 =	vpsel !p0, $0x0, v10;
	[tilespmem:s21+$0x5210] =	vst v25;
	v27 =	vadd.f32 v28, v27;
	v47 =	vld [tilespmem:s6+$0xA220]  }
0xea: {  	v49 =	vpsel !p1, $0x0, v10;
	p4 =	por p6, p6;
	v24 =	vpsel p6, v2, v40;
	p6 =	seq.s32 s19, $0x1;
	v41 =	vld [tilespmem:s1+$0xA220];
	v26 =	vadd.f32 v62, v58  }
0xeb: {  	v45 =	vpsel !p2, $0x0, v10;
	v40 =	vld [tilespmem:s21+$0x240];
	v52 =	vpsel p6, v2, v49;
	p6 =	seq.s32 s22, $0x1;
	[tilespmem:s26+$0x5230] =	vst v27  }
0xec: {  	s14 =	sld [smem:$0x7EF];
	v56 =	vpsel !p6, $0x0, v10;
	p6 =	seq.s32 s24, $0x1;
	v43 =	vld [tilespmem:s0+$0xA240];
	v24 =	vadd.f32 v26, v24;
	v22 =	vadd.f32 v36, v34  }
0xed: {  	v29 =	vpsel p5, v2, v45;
	v59 =	vpsel p6, v2, v56;
	v56 =	vld [tilespmem:s13+$0x10B]  }
0xee: {  	[tilespmem:s29+$0x5220] =	vst v24;
	v22 =	vadd.f32 v22, v29;
	v23 =	vadd.f32 v47, v46;
	v46 =	vld [tilespmem:s23+$0x240]  }
0xef: {  	p1 =	seq.s32 s14, $0x1;
	v57 =	vpsel !p0, $0x0, v11;
	v25 =	vadd.f32 v41, v38;
	v48 =	vld [tilespmem:s17+$0xA230]  }
0xf0: {  	v50 =	vpsel !p1, $0x0, v12;
	v24 =	vpsel p4, v3, v57;
	v57 =	vld [tilespmem:s13+$0x10C];
	[tilespmem:s20+$0x5220] =	vst v22  }
0xf1: {  	v62 =	vpsel !p2, $0x0, v11;
	v25 =	vadd.f32 v25, v52;
	v28 =	vadd.f32 v43, v37;
	v53 =	vld [tilespmem:s28+$0xA230]  }
0xf2: {  	[dreg:$0x12] =	wrdreg s0;
	v27 =	vpsel p3, v4, v50;
	v29 =	vpsel p5, v3, v62;
	v62 =	vld [tilespmem:s13+$0x10E];
	v23 =	vadd.f32 v23, v59  }
0xf3: {  	s30 =	sld [smem:$0x7F5];
	v37 =	vld [tilespmem:s20+$0x240];
	[tilespmem:s21+$0x5220] =	vst v25;
	v27 =	vadd.f32 v28, v27  }
0xf4: {  	s3 =	sld [smem:$0x7E0];
	[tilespmem:s23+$0x5220] =	vst v23;
	v58 =	vld [tilespmem:s1+$0xA230];
	v26 =	vadd.f32 v48, v44  }
0xf5: {  	s31 =	sld [smem:$0x7F6];
	s2 =	simm.s32 @!p3 $0x0;
	v33 =	vld [tilespmem:s6+$0xA230];
	[tilespmem:s26+$0x5240] =	vst v27  }
0xf6: {  	s4 =	sld [smem:$0x7F1];
	s2 =	simm.s32 @p3 $0x1;
	v60 =	vld [tilespmem:s0+$0xA250];
	v24 =	vadd.f32 v26, v24;
	v22 =	vadd.f32 v53, v51  }
0xf7: {  	[smem:$0x7F0] =	sst s2;
	v44 =	vld [tilespmem:s29+$0x250]  }
0xf8: {  	s5 =	sld [smem:$0x7E1];
	s2 =	simm.s32 @!p4 $0x0;
	v51 =	vld [tilespmem:s20+$0x250];
	[tilespmem:s29+$0x5230] =	vst v24;
	v22 =	vadd.f32 v22, v29  }
0xf9: {  	s7 =	sld [smem:$0x7F5];
	s2 =	simm.s32 @p4 $0x1;
	p6 =	seq.s32 s30, $0x1;
	v34 =	vld [tilespmem:s17+$0xA240]  }
0xfa: {  	p0 =	por p4, p4;
	[smem:$0x7F2] =	sst s2;
	v35 =	vpsel !p6, $0x0, v11;
	v24 =	vadd.f32 v33, v63;
	v33 =	vld [tilespmem:s23+$0x250];
	[tilespmem:s20+$0x5230] =	vst v22  }
0xfb: {  	s8 =	sld [smem:$0x7F2];
	p6 =	seq.s32 s31, $0x1;
	v36 =	vpsel !p1, $0x0, v13;
	p1 =	seq.s32 s3, $0x1;
	v25 =	vadd.f32 v58, v55;
	v28 =	vadd.f32 v60, v54;
	v39 =	vld [tilespmem:s28+$0xA240]  }
0xfc: {  	s22 =	sor.u32 $0xD, s13;
	s2 =	sor.u32 $0xB, s13;
	v38 =	vpsel p6, v3, v35;
	v41 =	vpsel !p1, $0x0, v11;
	p4 =	seq.s32 s4, $0x1;
	v27 =	vpsel p3, v5, v36;
	v58 =	vld [tilespmem:s13+$0x10D]  }
0xfd: {  	s24 =	sadd.s32 s25, s22;
	s9 =	sadd.s32 s25, s2;
	v42 =	vpsel !p4, $0x0, v12;
	p3 =	seq.s32 s5, $0x1;
	v25 =	vadd.f32 v25, v38;
	v22 =	vld [tilespmem:s26+$0x260];
	v27 =	vadd.f32 v28, v27  }
0xfe: {  	s5 =	smulhi.u32 $0x51EB851F, s24;
	v38 =	vld [tilespmem:s13+$0x10F];
	v28 =	vpsel p3, v3, v41;
	v26 =	vadd.f32 v34, v61;
	v34 =	vpsel !p4, $0x0, v13;
	p4 =	seq.s32 s8, $0x1;
	s8 =	sor.u32 $0xC, s13  }
0xff: {  	s22 =	sshll.u32 s22, $0x7;
	s14 =	smulhi.u32 $0x51EB851F, s9;
	v54 =	vld [tilespmem:s21+$0x250];
	[tilespmem:s21+$0x5230] =	vst v25;
	v24 =	vadd.f32 v24, v28;
	s19 =	sadd.s32 s25, s8  }
0x100: {  	v45 =	vpsel !p2, $0x0, v12;
	s3 =	sld [smem:$0x7E0];
	s5 =	sshrl.u32 s5, $0x6;
	v43 =	vld [tilespmem:s1+$0xA240];
	[tilespmem:s26+$0x5250] =	vst v27;
	v27 =	vpsel p0, v4, v42;
	v30 =	vadd.f32 v39, v37;
	s31 =	smulhi.u32 $0x51EB851F, s19  }
0x101: {  	v28 =	vpsel p5, v4, v45;
	p0 =	seq.s32 s7, $0x1;
	s7 =	sshrl.u32 s14, $0x6;
	v23 =	vld [tilespmem:s0+$0xA260];
	v26 =	vadd.f32 v26, v27;
	s0 =	simm.s32 @!p2 $0x0;
	[tilespmem:s23+$0x5230] =	vst v24  }
0x102: {  	(v2sf) =	vpush v56, $0x0;
	v36 =	vpsel !p0, $0x0, v13;
	s7 =	smul.u32 $0xC8, s7;
	s0 =	simm.s32 @p2 $0x1;
	v48 =	vld [tilespmem:s6+$0xA240];
	v47 =	vadd.f32 v30, v28;
	s14 =	sshrl.u32 s31, $0x6  }
0x103: {  	v61 =	vpsel !p2, $0x0, v13;
	v39 =	vpsel p6, v5, v36;
	v36 =	vld [tilespmem:s22+$0x200];
	[smem:$0x7F3] =	sst s0;
	s0 =	simm.s32 @!p5 $0x0;
	[tilespmem:s29+$0x5240] =	vst v26;
	s14 =	smul.u32 $0xC8, s14  }
0x104: {  	(v2sf) =	vpush v57, $0x0;
	v28 =	vpsel p5, v5, v61;
	s4 =	ssub.s32 s9, s7;
	s0 =	simm.s32 @p5 $0x1;
	v49 =	vld [tilespmem:s17+$0xA250];
	p5 =	seq.s32 s3, $0x1;
	[tilespmem:s20+$0x5240] =	vst v47  }
0x105: {  	s3 =	smul.u32 $0xC8, s5;
	v53 =	vld [tilespmem:s28+$0xA250];
	s9 =	ssub.s32 s19, s14;
	s19 =	sshll.u32 s2, $0x7  }
0x106: {  	v50 =	vpsel !p0, $0x0, v12;
	v25 =	vadd.f32 v43, v40;
	s31 =	sor.u32 $0xE, s13;
	s2 =	sshll.u32 s8, $0x7;
	v43 =	vld [tilespmem:s19+$0x200]  }
0x107: {  	(v2sf) =	vpush v58, $0x0;
	v52 =	vpsel p6, v4, v50;
	s3 =	ssub.s32 s24, s3;
	s24 =	sshll.u32 s31, $0x7;
	v45 =	vld [tilespmem:s2+$0x200]  }
0x108: {  	v25 =	vadd.f32 v25, v52;
	v24 =	vadd.f32 v48, v46;
	v46 =	vld [tilespmem:s24+$0x200]  }
0x109: {  	v55 =	vpsel !p1, $0x0, v12;
	(v2sf) =	vpush v62, $0x0;
	v52 =	vld [tilespmem:s2+$0x210]  }
0x10a: {  	s30 =	sadd.s32 s25, s31;
	[tilespmem:s21+$0x5240] =	vst v25;
	v25 =	vpsel p3, v4, v55;
	v55 =	vld [tilespmem:s22+$0x210]  }
0x10b: {  	[smem:$0x7F4] =	sst s0;
	s0 =	smulhi.u32 $0x51EB851F, s30;
	v58 =	vld [tilespmem:s24+$0x210]  }
0x10c: {  	(v2sf) =	vpush v38, $0x0;
	s9 =	sshll.u32 s9, $0x7;
	v32 =	vld [tilespmem:s1+$0xA250]  }
0x10d: {  	s14 =	sshrl.u32 s0, $0x6;
	s0 =	sor.u32 $0xF, s13;
	v35 =	vld [tilespmem:s9+$0xA200]  }
0x10e: {  	s7 =	sshll.u32 s4, $0x7;
	s4 =	smul.u32 $0xC8, s14;
	s8 =	sadd.s32 s25, s0;
	v24 =	vadd.f32 v24, v25;
	v25 =	vld [tilespmem:s21+$0x260]  }
0x10f: {  	v27 =	vadd.f32 v49, v44;
	v44 =	vld [tilespmem:s7+$0xA200];
	s5 =	smulhi.u32 $0x51EB851F, s8  }
0x110: {  	v59 =	vpsel p4, v5, v34;
	s14 =	sshll.u32 s3, $0x7;
	v49 =	vld [tilespmem:s19+$0x210]  }
0x111: {  	s4 =	ssub.s32 s30, s4;
	s30 =	spop (v2sf);
	[tilespmem:s23+$0x5240] =	vst v24;
	v27 =	vadd.f32 v27, v59;
	v26 =	vadd.f32 v53, v51;
	v24 =	vld [tilespmem:s29+$0x260];
	s5 =	sshrl.u32 s5, $0x6  }
0x112: {  	p6 =	seq.s32 s30, $0x2;
	p0 =	seq.s32 s30, $0x1;
	s31 =	sshll.u32 s4, $0x7;
	v60 =	vld [tilespmem:s6+$0xA250]  }
0x113: {  	s30 =	spop (v2sf);
	s3 =	smul.u32 $0xC8, s5;
	s5 =	simm.s32 @!p0 $0x0;
	v38 =	vpsel !p6, $0x0, v8;
	[tilespmem:s29+$0x5250] =	vst v27;
	v63 =	vadd.f32 v26, v28;
	v26 =	vld [tilespmem:s20+$0x260]  }
0x114: {  	p1 =	seq.s32 s30, $0x2;
	v37 =	vadd.f32 v32, v54;
	s5 =	simm.s32 @p0 $0x1;
	v38 =	vpsel p0, v0, v38;
	p0 =	seq.s32 s30, $0x1;
	v28 =	vld [tilespmem:s17+$0xA260]  }
0x115: {  	v32 =	vadd.f32 v44, v43;
	s3 =	ssub.s32 s8, s3;
	s8 =	sshll.u32 s0, $0x7;
	s0 =	simm.s32 @!p1 $0x0;
	v44 =	vld [tilespmem:s19+$0x220]  }
0x116: {  	[smem:$0x7F8] =	sst s5;
	s5 =	spop (v2sf);
	v40 =	vadd.f32 v37, v39;
	v37 =	vld [tilespmem:s14+$0xA200];
	s0 =	simm.s32 @p1 $0x1  }
0x117: {  	v41 =	vpsel !p5, $0x0, v13;
	v47 =	vpsel !p1, $0x0, v8;
	v39 =	vld [tilespmem:s31+$0xA200];
	s4 =	sshll.u32 s3, $0x7;
	p1 =	seq.s32 s5, $0x2;
	p5 =	seq.s32 s5, $0x1  }
0x118: {  	v48 =	vld [tilespmem:s8+$0x200];
	s30 =	spop (v2sf);
	[smem:$0x7F9] =	sst s0;
	s3 =	simm.s32 @!p1 $0x0  }
0x119: {  	v34 =	vadd.f32 v35, v45;
	[tilespmem:s20+$0x5250] =	vst v63;
	v62 =	vld [tilespmem:s8+$0x210];
	s0 =	simm.s32 @!p0 $0x0;
	v32 =	vadd.f32 v38, v32;
	v50 =	vpsel !p1, $0x0, v8;
	s3 =	simm.s32 @p1 $0x1;
	p1 =	seq.s32 s30, $0x2  }
0x11a: {  	v38 =	vpsel p0, v0, v47;
	p4 =	seq.s32 s30, $0x1;
	[tilespmem:s21+$0x5250] =	vst v40;
	v40 =	vld [tilespmem:s4+$0xA200];
	[smem:$0x7FB] =	sst s3;
	s3 =	simm.s32 @!p1 $0x0  }
0x11b: {  	v29 =	vld [tilespmem:s28+$0xA260];
	s5 =	spop (v2sf);
	v34 =	vadd.f32 v38, v34;
	s30 =	sld [smem:$0x7F8];
	[tilespmem:s19+$0x5200] =	vst v32;
	s3 =	simm.s32 @p1 $0x1  }
0x11c: {  	v27 =	vpsel p3, v5, v41;
	v42 =	vadd.f32 v60, v33;
	s0 =	simm.s32 @p0 $0x1;
	v51 =	vld [tilespmem:s7+$0xA210];
	[smem:$0x7FC] =	sst s3;
	s3 =	simm.s32 @!p4 $0x0  }
0x11d: {  	v47 =	vld [tilespmem:s2+$0x220];
	v38 =	vpsel p5, v0, v50;
	[smem:$0x7FA] =	sst s0;
	v53 =	vpsel !p1, $0x0, v8;
	[tilespmem:s2+$0x5200] =	vst v34;
	p1 =	seq.s32 s5, $0x2;
	v36 =	vadd.f32 v37, v36;
	s3 =	simm.s32 @p4 $0x1  }
0x11e: {  	v30 =	vadd.f32 v42, v27;
	v33 =	vadd.f32 v39, v46;
	v54 =	vld [tilespmem:s9+$0xA210];
	v56 =	vpsel !p1, $0x0, v8;
	[smem:$0x7DF] =	sst s3  }
0x11f: {  	p2 =	seq.s32 s5, $0x1;
	v50 =	vld [tilespmem:s22+$0x220];
	v36 =	vadd.f32 v38, v36;
	v38 =	vpsel p4, v0, v53;
	v35 =	vadd.f32 v40, v48;
	s3 =	sld [smem:$0x7F9]  }
0x120: {  	v27 =	vld [tilespmem:s1+$0xA260];
	s5 =	sld [smem:$0x7FA];
	[tilespmem:s23+$0x5250] =	vst v30;
	v33 =	vadd.f32 v38, v33;
	v38 =	vpsel p2, v0, v56  }
0x121: {  	v41 =	vpsel !p6, $0x0, v9;
	p0 =	seq.s32 s30, $0x1;
	v30 =	vld [tilespmem:s23+$0x260];
	[tilespmem:s22+$0x5200] =	vst v36;
	v32 =	vadd.f32 v51, v49;
	v35 =	vadd.f32 v38, v35  }
0x122: {  	v59 =	vpsel p0, v1, v41;
	v57 =	vld [tilespmem:s14+$0xA210];
	[tilespmem:s24+$0x5200] =	vst v33;
	p3 =	seq.s32 s3, $0x1  }
0x123: {  	s30 =	sld [smem:$0x7FB];
	v34 =	vadd.f32 v54, v52;
	v60 =	vld [tilespmem:s31+$0xA210];
	v32 =	vadd.f32 v32, v59;
	v61 =	vpsel !p3, $0x0, v9;
	[tilespmem:s8+$0x5200] =	vst v35;
	p3 =	seq.s32 s5, $0x1  }
0x124: {  	s3 =	sld [smem:$0x7FC];
	v37 =	vpsel p3, v1, v61;
	v63 =	vld [tilespmem:s4+$0xA210]  }
0x125: {  	v31 =	vld [tilespmem:s6+$0xA260];
	[tilespmem:s19+$0x5210] =	vst v32;
	v34 =	vadd.f32 v34, v37  }
0x126: {  	s0 =	simm.s32 @!p1 $0x0;
	p3 =	seq.s32 s30, $0x1;
	v46 =	vld [tilespmem:s7+$0xA220]  }
0x127: {  	s0 =	simm.s32 @p1 $0x1;
	v51 =	vpsel !p1, $0x0, v9;
	v54 =	vld [tilespmem:s24+$0x220];
	v45 =	vpsel !p3, $0x0, v9;
	p3 =	seq.s32 s3, $0x1;
	v36 =	vadd.f32 v57, v55;
	[tilespmem:s2+$0x5210] =	vst v34  }
0x128: {  	[smem:$0x7FD] =	sst s0;
	v37 =	vpsel p5, v1, v45;
	v48 =	vpsel !p3, $0x0, v9;
	v33 =	vadd.f32 v60, v58;
	v49 =	vld [tilespmem:s9+$0xA220]  }
0x129: {  	s0 =	simm.s32 @!p2 $0x0;
	s5 =	sld [smem:$0x7F9];
	v58 =	vld [tilespmem:s8+$0x220];
	v36 =	vadd.f32 v36, v37;
	v37 =	vpsel p4, v1, v48;
	v35 =	vadd.f32 v63, v62  }
0x12a: {  	s0 =	simm.s32 @p2 $0x1;
	s30 =	sld [smem:$0x7FA];
	v60 =	vld [tilespmem:s19+$0x230];
	v33 =	vadd.f32 v33, v37;
	v37 =	vpsel p2, v1, v51  }
0x12b: {  	v53 =	vpsel !p6, $0x0, v10;
	[smem:$0x7E2] =	sst s0;
	v63 =	vld [tilespmem:s2+$0x230];
	[tilespmem:s22+$0x5210] =	vst v36;
	v32 =	vadd.f32 v46, v44;
	v35 =	vadd.f32 v35, v37  }
0x12c: {  	s3 =	sld [smem:$0x7FB];
	v55 =	vpsel p0, v2, v53;
	p4 =	seq.s32 s5, $0x1;
	v52 =	vld [tilespmem:s14+$0xA220];
	[tilespmem:s24+$0x5210] =	vst v33  }
0x12d: {  	s0 =	simm.s32 @!p6 $0x0;
	s5 =	sld [smem:$0x7DF];
	v57 =	vpsel !p4, $0x0, v10;
	p2 =	seq.s32 s30, $0x1;
	v56 =	vld [tilespmem:s31+$0xA220];
	v32 =	vadd.f32 v32, v55;
	v34 =	vadd.f32 v49, v47;
	[tilespmem:s8+$0x5210] =	vst v35  }
0x12e: {  	s0 =	simm.s32 @p6 $0x1;
	s30 =	sld [smem:$0x7FD];
	v37 =	vpsel p2, v2, v57;
	v59 =	vld [tilespmem:s4+$0xA220]  }
0x12f: {  	[smem:$0x7F7] =	sst s0;
	v46 =	vld [tilespmem:s22+$0x230];
	[tilespmem:s19+$0x5220] =	vst v32;
	v34 =	vadd.f32 v34, v37  }
0x130: {  	p6 =	seq.s32 s3, $0x1;
	s3 =	sld [smem:$0x7E2];
	v62 =	vld [tilespmem:s7+$0xA230]  }
0x131: {  	v61 =	vpsel !p6, $0x0, v10;
	v44 =	vpsel !p3, $0x0, v10;
	p3 =	seq.s32 s5, $0x1;
	s5 =	sld [smem:$0x7F7];
	p6 =	seq.s32 s30, $0x1;
	v36 =	vadd.f32 v52, v50;
	[tilespmem:s2+$0x5220] =	vst v34;
	v50 =	vld [tilespmem:s24+$0x230]  }
0x132: {  	v47 =	vpsel !p6, $0x0, v10;
	v37 =	vpsel p5, v2, v61;
	v33 =	vadd.f32 v56, v54;
	v45 =	vld [tilespmem:s9+$0xA230]  }
0x133: {  	p6 =	seq.s32 s3, $0x1;
	v54 =	vld [tilespmem:s8+$0x230];
	v36 =	vadd.f32 v36, v37;
	v37 =	vpsel p3, v2, v44;
	v35 =	vadd.f32 v59, v58  }
0x134: {  	p1 =	por p0, p0;
	p0 =	seq.s32 s5, $0x1;
	v56 =	vld [tilespmem:s19+$0x240];
	v33 =	vadd.f32 v33, v37;
	v37 =	vpsel p6, v2, v47  }
0x135: {  	v49 =	vpsel !p0, $0x0, v11;
	v59 =	vld [tilespmem:s2+$0x240];
	[tilespmem:s22+$0x5220] =	vst v36;
	v32 =	vadd.f32 v62, v60;
	v35 =	vadd.f32 v35, v37  }
0x136: {  	s30 =	sld [smem:$0x7FB];
	v51 =	vpsel p1, v3, v49;
	v48 =	vld [tilespmem:s14+$0xA230];
	[tilespmem:s24+$0x5220] =	vst v33  }
0x137: {  	s0 =	simm.s32 @!p5 $0x0;
	v53 =	vpsel !p4, $0x0, v11;
	s3 =	sld [smem:$0x7FC];
	v52 =	vld [tilespmem:s31+$0xA230];
	v32 =	vadd.f32 v32, v51;
	v34 =	vadd.f32 v45, v63;
	[tilespmem:s8+$0x5220] =	vst v35  }
0x138: {  	s0 =	simm.s32 @p5 $0x1;
	s5 =	sld [smem:$0x7FD];
	v37 =	vpsel p2, v3, v53;
	v55 =	vld [tilespmem:s4+$0xA230]  }
0x139: {  	[smem:$0x7DE] =	sst s0;
	v62 =	vld [tilespmem:s22+$0x240];
	[tilespmem:s19+$0x5230] =	vst v32;
	v34 =	vadd.f32 v34, v37  }
0x13a: {  	p4 =	por p2, p2;
	p0 =	seq.s32 s3, $0x1;
	p2 =	seq.s32 s30, $0x1;
	v58 =	vld [tilespmem:s7+$0xA240]  }
0x13b: {  	p1 =	seq.s32 s5, $0x1;
	v60 =	vpsel !p0, $0x0, v11;
	s30 =	sld [smem:$0x7F7];
	v57 =	vpsel !p2, $0x0, v11;
	v36 =	vadd.f32 v48, v46;
	[tilespmem:s2+$0x5230] =	vst v34;
	v46 =	vld [tilespmem:s24+$0x240]  }
0x13c: {  	s3 =	sld [smem:$0x7F8];
	v63 =	vpsel !p1, $0x0, v11;
	v37 =	vpsel p5, v3, v57;
	v33 =	vadd.f32 v52, v50;
	v61 =	vld [tilespmem:s9+$0xA240]  }
0x13d: {  	s5 =	sld [smem:$0x7F9];
	v50 =	vld [tilespmem:s8+$0x240];
	v36 =	vadd.f32 v36, v37;
	v37 =	vpsel p3, v3, v60;
	v35 =	vadd.f32 v55, v54  }
0x13e: {  	p2 =	seq.s32 s30, $0x1;
	s30 =	sld [smem:$0x7FB];
	v52 =	vld [tilespmem:s19+$0x250];
	v33 =	vadd.f32 v33, v37;
	v37 =	vpsel p6, v3, v63  }
0x13f: {  	p5 =	seq.s32 s3, $0x1;
	s3 =	sld [smem:$0x7DE];
	v55 =	vld [tilespmem:s2+$0x250];
	[tilespmem:s22+$0x5230] =	vst v36;
	v35 =	vadd.f32 v35, v37  }
0x140: {  	v45 =	vpsel !p2, $0x0, v12;
	p3 =	seq.s32 s5, $0x1;
	s5 =	sld [smem:$0x7DF];
	v32 =	vadd.f32 v58, v56;
	v44 =	vld [tilespmem:s14+$0xA240];
	[tilespmem:s24+$0x5230] =	vst v33  }
0x141: {  	v47 =	vpsel p5, v4, v45;
	p5 =	seq.s32 s30, $0x1;
	s30 =	sld [smem:$0x7EF];
	v49 =	vpsel !p3, $0x0, v12;
	v48 =	vld [tilespmem:s31+$0xA240];
	v34 =	vadd.f32 v61, v59;
	[tilespmem:s8+$0x5230] =	vst v35  }
0x142: {  	v53 =	vpsel !p5, $0x0, v12;
	p6 =	seq.s32 s3, $0x1;
	s3 =	sld [smem:$0x7E2];
	v37 =	vpsel p4, v4, v49;
	v32 =	vadd.f32 v32, v47;
	v51 =	vld [tilespmem:s4+$0xA240]  }
0x143: {  	v58 =	vld [tilespmem:s22+$0x250];
	v34 =	vadd.f32 v34, v37;
	v37 =	vpsel p6, v4, v53;
	p6 =	seq.s32 s5, $0x1;
	s5 =	sld [smem:$0x7F0]  }
0x144: {  	v49 =	vld [tilespmem:s19+$0x260];
	v59 =	vpsel !p1, $0x0, v12;
	p1 =	seq.s32 s30, $0x1;
	s30 =	sld [smem:$0x7F8];
	[tilespmem:s19+$0x5240] =	vst v32  }
0x145: {  	v60 =	vpsel !p1, $0x0, v14;
	p1 =	seq.s32 s3, $0x1;
	s3 =	sld [smem:$0x7F1];
	v54 =	vld [tilespmem:s7+$0xA250];
	v36 =	vadd.f32 v44, v62  }
0x146: {  	v42 =	vpsel !p2, $0x0, v13;
	v56 =	vpsel !p0, $0x0, v12;
	[tilespmem:s2+$0x5240] =	vst v34;
	v62 =	vld [tilespmem:s24+$0x250];
	v33 =	vadd.f32 v48, v46;
	p2 =	seq.s32 s5, $0x1;
	s5 =	sld [smem:$0x7F2]  }
0x147: {  	v57 =	vld [tilespmem:s9+$0xA250];
	v36 =	vadd.f32 v36, v37;
	v37 =	vpsel p6, v4, v56;
	v35 =	vadd.f32 v51, v50;
	p6 =	seq.s32 s30, $0x1;
	s30 =	sld [smem:$0x7DE]  }
0x148: {  	v46 =	vld [tilespmem:s8+$0x250];
	v63 =	vpsel p2, v6, v60;
	p2 =	seq.s32 s3, $0x1;
	s3 =	sld [smem:$0x7FC];
	v33 =	vadd.f32 v33, v37;
	v37 =	vpsel p1, v4, v59  }
0x149: {  	v22 =	vadd.f32 v23, v22;
	v45 =	vpsel !p3, $0x0, v13;
	v56 =	vld [tilespmem:s22+$0x260];
	[tilespmem:s22+$0x5240] =	vst v36;
	v35 =	vadd.f32 v35, v37;
	p3 =	seq.s32 s5, $0x1;
	s5 =	sld [smem:$0x7F3]  }
0x14a: {  	v50 =	vpsel !p5, $0x0, v13;
	v47 =	vpsel !p2, $0x0, v14;
	v32 =	vadd.f32 v54, v52;
	v61 =	vld [tilespmem:s14+$0xA250];
	[tilespmem:s24+$0x5240] =	vst v33;
	p5 =	seq.s32 s30, $0x1;
	s30 =	sld [smem:$0x7DF]  }
0x14b: {  	v24 =	vadd.f32 v28, v24;
	v43 =	vpsel p6, v5, v42;
	v37 =	vpsel p3, v6, v47;
	p3 =	seq.s32 s3, $0x1;
	s3 =	sld [smem:$0x7FD];
	v44 =	vld [tilespmem:s31+$0xA250];
	[tilespmem:s8+$0x5240] =	vst v35  }
0x14c: {  	v26 =	vadd.f32 v29, v26;
	v23 =	vadd.f32 v32, v43;
	v32 =	vpsel p4, v5, v45;
	v48 =	vld [tilespmem:s4+$0xA250];
	p4 =	seq.s32 s5, $0x1;
	s5 =	sld [smem:$0x7F4]  }
0x14d: {  	v42 =	vld [tilespmem:s8+$0x260];
	v34 =	vadd.f32 v57, v55;
	v24 =	vadd.f32 v24, v37  }
0x14e: {  	v22 =	vadd.f32 v22, v63;
	v52 =	vld [tilespmem:s2+$0x260];
	v53 =	vpsel !p3, $0x0, v13;
	[tilespmem:s19+$0x5250] =	vst v23;
	v54 =	vpsel !p4, $0x0, v14;
	p4 =	seq.s32 s30, $0x1;
	s30 =	sld [smem:$0x7F5]  }
0x14f: {  	v32 =	vadd.f32 v34, v32;
	v34 =	vpsel p5, v5, v50;
	p0 =	seq.s32 s3, $0x1;
	[tilespmem:s29+$0x5260] =	vst v24;
	v51 =	vld [tilespmem:s7+$0xA260];
	v36 =	vadd.f32 v61, v58;
	p6 =	seq.s32 s5, $0x1;
	s5 =	sld [smem:$0x7F6]  }
0x150: {  	v57 =	vpsel !p0, $0x0, v13;
	v29 =	vld [tilespmem:s17+$0xA270];
	v33 =	vadd.f32 v44, v62;
	v58 =	vpsel p6, v6, v54  }
0x151: {  	[tilespmem:s2+$0x5250] =	vst v32;
	v61 =	vld [tilespmem:s24+$0x260];
	p2 =	seq.s32 s30, $0x1;
	s30 =	sld [smem:$0x7E1];
	v34 =	vadd.f32 v36, v34;
	v36 =	vpsel p4, v5, v53;
	v35 =	vadd.f32 v48, v46  }
0x152: {  	s3 =	sld [smem:$0x7E0];
	v55 =	vld [tilespmem:s9+$0xA260];
	v60 =	vpsel !p2, $0x0, v14;
	v33 =	vadd.f32 v33, v36;
	v36 =	vpsel p1, v5, v57;
	p6 =	seq.s32 s5, $0x1  }
0x153: {  	s17 =	sld [smem:$0x7FB];
	[tilespmem:s22+$0x5250] =	vst v34;
	v35 =	vadd.f32 v35, v36;
	v40 =	vpsel p6, v6, v60;
	v60 =	vld [tilespmem:s15+$0x270]  }
0x154: {  	[tilespmem:s26+$0x5260] =	vst v22;
	v26 =	vadd.f32 v26, v58;
	p2 =	seq.s32 s30, $0x1;
	s30 =	rddreg [dreg:$0x12];
	v59 =	vld [tilespmem:s14+$0xA260]  }
0x155: {  	v25 =	vadd.f32 v27, v25;
	p1 =	seq.s32 s3, $0x1;
	s3 =	sld [smem:$0x7F7];
	v36 =	vld [tilespmem:s30+$0xA270];
	[tilespmem:s8+$0x5250] =	vst v35  }
0x156: {  	v30 =	vadd.f32 v31, v30;
	s5 =	sld [smem:$0x7F8];
	v62 =	vpsel !p1, $0x0, v14;
	[tilespmem:s20+$0x5260] =	vst v26;
	v46 =	vld [tilespmem:s4+$0xA260]  }
0x157: {  	[tilespmem:s24+$0x5250] =	vst v33;
	v27 =	vpsel p2, v6, v62;
	v43 =	vadd.f32 v25, v40;
	v34 =	vld [tilespmem:s28+$0xA270];
	s30 =	sld [smem:$0x7E2]  }
0x158: {  	s28 =	sld [smem:$0x7EC];
	v63 =	vld [tilespmem:s31+$0xA260];
	v44 =	vadd.f32 v30, v27  }
0x159: {  	p6 =	seq.s32 s3, $0x1;
	s3 =	sld [smem:$0x7F9];
	[tilespmem:s21+$0x5260] =	vst v43;
	v43 =	vld [tilespmem:s11+$0x270]  }
0x15a: {  	v54 =	vpsel !p3, $0x0, v14;
	v23 =	vadd.f32 v51, v49;
	v41 =	vpsel !p6, $0x0, v14;
	p6 =	seq.s32 s5, $0x1;
	s5 =	sld [smem:$0x7FA];
	v26 =	vld [tilespmem:s1+$0xA270];
	[tilespmem:s23+$0x5260] =	vst v44  }
0x15b: {  	v57 =	vpsel !p0, $0x0, v14;
	v45 =	vpsel p6, v6, v41;
	p3 =	seq.s32 s30, $0x1;
	s1 =	sld [smem:$0x7E3];
	v28 =	vld [tilespmem:s6+$0xA270];
	v30 =	vadd.f32 v46, v42  }
0x15c: {  	v48 =	vadd.f32 v55, v52;
	s30 =	sld [smem:$0x7ED];
	v51 =	vadd.f32 v23, v45;
	v58 =	vpsel p3, v6, v57;
	v57 =	vld [tilespmem:s20+$0x270]  }
0x15d: {  	p6 =	seq.s32 s3, $0x1;
	s3 =	sld [smem:$0x7E4];
	v55 =	vadd.f32 v63, v61;
	v63 =	vld [tilespmem:s16+$0x270];
	v23 =	vadd.f32 v30, v58  }
0x15e: {  	s6 =	sld [smem:$0x7E7];
	v47 =	vpsel !p6, $0x0, v14;
	p6 =	seq.s32 s5, $0x1;
	[tilespmem:s19+$0x5260] =	vst v51;
	v51 =	vld [tilespmem:s10+$0x270]  }
0x15f: {  	s5 =	sld [smem:$0x7E6];
	v24 =	vpsel p6, v6, v47;
	p6 =	seq.s32 s17, $0x1;
	v31 =	vld [tilespmem:s7+$0xA270];
	[tilespmem:s8+$0x5260] =	vst v23  }
0x160: {  	v50 =	vadd.f32 v59, v56;
	v49 =	vpsel !p6, $0x0, v14;
	v23 =	vld [tilespmem:s4+$0xA270];
	s4 =	sld [smem:$0x7E5]  }
0x161: {  	v56 =	vpsel p4, v6, v54;
	p0 =	seq.s32 s1, $0x1;
	s17 =	sld [smem:$0x7EB];
	v52 =	vadd.f32 v48, v24;
	v48 =	vld [tilespmem:s18+$0x270];
	v53 =	vpsel p5, v6, v49  }
0x162: {  	s1 =	sld [smem:$0x7EF];
	v59 =	vpsel !p0, $0x0, v15;
	p0 =	seq.s32 s3, $0x1;
	v22 =	vadd.f32 v55, v56;
	v55 =	vld [tilespmem:s29+$0x270];
	v24 =	vadd.f32 v50, v53  }
0x163: {  	s7 =	sld [smem:$0x7E8];
	v27 =	vpsel p0, v7, v59;
	v59 =	vld [tilespmem:s21+$0x270];
	[tilespmem:s2+$0x5260] =	vst v52;
	p0 =	seq.s32 s4, $0x1  }
0x164: {  	v25 =	vld [tilespmem:s9+$0xA270];
	s9 =	sld [smem:$0x7E9];
	[tilespmem:s22+$0x5260] =	vst v24;
	v61 =	vpsel !p0, $0x0, v15;
	p0 =	seq.s32 s5, $0x1  }
0x165: {  	v16 =	vadd.f32 v16, v60;
	v24 =	vld [tilespmem:s14+$0xA270];
	s14 =	sld [smem:$0x7EA];
	v62 =	vpsel !p0, $0x0, v15;
	p0 =	seq.s32 s6, $0x1  }
0x166: {  	v60 =	vpsel !p1, $0x0, v15;
	s3 =	sld [smem:$0x7F0];
	v53 =	vld [tilespmem:s12+$0x270];
	[tilespmem:s24+$0x5260] =	vst v22;
	v32 =	vpsel p0, v7, v61;
	p0 =	seq.s32 s7, $0x1  }
0x167: {  	v16 =	vadd.f32 v16, v27;
	v58 =	vadd.f32 v20, v43;
	v22 =	vld [tilespmem:s31+$0xA270];
	s31 =	sld [smem:$0x7EE];
	v33 =	vpsel p0, v7, v62;
	p0 =	seq.s32 s9, $0x1  }
0x168: {  	v17 =	vadd.f32 v17, v63;
	v19 =	vadd.f32 v19, v51;
	s6 =	sld [smem:$0x7F3];
	v47 =	vpsel !p0, $0x0, v15;
	p0 =	seq.s32 s14, $0x1  }
0x169: {  	v54 =	vld [tilespmem:s26+$0x270];
	v63 =	vpsel p2, v7, v60;
	v18 =	vadd.f32 v18, v48;
	s7 =	sld [smem:$0x7F4];
	v37 =	vpsel p0, v7, v47;
	p0 =	seq.s32 s17, $0x1  }
0x16a: {  	v48 =	vadd.f32 v34, v57;
	v43 =	vadd.f32 v29, v55;
	s4 =	sld [smem:$0x7F1];
	v49 =	vpsel !p0, $0x0, v15;
	p0 =	seq.s32 s28, $0x1  }
0x16b: {  	v51 =	vadd.f32 v26, v59;
	v61 =	vadd.f32 v21, v53;
	s9 =	sld [smem:$0x7F5];
	p6 =	seq.s32 s6, $0x1;
	v50 =	vpsel !p0, $0x0, v15;
	p0 =	seq.s32 s30, $0x1  }
0x16c: {  	v46 =	vld [tilespmem:s2+$0x270];
	s5 =	sld [smem:$0x7F2];
	v17 =	vadd.f32 v17, v32;
	v45 =	vpsel !p6, $0x0, v15;
	p6 =	seq.s32 s7, $0x1;
	v39 =	vpsel p0, v7, v49;
	p0 =	seq.s32 s31, $0x1  }
0x16d: {  	[tilespmem:s15+$0x5270] =	vst v16;
	v62 =	vld [tilespmem:s23+$0x270];
	s14 =	sld [smem:$0x7F6];
	v16 =	vadd.f32 v18, v33;
	v45 =	vpsel p6, v7, v45;
	v40 =	vpsel p0, v7, v50;
	p0 =	seq.s32 s1, $0x1  }
0x16e: {  	v53 =	vld [tilespmem:s8+$0x270];
	[tilespmem:s16+$0x5270] =	vst v17;
	s16 =	sld [smem:$0x7F7];
	p6 =	seq.s32 s9, $0x1;
	v17 =	vadd.f32 v19, v37;
	v37 =	vadd.f32 v36, v54;
	v52 =	vpsel !p0, $0x0, v15;
	p0 =	seq.s32 s3, $0x1  }
0x16f: {  	s17 =	sld [smem:$0x7F8];
	[tilespmem:s18+$0x5270] =	vst v16;
	v56 =	vpsel !p6, $0x0, v15;
	v16 =	vadd.f32 v58, v39;
	v39 =	vld [tilespmem:s19+$0x270];
	v42 =	vpsel p0, v7, v52;
	p0 =	seq.s32 s4, $0x1  }
0x170: {  	s18 =	sld [smem:$0x7F9];
	p6 =	seq.s32 s14, $0x1;
	v18 =	vadd.f32 v48, v45;
	[tilespmem:s10+$0x5270] =	vst v17;
	v49 =	vld [tilespmem:s22+$0x270];
	v17 =	vadd.f32 v61, v40;
	v44 =	vpsel !p0, $0x0, v15;
	p0 =	seq.s32 s5, $0x1  }
0x171: {  	s28 =	sld [smem:$0x7FB];
	v38 =	vpsel p6, v7, v56;
	p1 =	seq.s32 s16, $0x1;
	[tilespmem:s11+$0x5270] =	vst v16;
	v16 =	vadd.f32 v37, v42;
	v44 =	vpsel p0, v7, v44  }
0x172: {  	s30 =	sld [smem:$0x7FD];
	p2 =	seq.s32 s17, $0x1;
	v21 =	vadd.f32 v28, v62;
	v41 =	vpsel !p1, $0x0, v15;
	[tilespmem:s12+$0x5270] =	vst v17;
	v17 =	vadd.f32 v43, v44  }
0x173: {  	v56 =	vadd.f32 v25, v46;
	p6 =	seq.s32 s18, $0x1;
	v19 =	vadd.f32 v51, v38;
	v47 =	vpsel p2, v7, v41;
	v52 =	vld [tilespmem:s24+$0x270];
	[tilespmem:s26+$0x5270] =	vst v16;
	s26 =	sld [smem:$0x7FA]  }
0x174: {  	v50 =	vpsel !p6, $0x0, v15;
	p2 =	seq.s32 s28, $0x1;
	v55 =	vadd.f32 v21, v63;
	v54 =	vadd.f32 v31, v39;
	[tilespmem:s29+$0x5270] =	vst v17;
	s29 =	sld [smem:$0x7FC]  }
0x175: {  	[tilespmem:s20+$0x5270] =	vst v18;
	v61 =	vadd.f32 v23, v53;
	p6 =	seq.s32 s30, $0x1;
	v24 =	vadd.f32 v24, v49;
	v17 =	vpsel !p2, $0x0, v15  }
0x176: {  	[tilespmem:s21+$0x5270] =	vst v19;
	v62 =	vpsel !p6, $0x0, v15;
	v58 =	vadd.f32 v54, v47;
	p1 =	seq.s32 s26, $0x1;
	v17 =	vpsel p5, v7, v17  }
0x177: {  	[tilespmem:s23+$0x5270] =	vst v55;
	v63 =	vpsel p3, v7, v62;
	p0 =	slt.u32 s13, $0x40;
	v16 =	vpsel p1, v7, v50;
	v17 =	vadd.f32 v24, v17;
	p5 =	seq.s32 s29, $0x1  }
.Ltmp0:
0x178: {  	v60 =	vadd.f32 v22, v52;
	[tilespmem:s19+$0x5270] =	vst v58;
	v16 =	vadd.f32 v56, v16;
	v57 =	vpsel !p5, $0x0, v15;
	(pc) =	sbr.rel @p0 .LBB2_3-.Ltmp0, $4  }
0x179: {  	[tilespmem:s22+$0x5270] =	vst v17;
	v17 =	vadd.f32 v61, v63;
	v59 =	vpsel p4, v7, v57  }
0x17a: {  	[tilespmem:s2+$0x5270] =	vst v16;
	v16 =	vadd.f32 v60, v59  }
0x17b: {  	s31 =	sadd.s32 $0x10, s13;
	[tilespmem:s8+$0x5270] =	vst v17  }
0x17c: {  	s13 =	smov.u32 s31;
	[tilespmem:s24+$0x5270] =	vst v16  }
0x17d: {  	s0 =	rddreg [dreg:$0x11]  }
0x17e: {  	s0 =	smul.u32 $0x500, s0  }
0x17f: {  	s1 =	rddreg [dreg:$0x5];
	s30 =	simm.s32 $0x0  }
0x180: {  	s2 =	simm.s32 $0x5200;
	s4 =	rddreg [dreg:$0xd];
	s0 =	sadd.s32 s1, s0  }
0x181: {  	[hbm4b:s0+s30] =	stream.linear.scatter [tilespmem:s2], [sflag:$0x3], $0x2800, $0x38;
	[tilespmem:$0x10C00] =	vst v63  }
0x182: {  	p0 =	seq.s32 s4, $0x27;
	s0 =	rddreg [dreg:$0x10]  }
0x183: {  	s1 =	rddreg [dreg:$0x8];
	s0 =	sadd.s32 @!p0 $0x2, s0  }
0x184: {  	s1 =	sadd.s32 @!p0 s1, s0;
	s0 =	sshll.u32 @!p0 s0, $0x4  }
0x185: {  	s3 =	rddreg [dreg:$0x7];
	s2 =	sshll.u32 @!p0 s1, $0x4;
	s0 =	sand.u32 @!p0 $0x60, s0  }
0x186: {  	s2 =	sand.u32 @!p0 $0xFFFFF80, s2;
	s0 =	sadd.s32 @!p0 s3, s0  }
0x187: {  	s0 =	sadd.s32 @!p0 s2, s0;
	s2 =	simm.s32 @!p0 $0x0  }
0x188: {  	[tilespmem:s2], [sflag:$0x5] =	stream.linear.gather @!p0 [hbm4b:s0+s2], $0x80, $0x38;
	[tilespmem:$0x10C00] =	vst v63  }
0x189: {  	s0 =	simm.s32 @!p0 $0x5  }
0x18a: {  	_ =	swait.ge @!p0 [sflag:s0], $0x80  }
0x18b: {  	[sflag:s0] =	ssyncset.done @!p0 $0x0  }
0x18c: {  	s1 =	smul.u32 @!p0 $0xA, s1;
	[sflag:s0] =	ssyncadd.s32 @!p0 $0xFFFFFF80  }
0x18d: {  	s3 =	rddreg [dreg:$0x1]  }
0x18e: {  	s1 =	sadd.s32 @!p0 s3, s1;
	s3 =	simm.s32 @!p0 $0x100  }
0x18f: {  	[tilespmem:s3], [sflag:$0x5] =	stream.linear.gather @!p0 [hbm4b:s1+s2], $0x50, $0x38;
	[tilespmem:$0x10C00] =	vst v63  }
0x190: {  	_ =	swait.ge @!p0 [sflag:s0], $0x50  }
0x191: {  	[sflag:s0] =	ssyncset.done @!p0 $0x0  }
0x192: {  	p1 =	seq.s32 @!p0 s4, $0x0;
	[sflag:s0] =	ssyncadd.s32 @!p0 $0xFFFFFFB0  }
0x193: {  	s1 =	simm.s32 @!p0 $0x200;
	s0 =	simm.s32 @!p0 $0x50;
	s3 =	rddreg [dreg:$0x2]  }
0x194: {  	[tilespmem:s1], [sflag:$0x1] =	stream.indirect.gather @!p0 [hbm4b:s3+s0], $0x80, s2, s0, $0xb8;
	[tilespmem:$0x10C00] =	vst v63  }
0x195: {  	p0 =	por p0, !p1  }
0x196: {  	s0 =	simm.s32 @p0 $0x4  }
0x197: {  	_ =	swait.ge @p0 [sflag:s0], $0x2800  }
0x198: {  	[sflag:s0] =	ssyncset.done @p0 $0x0  }
0x199: {  	s31 =	simm.s32 $0x2;
	[sflag:s0] =	ssyncadd.s32 @p0 $0xFFFFD800  }
0x19a: {  	_ =	swait.ge [sflag:s31], $0x2800  }
0x19b: {  	[sflag:s31] =	ssyncset.done $0x0  }
0x19c: {  	s3 =	simm.s32 $0x0;
	s23 =	rddreg [dreg:$0xf];
	[sflag:s31] =	ssyncadd.s32 $0xFFFFD800  }
.LBB2_5:
0x19d: {  	v16 =	vld [tilespmem:s3+$0x150];
	_ =	sdelay $0x4  }
0x19e: {  	(v2sf) =	vpush v16, $0x0;
	_ =	sdelay $0x3  }
0x19f: {  	s0 =	sadd.s32 s23, s3  }
0x1a0: {  	s1 =	smulhi.u32 $0x51EB851F, s0;
	_ =	sdelay $0x1  }
0x1a1: {  	s1 =	sshrl.u32 s1, $0x6  }
0x1a2: {  	s1 =	smul.u32 $0xC8, s1;
	_ =	sdelay $0x1  }
0x1a3: {  	s4 =	sshll.u32 s3, $0x7;
	s0 =	ssub.s32 s0, s1  }
0x1a4: {  	v16 =	vld [tilespmem:s4+$0x2A00];
	s1 =	sshll.u32 s0, $0x7  }
0x1a5: {  	v17 =	vld [tilespmem:s1+$0xA200];
	_ =	sdelay $0x2  }
0x1a6: {  	s17 =	spop (v2sf)  }
0x1a7: {  	p1 =	seq.s32 s17, $0x2  }
0x1a8: {  	v16 =	vadd.f32 v17, v16;
	p0 =	seq.s32 s17, $0x1;
	v18 =	vpsel !p1, $0x0, v8  }
0x1a9: {  	v17 =	vpsel p0, v0, v18  }
0x1aa: {  	v16 =	vadd.f32 v17, v16;
	_ =	sdelay $0x1  }
0x1ab: {  	[tilespmem:s4+$0x7A00] =	vst v16;
	v16 =	vld [tilespmem:s4+$0x2A10]  }
0x1ac: {  	v17 =	vld [tilespmem:s1+$0xA210];
	_ =	sdelay $0x4  }
0x1ad: {  	v34 =	vpsel !p1, $0x0, v9;
	v16 =	vadd.f32 v17, v16  }
0x1ae: {  	v17 =	vpsel p0, v1, v34  }
0x1af: {  	v16 =	vadd.f32 v16, v17;
	_ =	sdelay $0x1  }
0x1b0: {  	[tilespmem:s4+$0x7A10] =	vst v16;
	v16 =	vld [tilespmem:s4+$0x2A20]  }
0x1b1: {  	v17 =	vld [tilespmem:s1+$0xA220];
	_ =	sdelay $0x4  }
0x1b2: {  	v35 =	vpsel !p1, $0x0, v10;
	v16 =	vadd.f32 v17, v16  }
0x1b3: {  	v17 =	vpsel p0, v2, v35  }
0x1b4: {  	v16 =	vadd.f32 v16, v17;
	_ =	sdelay $0x1  }
0x1b5: {  	[tilespmem:s4+$0x7A20] =	vst v16;
	v16 =	vld [tilespmem:s4+$0x2A30]  }
0x1b6: {  	v17 =	vld [tilespmem:s1+$0xA230];
	_ =	sdelay $0x4  }
0x1b7: {  	v36 =	vpsel !p1, $0x0, v11;
	v16 =	vadd.f32 v17, v16  }
0x1b8: {  	v17 =	vpsel p0, v3, v36  }
0x1b9: {  	v16 =	vadd.f32 v16, v17  }
0x1ba: {  	v17 =	vld [tilespmem:s3+$0x151]  }
0x1bb: {  	[tilespmem:s4+$0x7A30] =	vst v16;
	v16 =	vld [tilespmem:s4+$0x2A40]  }
0x1bc: {  	v37 =	vld [tilespmem:s1+$0xA240]  }
0x1bd: {  	v19 =	vld [tilespmem:s3+$0x152];
	_ =	sdelay $0x1  }
0x1be: {  	v38 =	vld [tilespmem:s3+$0x153]  }
0x1bf: {  	(v2sf) =	vpush v17, $0x0  }
0x1c0: {  	v17 =	vpsel !p1, $0x0, v12;
	v16 =	vadd.f32 v37, v16  }
0x1c1: {  	s18 =	sor.u32 $0x1, s3;
	v17 =	vpsel p0, v4, v17;
	(v2sf) =	vpush v19, $0x0  }
0x1c2: {  	s7 =	sor.u32 $0x2, s3;
	s2 =	sadd.s32 s23, s18;
	v16 =	vadd.f32 v16, v17;
	v17 =	vld [tilespmem:s3+$0x154]  }
0x1c3: {  	s9 =	sor.u32 $0x3, s3;
	s8 =	sadd.s32 s23, s7;
	s5 =	smulhi.u32 $0x51EB851F, s2;
	(v2sf) =	vpush v38, $0x0  }
0x1c4: {  	s21 =	sor.u32 $0x4, s3;
	s11 =	sadd.s32 s23, s9;
	s6 =	smulhi.u32 $0x51EB851F, s8  }
0x1c5: {  	s28 =	sor.u32 $0x5, s3;
	s12 =	sadd.s32 s23, s21;
	s19 =	smulhi.u32 $0x51EB851F, s11  }
0x1c6: {  	s29 =	sadd.s32 s23, s28;
	s14 =	smulhi.u32 $0x51EB851F, s12  }
0x1c7: {  	s13 =	sshll.u32 s7, $0x7;
	s30 =	smulhi.u32 $0x51EB851F, s29;
	s0 =	simm.s32 @!p1 $0x0;
	(v2sf) =	vpush v17, $0x0  }
0x1c8: {  	s5 =	sshrl.u32 s5, $0x6;
	s6 =	sshrl.u32 s6, $0x6;
	s0 =	simm.s32 @p1 $0x1  }
0x1c9: {  	s5 =	smul.u32 $0xC8, s5;
	[smem:$0x7C3] =	sst s0;
	s0 =	simm.s32 @!p0 $0x0;
	v17 =	vld [tilespmem:s3+$0x155]  }
0x1ca: {  	v42 =	vld [tilespmem:s13+$0x2A00];
	s24 =	sshrl.u32 s14, $0x6;
	s10 =	smul.u32 $0xC8, s6;
	s0 =	simm.s32 @p0 $0x1  }
0x1cb: {  	v49 =	vld [tilespmem:s13+$0x2A10];
	s26 =	smul.u32 $0xC8, s24;
	[smem:$0x7C4] =	sst s0;
	s0 =	sshrl.u32 s19, $0x6  }
0x1cc: {  	s2 =	ssub.s32 s2, s5;
	s5 =	sshll.u32 s18, $0x7;
	s0 =	smul.u32 $0xC8, s0;
	[tilespmem:s4+$0x7A40] =	vst v16;
	v16 =	vld [tilespmem:s4+$0x2A50]  }
0x1cd: {  	s20 =	ssub.s32 s8, s10;
	s10 =	sshll.u32 s9, $0x7;
	s6 =	sshll.u32 s2, $0x7;
	v39 =	vld [tilespmem:s1+$0xA250]  }
0x1ce: {  	v41 =	vld [tilespmem:s5+$0x2A00];
	s2 =	sshll.u32 s20, $0x7;
	s0 =	ssub.s32 s11, s0;
	s22 =	spop (v2sf);
	(v2sf) =	vpush v17, $0x0  }
0x1cf: {  	v20 =	vld [tilespmem:s6+$0xA200];
	s7 =	sshll.u32 s0, $0x7;
	s0 =	ssub.s32 s12, s26;
	s12 =	sshll.u32 s28, $0x7  }
0x1d0: {  	v21 =	vld [tilespmem:s2+$0xA200];
	v40 =	vpsel !p1, $0x0, v13;
	p1 =	seq.s32 s22, $0x1;
	p3 =	seq.s32 s22, $0x2;
	s25 =	spop (v2sf)  }
0x1d1: {  	v43 =	vld [tilespmem:s10+$0x2A00];
	s9 =	simm.s32 @!p1 $0x0;
	p2 =	seq.s32 s25, $0x1;
	p5 =	seq.s32 s25, $0x2  }
0x1d2: {  	v23 =	vld [tilespmem:s7+$0xA200];
	v16 =	vadd.f32 v39, v16;
	s31 =	spop (v2sf);
	s9 =	simm.s32 @p1 $0x1;
	s11 =	simm.s32 @!p5 $0x0  }
0x1d3: {  	v30 =	vld [tilespmem:s13+$0x2A20];
	v18 =	vpsel p0, v5, v40;
	s8 =	simm.s32 @!p2 $0x0;
	p6 =	seq.s32 s31, $0x2;
	s11 =	simm.s32 @p5 $0x1  }
0x1d4: {  	v44 =	vld [tilespmem:s5+$0x2A10];
	v19 =	vadd.f32 v20, v41;
	v16 =	vadd.f32 v16, v18;
	v22 =	vpsel !p3, $0x0, v8;
	p0 =	seq.s32 s31, $0x1;
	s8 =	simm.s32 @p2 $0x1;
	[smem:$0x7C6] =	sst s11  }
0x1d5: {  	v51 =	vld [tilespmem:s10+$0x2A10];
	v18 =	vadd.f32 v21, v42;
	v22 =	vpsel p1, v0, v22;
	v24 =	vpsel !p5, $0x0, v8;
	s14 =	simm.s32 @!p0 $0x0;
	s11 =	sshll.u32 s21, $0x7;
	[smem:$0x7C8] =	sst s8  }
0x1d6: {  	v52 =	vld [tilespmem:s12+$0x2A00];
	v19 =	vadd.f32 v22, v19;
	v45 =	vpsel p2, v0, v24;
	v25 =	vpsel !p6, $0x0, v8;
	s8 =	sshll.u32 s0, $0x7;
	s0 =	sshrl.u32 s30, $0x6;
	s15 =	spop (v2sf)  }
0x1d7: {  	v20 =	vadd.f32 v23, v43;
	v18 =	vadd.f32 v45, v18;
	s14 =	simm.s32 @p0 $0x1;
	v25 =	vpsel p0, v0, v25;
	v46 =	vld [tilespmem:s11+$0x2A00];
	s0 =	smul.u32 $0xC8, s0;
	p0 =	seq.s32 s15, $0x2  }
0x1d8: {  	[smem:$0x7C7] =	sst s9;
	[tilespmem:s5+$0x7A00] =	vst v19;
	v47 =	vld [tilespmem:s8+$0xA200];
	s9 =	simm.s32 @!p0 $0x0  }
0x1d9: {  	v20 =	vadd.f32 v25, v20;
	v48 =	vld [tilespmem:s6+$0xA210];
	[tilespmem:s13+$0x7A00] =	vst v18;
	s0 =	ssub.s32 s29, s0;
	s9 =	simm.s32 @p0 $0x1  }
0x1da: {  	v50 =	vld [tilespmem:s2+$0xA210];
	[smem:$0x7CB] =	sst s9;
	s9 =	sshll.u32 s0, $0x7  }
0x1db: {  	v27 =	vpsel !p3, $0x0, v9;
	[tilespmem:s10+$0x7A00] =	vst v20;
	v54 =	vld [tilespmem:s9+$0xA200]  }
0x1dc: {  	v55 =	vpsel p1, v1, v27;
	v56 =	vld [tilespmem:s7+$0xA210]  }
0x1dd: {  	v58 =	vld [tilespmem:s5+$0x2A20];
	v59 =	vpsel !p5, $0x0, v9;
	[smem:$0x7CA] =	sst s14;
	v19 =	vadd.f32 v47, v46;
	p4 =	seq.s32 s15, $0x1;
	v26 =	vpsel !p0, $0x0, v8;
	s16 =	spop (v2sf)  }
0x1de: {  	v33 =	vld [tilespmem:s10+$0x2A20];
	v60 =	vpsel p2, v1, v59;
	s17 =	sld [smem:$0x7CA];
	v21 =	vadd.f32 v48, v44;
	v53 =	vpsel p4, v0, v26;
	p0 =	seq.s32 s16, $0x2  }
0x1df: {  	v35 =	vld [tilespmem:s12+$0x2A10];
	v31 =	vpsel !p6, $0x0, v9;
	v18 =	vadd.f32 v50, v49;
	v19 =	vadd.f32 v53, v19;
	s14 =	simm.s32 @!p0 $0x0  }
0x1e0: {  	[tilespmem:s4+$0x7A50] =	vst v16;
	v16 =	vld [tilespmem:s4+$0x2A60];
	v57 =	vadd.f32 v21, v55;
	v29 =	vpsel !p0, $0x0, v8;
	s14 =	simm.s32 @p0 $0x1;
	p0 =	seq.s32 s16, $0x1;
	v22 =	vadd.f32 v54, v52  }
0x1e1: {  	v17 =	vld [tilespmem:s1+$0xA260];
	p2 =	seq.s32 s17, $0x1;
	s0 =	simm.s32 @!p3 $0x0;
	v25 =	vadd.f32 v56, v51;
	v18 =	vadd.f32 v18, v60;
	[tilespmem:s11+$0x7A00] =	vst v19;
	v26 =	vpsel p0, v0, v29  }
0x1e2: {  	v61 =	vld [tilespmem:s11+$0x2A10];
	v24 =	vpsel p2, v1, v31;
	s0 =	simm.s32 @p3 $0x1;
	s18 =	sld [smem:$0x7CB];
	[tilespmem:s5+$0x7A10] =	vst v57;
	v22 =	vadd.f32 v26, v22  }
0x1e3: {  	[smem:$0x7C5] =	sst s0;
	v24 =	vadd.f32 v25, v24;
	v62 =	vld [tilespmem:s8+$0xA210];
	[tilespmem:s13+$0x7A10] =	vst v18;
	s0 =	simm.s32 @!p0 $0x0  }
0x1e4: {  	v63 =	vld [tilespmem:s6+$0xA220];
	[smem:$0x7CC] =	sst s14;
	s0 =	simm.s32 @p0 $0x1;
	[tilespmem:s12+$0x7A00] =	vst v22  }
0x1e5: {  	v32 =	vld [tilespmem:s2+$0xA220];
	[smem:$0x7CE] =	sst s0;
	[tilespmem:s10+$0x7A10] =	vst v24  }
0x1e6: {  	v24 =	vld [tilespmem:s9+$0xA210]  }
0x1e7: {  	v38 =	vld [tilespmem:s7+$0xA220]  }
0x1e8: {  	v39 =	vld [tilespmem:s5+$0x2A30]  }
0x1e9: {  	v41 =	vld [tilespmem:s11+$0x2A20]  }
0x1ea: {  	p1 =	seq.s32 s18, $0x1;
	s19 =	sld [smem:$0x7C7];
	v45 =	vld [tilespmem:s13+$0x2A30]  }
0x1eb: {  	v34 =	vpsel !p1, $0x0, v9;
	v19 =	vadd.f32 v62, v61;
	s20 =	sld [smem:$0x7C6];
	v49 =	vld [tilespmem:s10+$0x2A30]  }
0x1ec: {  	v37 =	vpsel p4, v1, v34;
	s21 =	sld [smem:$0x7C8];
	v51 =	vld [tilespmem:s12+$0x2A20]  }
0x1ed: {  	v19 =	vadd.f32 v19, v37;
	s22 =	sld [smem:$0x7CC];
	v56 =	vld [tilespmem:s5+$0x2A40]  }
0x1ee: {  	s0 =	simm.s32 @!p4 $0x0;
	v21 =	vadd.f32 v63, v58;
	s26 =	sld [smem:$0x7C6];
	v58 =	vld [tilespmem:s11+$0x2A30]  }
0x1ef: {  	v36 =	vpsel !p3, $0x0, v10;
	p5 =	por p4, p4;
	v50 =	vpsel !p1, $0x0, v10;
	s0 =	simm.s32 @p4 $0x1;
	s24 =	sld [smem:$0x7CE];
	v62 =	vld [tilespmem:s13+$0x2A40];
	[tilespmem:s11+$0x7A10] =	vst v19  }
0x1f0: {  	v46 =	vpsel !p6, $0x0, v10;
	v53 =	vpsel p5, v2, v50;
	v18 =	vadd.f32 v32, v30;
	v42 =	vld [tilespmem:s8+$0xA220];
	p4 =	seq.s32 s19, $0x1;
	p3 =	seq.s32 s20, $0x1;
	p0 =	seq.s32 s22, $0x1  }
0x1f1: {  	s25 =	sld [smem:$0x7C5];
	v32 =	vld [tilespmem:s10+$0x2A40];
	p5 =	seq.s32 s26, $0x1;
	v22 =	vpsel p4, v2, v36;
	v40 =	vpsel !p3, $0x0, v10;
	v44 =	vpsel !p0, $0x0, v9  }
0x1f2: {  	s28 =	sld [smem:$0x7C8];
	v34 =	vld [tilespmem:s12+$0x2A30];
	p3 =	seq.s32 s21, $0x1;
	v57 =	vpsel !p5, $0x0, v11;
	v61 =	vpsel !p0, $0x0, v10;
	v21 =	vadd.f32 v21, v22  }
0x1f3: {  	v29 =	vld [tilespmem:s3+$0x157];
	v23 =	vpsel p3, v2, v40;
	v20 =	vadd.f32 v24, v35;
	v25 =	vadd.f32 v38, v33;
	p3 =	seq.s32 s24, $0x1  }
0x1f4: {  	v24 =	vpsel p2, v2, v46;
	p2 =	seq.s32 s25, $0x1;
	v18 =	vadd.f32 v18, v23;
	v30 =	vpsel p3, v2, v61;
	v61 =	vld [tilespmem:s5+$0x2A60]  }
0x1f5: {  	v47 =	vpsel p3, v1, v44;
	v52 =	vpsel !p2, $0x0, v11;
	p2 =	seq.s32 s28, $0x1;
	v19 =	vadd.f32 v42, v41;
	v41 =	vld [tilespmem:s11+$0x2A40]  }
0x1f6: {  	[smem:$0x7CD] =	sst s0;
	[tilespmem:s5+$0x7A20] =	vst v21;
	v20 =	vadd.f32 v20, v47;
	v23 =	vpsel p2, v3, v57;
	v57 =	vld [tilespmem:s3+$0x156]  }
0x1f7: {  	s30 =	sld [smem:$0x7CB];
	v24 =	vadd.f32 v25, v24;
	v43 =	vld [tilespmem:s6+$0xA230];
	[tilespmem:s13+$0x7A20] =	vst v18  }
0x1f8: {  	s14 =	sld [smem:$0x7CD];
	v48 =	vld [tilespmem:s2+$0xA230];
	[tilespmem:s12+$0x7A10] =	vst v20;
	v19 =	vadd.f32 v19, v53  }
0x1f9: {  	[tilespmem:s10+$0x7A20] =	vst v24;
	v54 =	vld [tilespmem:s9+$0xA220]  }
0x1fa: {  	p1 =	por p4, p4;
	v21 =	vpsel p4, v3, v52;
	p4 =	seq.s32 s30, $0x1;
	v55 =	vld [tilespmem:s7+$0xA230];
	[tilespmem:s11+$0x7A20] =	vst v19  }
0x1fb: {  	p3 =	seq.s32 s14, $0x1;
	v33 =	vpsel !p4, $0x0, v11;
	v59 =	vld [tilespmem:s8+$0xA230]  }
0x1fc: {  	s29 =	sld [smem:$0x7CA];
	v36 =	vpsel p3, v3, v33;
	v33 =	vld [tilespmem:s13+$0x2A60];
	v22 =	vadd.f32 v43, v39  }
0x1fd: {  	v39 =	vld [tilespmem:s5+$0x2A50];
	v18 =	vadd.f32 v48, v45  }
0x1fe: {  	v63 =	vpsel !p6, $0x0, v11;
	s15 =	sld [smem:$0x7CC];
	v45 =	vld [tilespmem:s13+$0x2A50];
	v21 =	vadd.f32 v22, v21;
	v20 =	vadd.f32 v54, v51  }
0x1ff: {  	p0 =	seq.s32 s29, $0x1;
	v40 =	vpsel !p5, $0x0, v12;
	s24 =	sor.u32 $0x6, s3;
	v25 =	vadd.f32 v55, v49;
	v49 =	vld [tilespmem:s10+$0x2A50];
	v18 =	vadd.f32 v18, v23  }
0x200: {  	s31 =	sld [smem:$0x7C5];
	s25 =	sadd.s32 s23, s24;
	v24 =	vpsel p0, v3, v63;
	v51 =	vld [tilespmem:s12+$0x2A40];
	[tilespmem:s5+$0x7A30] =	vst v21;
	v20 =	vadd.f32 v20, v30;
	v19 =	vadd.f32 v59, v58  }
0x201: {  	s16 =	sld [smem:$0x7CE];
	v23 =	vpsel p2, v4, v40;
	p2 =	seq.s32 s15, $0x1;
	s15 =	smulhi.u32 $0x51EB851F, s25;
	v24 =	vadd.f32 v25, v24;
	v60 =	vld [tilespmem:s6+$0xA240];
	[tilespmem:s13+$0x7A30] =	vst v18  }
0x202: {  	s17 =	sld [smem:$0x7CB];
	v31 =	vld [tilespmem:s2+$0xA240];
	[tilespmem:s12+$0x7A20] =	vst v20;
	v19 =	vadd.f32 v19, v36  }
0x203: {  	s22 =	sld [smem:$0x7CD];
	s15 =	sshrl.u32 s15, $0x6;
	[tilespmem:s10+$0x7A30] =	vst v24;
	v37 =	vld [tilespmem:s9+$0xA230]  }
0x204: {  	p4 =	seq.s32 s31, $0x1;
	v44 =	vpsel !p2, $0x0, v11;
	p2 =	seq.s32 s16, $0x1;
	s16 =	smul.u32 $0xC8, s15;
	v38 =	vld [tilespmem:s7+$0xA240];
	[tilespmem:s11+$0x7A30] =	vst v19  }
0x205: {  	v35 =	vpsel !p4, $0x0, v12;
	v42 =	vld [tilespmem:s8+$0xA240]  }
0x206: {  	v21 =	vpsel p1, v4, v35;
	p1 =	seq.s32 s17, $0x1;
	v59 =	vld [tilespmem:s11+$0x2A50];
	v47 =	vpsel p2, v3, v44;
	s15 =	sshll.u32 s24, $0x7;
	s28 =	ssub.s32 s25, s16;
	v22 =	vadd.f32 v60, v56  }
0x207: {  	v50 =	vpsel !p1, $0x0, v12;
	v36 =	vpsel !p1, $0x0, v13;
	p1 =	seq.s32 s22, $0x1;
	v44 =	vld [tilespmem:s15+$0x2A00];
	s22 =	sshll.u32 s28, $0x7;
	v18 =	vadd.f32 v31, v62  }
0x208: {  	v31 =	vld [tilespmem:s22+$0xA200];
	v21 =	vadd.f32 v22, v21;
	v20 =	vadd.f32 v37, v34  }
0x209: {  	v25 =	vadd.f32 v38, v32;
	v37 =	vld [tilespmem:s12+$0x2A50];
	v18 =	vadd.f32 v18, v23  }
0x20a: {  	v46 =	vpsel !p6, $0x0, v12;
	[tilespmem:s5+$0x7A40] =	vst v21;
	v20 =	vadd.f32 v20, v47;
	v19 =	vadd.f32 v42, v41;
	v41 =	vld [tilespmem:s11+$0x2A60]  }
0x20b: {  	s18 =	sld [smem:$0x7C7];
	v24 =	vpsel p0, v4, v46;
	v43 =	vld [tilespmem:s6+$0xA250];
	[tilespmem:s13+$0x7A40] =	vst v18  }
0x20c: {  	s21 =	sld [smem:$0x7CA];
	v24 =	vadd.f32 v25, v24;
	v48 =	vld [tilespmem:s2+$0xA250];
	[tilespmem:s12+$0x7A30] =	vst v20  }
0x20d: {  	s20 =	sld [smem:$0x7CC];
	v52 =	vpsel p3, v4, v50;
	v53 =	vld [tilespmem:s9+$0xA240]  }
0x20e: {  	s19 =	sld [smem:$0x7C8];
	(v2sf) =	vpush v57, $0x0;
	v47 =	vld [tilespmem:s3+$0x158];
	[tilespmem:s10+$0x7A40] =	vst v24;
	v19 =	vadd.f32 v19, v52  }
0x20f: {  	v54 =	vpsel !p4, $0x0, v13;
	v58 =	vpsel !p5, $0x0, v13;
	p5 =	seq.s32 s21, $0x1;
	p3 =	seq.s32 s18, $0x1;
	v52 =	vpsel !p6, $0x0, v14;
	v55 =	vld [tilespmem:s7+$0xA250]  }
0x210: {  	p0 =	seq.s32 s20, $0x1;
	v56 =	vpsel p3, v5, v54;
	v54 =	vpsel p5, v6, v52;
	v52 =	vld [tilespmem:s15+$0x2A30];
	[tilespmem:s11+$0x7A40] =	vst v19;
	v22 =	vadd.f32 v43, v39  }
0x211: {  	p4 =	seq.s32 s19, $0x1;
	v62 =	vpsel !p0, $0x0, v12;
	v60 =	vld [tilespmem:s8+$0xA250];
	v18 =	vadd.f32 v48, v45  }
0x212: {  	s26 =	sld [smem:$0x7C3];
	v39 =	vld [tilespmem:s10+$0x2A60];
	v21 =	vadd.f32 v22, v56;
	v22 =	vpsel p4, v5, v58;
	v20 =	vadd.f32 v53, v51  }
0x213: {  	s29 =	sld [smem:$0x7C4];
	v43 =	vld [tilespmem:s12+$0x2A60];
	v18 =	vadd.f32 v18, v22;
	v22 =	vpsel p2, v4, v62  }
0x214: {  	v53 =	vld [tilespmem:s3+$0x159];
	v20 =	vadd.f32 v20, v22  }
0x215: {  	s30 =	sld [smem:$0x7C5];
	v28 =	vpsel !p0, $0x0, v13;
	p0 =	seq.s32 s26, $0x1;
	v34 =	vpsel !p6, $0x0, v13;
	v23 =	vadd.f32 v55, v49;
	v58 =	vld [tilespmem:s3+$0x15A];
	[tilespmem:s13+$0x7A50] =	vst v18  }
0x216: {  	v16 =	vadd.f32 v17, v16;
	v30 =	vpsel !p0, $0x0, v14;
	p0 =	seq.s32 s29, $0x1;
	v25 =	vpsel p5, v5, v34;
	v35 =	vld [tilespmem:s2+$0xA260];
	[tilespmem:s12+$0x7A40] =	vst v20  }
0x217: {  	s31 =	sld [smem:$0x7C6];
	v45 =	vpsel p0, v6, v30;
	v23 =	vadd.f32 v23, v25;
	v19 =	vadd.f32 v60, v59;
	v38 =	vld [tilespmem:s9+$0xA250]  }
0x218: {  	p0 =	seq.s32 s30, $0x1;
	v16 =	vadd.f32 v16, v45;
	[tilespmem:s5+$0x7A50] =	vst v21;
	v25 =	vpsel p1, v5, v36;
	v60 =	vld [tilespmem:s15+$0x2A10]  }
0x219: {  	s16 =	sld [smem:$0x7CB];
	v46 =	vpsel !p0, $0x0, v14;
	v63 =	vld [tilespmem:s6+$0xA260];
	[tilespmem:s10+$0x7A50] =	vst v23;
	v19 =	vadd.f32 v19, v25  }
0x21a: {  	(v2sf) =	vpush v29, $0x0;
	v48 =	vpsel p3, v6, v46;
	p3 =	seq.s32 s31, $0x1;
	[tilespmem:s4+$0x7A60] =	vst v16;
	v40 =	vld [tilespmem:s7+$0xA260]  }
0x21b: {  	s17 =	sor.u32 $0x7, s3;
	(v2sf) =	vpush v47, $0x0;
	v49 =	vpsel !p3, $0x0, v14;
	v16 =	vld [tilespmem:s1+$0xA270];
	[tilespmem:s11+$0x7A50] =	vst v19;
	v18 =	vadd.f32 v35, v33  }
0x21c: {  	p3 =	seq.s32 s16, $0x1;
	s16 =	sshll.u32 s17, $0x7;
	v50 =	vpsel p4, v6, v49;
	(v2sf) =	vpush v53, $0x0;
	v42 =	vld [tilespmem:s8+$0xA260];
	v20 =	vadd.f32 v38, v37  }
0x21d: {  	v28 =	vpsel p2, v5, v28;
	s14 =	spop (v2sf);
	v62 =	vld [tilespmem:s16+$0x2A00];
	(v2sf) =	vpush v58, $0x0;
	v18 =	vadd.f32 v18, v50  }
0x21e: {  	v58 =	vld [tilespmem:s16+$0x2A20];
	v21 =	vadd.f32 v63, v61;
	v17 =	vadd.f32 v20, v28  }
0x21f: {  	v55 =	vpsel !p3, $0x0, v14;
	p4 =	seq.s32 s14, $0x2;
	v35 =	vld [tilespmem:s15+$0x2A20];
	v23 =	vadd.f32 v40, v39;
	[tilespmem:s13+$0x7A60] =	vst v18  }
0x220: {  	s18 =	sadd.s32 s23, s17;
	p3 =	seq.s32 s14, $0x1;
	v56 =	vpsel !p4, $0x0, v8;
	v40 =	vld [tilespmem:s16+$0x2A10];
	v20 =	vadd.f32 v31, v44;
	[tilespmem:s12+$0x7A50] =	vst v17;
	v17 =	vadd.f32 v21, v48  }
0x221: {  	s0 =	simm.s32 @!p6 $0x0;
	s24 =	smulhi.u32 $0x51EB851F, s18;
	v57 =	vpsel p3, v0, v56;
	v27 =	vadd.f32 v42, v41;
	v21 =	vadd.f32 v23, v54;
	v18 =	vld [tilespmem:s2+$0xA270]  }
0x222: {  	s0 =	simm.s32 @p6 $0x1;
	v23 =	vpsel p1, v6, v55;
	v20 =	vadd.f32 v57, v20;
	v51 =	vld [tilespmem:s9+$0xA260];
	[tilespmem:s5+$0x7A60] =	vst v17  }
0x223: {  	s19 =	sor.u32 $0x9, s3;
	s20 =	sor.u32 $0x8, s3;
	s2 =	sshrl.u32 s24, $0x6;
	v23 =	vadd.f32 v27, v23;
	[tilespmem:s10+$0x7A60] =	vst v21;
	v17 =	vld [tilespmem:s6+$0xA270]  }
0x224: {  	s21 =	sld [smem:$0x7CC];
	s25 =	sadd.s32 s23, s20;
	s2 =	smul.u32 $0xC8, s2;
	[tilespmem:s15+$0x7A00] =	vst v20;
	v19 =	vld [tilespmem:s7+$0xA270]  }
0x225: {  	[smem:$0x7C9] =	sst s0;
	s28 =	sadd.s32 s23, s19;
	s26 =	smulhi.u32 $0x51EB851F, s25;
	[tilespmem:s11+$0x7A60] =	vst v23;
	v61 =	vld [tilespmem:s22+$0xA210]  }
0x226: {  	s29 =	smulhi.u32 $0x51EB851F, s28;
	s0 =	ssub.s32 s18, s2;
	s18 =	sshll.u32 s20, $0x7;
	v20 =	vld [tilespmem:s8+$0xA270]  }
0x227: {  	p5 =	seq.s32 s21, $0x1;
	s7 =	sshrl.u32 s26, $0x6;
	s20 =	sshll.u32 s19, $0x7;
	v33 =	vld [tilespmem:s18+$0x2A00]  }
0x228: {  	s31 =	sor.u32 $0xA, s3;
	v59 =	vpsel !p5, $0x0, v14;
	s7 =	smul.u32 $0xC8, s7;
	v36 =	vld [tilespmem:s20+$0x2A00];
	v22 =	vadd.f32 v51, v43  }
0x229: {  	s1 =	sshrl.u32 s29, $0x6;
	s14 =	sadd.s32 s23, s31;
	v21 =	vpsel p2, v6, v59;
	s17 =	sshll.u32 s0, $0x7;
	v49 =	vld [tilespmem:s18+$0x2A10]  }
0x22a: {  	s21 =	smulhi.u32 $0x51EB851F, s14;
	s24 =	spop (v2sf);
	v63 =	vld [tilespmem:s17+$0xA200];
	s30 =	ssub.s32 s25, s7;
	v21 =	vadd.f32 v22, v21  }
0x22b: {  	p1 =	por p4, p4;
	p4 =	seq.s32 s24, $0x2;
	v53 =	vld [tilespmem:s20+$0x2A10];
	s25 =	sshll.u32 s30, $0x7  }
0x22c: {  	v32 =	vpsel !p1, $0x0, v9;
	s6 =	simm.s32 @!p1 $0x0;
	s26 =	sshrl.u32 s21, $0x6;
	s21 =	sshll.u32 s31, $0x7;
	v22 =	vadd.f32 v61, v60;
	v34 =	vld [tilespmem:s25+$0xA200];
	[tilespmem:s12+$0x7A60] =	vst v21  }
0x22d: {  	v26 =	vpsel p3, v1, v32;
	s6 =	simm.s32 @p1 $0x1;
	s7 =	simm.s32 @!p4 $0x0;
	v21 =	vld [tilespmem:s9+$0xA270];
	s9 =	smul.u32 $0xC8, s1  }
0x22e: {  	[smem:$0x7CF] =	sst s6;
	v43 =	vld [tilespmem:s21+$0x2A00];
	s7 =	simm.s32 @p4 $0x1;
	v22 =	vadd.f32 v22, v26  }
0x22f: {  	p0 =	seq.s32 s24, $0x1;
	v37 =	vpsel !p4, $0x0, v8;
	[smem:$0x7D1] =	sst s7;
	v60 =	vld [tilespmem:s21+$0x2A10];
	v24 =	vadd.f32 v63, v62;
	s0 =	ssub.s32 s28, s9  }
0x230: {  	[tilespmem:s15+$0x7A10] =	vst v22;
	v22 =	vpsel p0, v0, v37;
	v37 =	vld [tilespmem:s15+$0x2A40];
	s28 =	spop (v2sf);
	s1 =	sshll.u32 s0, $0x7;
	s0 =	smul.u32 $0xC8, s26  }
0x231: {  	v39 =	vld [tilespmem:s22+$0xA220];
	v22 =	vadd.f32 v22, v24;
	p2 =	seq.s32 s28, $0x2;
	p5 =	seq.s32 s28, $0x1;
	s29 =	spop (v2sf)  }
0x232: {  	v23 =	vadd.f32 v34, v33;
	v34 =	vld [tilespmem:s18+$0x2A20];
	v41 =	vpsel !p2, $0x0, v8;
	p6 =	seq.s32 s29, $0x2;
	s30 =	spop (v2sf);
	s0 =	ssub.s32 s14, s0  }
0x233: {  	v48 =	vpsel !p1, $0x0, v10;
	v38 =	vld [tilespmem:s1+$0xA200];
	[tilespmem:s16+$0x7A00] =	vst v22;
	v42 =	vpsel p5, v0, v41;
	p1 =	seq.s32 s30, $0x2;
	s6 =	sshll.u32 s0, $0x7;
	s0 =	simm.s32 @!p6 $0x0  }
0x234: {  	s9 =	sld [smem:$0x7D1];
	v46 =	vld [tilespmem:s17+$0xA210];
	v44 =	vadd.f32 v42, v23;
	s2 =	simm.s32 @!p1 $0x0;
	s0 =	simm.s32 @p6 $0x1  }
0x235: {  	v45 =	vld [tilespmem:s6+$0xA200];
	s2 =	simm.s32 @p1 $0x1;
	[smem:$0x7D5] =	sst s0  }
0x236: {  	v47 =	vpsel !p6, $0x0, v8;
	v54 =	vpsel !p1, $0x0, v8;
	p6 =	seq.s32 s29, $0x1;
	v26 =	vadd.f32 v39, v35;
	p1 =	seq.s32 s30, $0x1;
	[tilespmem:s18+$0x7A00] =	vst v44;
	[smem:$0x7C0] =	sst s2;
	v44 =	vld [tilespmem:s16+$0x2A30]  }
0x237: {  	v28 =	vpsel p3, v2, v48;
	s0 =	simm.s32 @!p6 $0x0;
	v29 =	vpsel p1, v0, v54;
	s2 =	sld [smem:$0x7CF];
	v54 =	vld [tilespmem:s15+$0x2A50]  }
0x238: {  	v25 =	vadd.f32 v38, v36;
	s0 =	simm.s32 @p6 $0x1;
	v51 =	vld [tilespmem:s25+$0xA210];
	v26 =	vadd.f32 v26, v28;
	s31 =	sld [smem:$0x7D5]  }
0x239: {  	v50 =	vpsel p6, v0, v47;
	v38 =	vld [tilespmem:s20+$0x2A20];
	[smem:$0x7D6] =	sst s0  }
0x23a: {  	v55 =	vpsel !p4, $0x0, v9;
	p4 =	por p1, p1;
	v24 =	vadd.f32 v46, v40;
	v46 =	vld [tilespmem:s21+$0x2A20];
	v25 =	vadd.f32 v50, v25;
	[tilespmem:s15+$0x7A20] =	vst v26;
	s7 =	sld [smem:$0x7D6]  }
0x23b: {  	p6 =	por p0, p0;
	s8 =	sld [smem:$0x7C0];
	s0 =	simm.s32 @!p1 $0x0;
	v26 =	vpsel p0, v1, v55;
	v23 =	vadd.f32 v45, v43;
	v57 =	vld [tilespmem:s22+$0xA230]  }
0x23c: {  	s0 =	simm.s32 @p1 $0x1;
	p0 =	seq.s32 s2, $0x1;
	v55 =	vld [tilespmem:s20+$0x2A30];
	v24 =	vadd.f32 v24, v26;
	p1 =	seq.s32 s31, $0x1;
	[tilespmem:s20+$0x7A00] =	vst v25  }
0x23d: {  	s24 =	sld [smem:$0x7C0];
	v33 =	vpsel !p0, $0x0, v11;
	v63 =	vpsel !p1, $0x0, v9;
	v56 =	vld [tilespmem:s1+$0xA210];
	v23 =	vadd.f32 v29, v23;
	p0 =	seq.s32 s7, $0x1  }
0x23e: {  	v59 =	vpsel !p2, $0x0, v9;
	s19 =	sld [smem:$0x7D6];
	v22 =	vadd.f32 v51, v49;
	[tilespmem:s16+$0x7A10] =	vst v24;
	v51 =	vld [tilespmem:s18+$0x2A30];
	v35 =	vpsel p0, v1, v63;
	p0 =	seq.s32 s8, $0x1  }
0x23f: {  	[smem:$0x7C1] =	sst s0;
	v27 =	vpsel p3, v3, v33;
	v29 =	vpsel p5, v1, v59;
	v62 =	vld [tilespmem:s17+$0xA220];
	[tilespmem:s21+$0x7A00] =	vst v23;
	v39 =	vpsel !p0, $0x0, v9;
	p0 =	seq.s32 s9, $0x1  }
0x240: {  	s26 =	sld [smem:$0x7C1];
	v22 =	vadd.f32 v22, v29;
	v61 =	vld [tilespmem:s6+$0xA210];
	v28 =	vadd.f32 v57, v52;
	v40 =	vpsel !p0, $0x0, v10  }
0x241: {  	v49 =	vpsel !p1, $0x0, v10;
	v63 =	vld [tilespmem:s21+$0x2A30];
	v42 =	vpsel p4, v1, v39;
	p4 =	por p6, p6;
	v24 =	vpsel p6, v2, v40;
	p6 =	seq.s32 s19, $0x1  }
0x242: {  	[tilespmem:s18+$0x7A10] =	vst v22;
	v40 =	vld [tilespmem:s20+$0x2A40];
	v25 =	vadd.f32 v56, v53;
	v27 =	vadd.f32 v28, v27;
	v52 =	vpsel p6, v2, v49;
	p6 =	seq.s32 s24, $0x1  }
0x243: {  	v36 =	vld [tilespmem:s25+$0xA220];
	v56 =	vpsel !p6, $0x0, v10;
	p6 =	seq.s32 s26, $0x1  }
0x244: {  	v26 =	vadd.f32 v62, v58;
	v25 =	vadd.f32 v25, v35;
	[tilespmem:s15+$0x7A30] =	vst v27;
	v59 =	vpsel p6, v2, v56;
	v56 =	vld [tilespmem:s3+$0x15B]  }
0x245: {  	s14 =	sld [smem:$0x7CF];
	v23 =	vadd.f32 v61, v60;
	v43 =	vld [tilespmem:s22+$0xA240]  }
0x246: {  	v24 =	vadd.f32 v26, v24;
	v61 =	vld [tilespmem:s16+$0x2A40];
	[tilespmem:s20+$0x7A10] =	vst v25  }
0x247: {  	v57 =	vpsel !p0, $0x0, v11;
	v41 =	vld [tilespmem:s1+$0xA220];
	v23 =	vadd.f32 v23, v42  }
0x248: {  	v45 =	vpsel !p2, $0x0, v10;
	p1 =	seq.s32 s14, $0x1;
	v22 =	vadd.f32 v36, v34;
	[tilespmem:s16+$0x7A20] =	vst v24;
	v24 =	vpsel p4, v3, v57;
	v57 =	vld [tilespmem:s3+$0x15C]  }
0x249: {  	v50 =	vpsel !p1, $0x0, v12;
	v29 =	vpsel p5, v2, v45;
	v48 =	vld [tilespmem:s17+$0xA230];
	[tilespmem:s21+$0x7A10] =	vst v23  }
0x24a: {  	v62 =	vpsel !p2, $0x0, v11;
	v22 =	vadd.f32 v22, v29;
	v47 =	vld [tilespmem:s6+$0xA220];
	v28 =	vadd.f32 v43, v37  }
0x24b: {  	[dreg:$0x13] =	wrdreg s22;
	v27 =	vpsel p3, v4, v50;
	v29 =	vpsel p5, v3, v62;
	v62 =	vld [tilespmem:s3+$0x15E]  }
0x24c: {  	s28 =	sld [smem:$0x7D5];
	v37 =	vld [tilespmem:s18+$0x2A40];
	[tilespmem:s18+$0x7A20] =	vst v22;
	v25 =	vadd.f32 v41, v38;
	v27 =	vadd.f32 v28, v27  }
0x24d: {  	s30 =	sld [smem:$0x7C0];
	v53 =	vld [tilespmem:s25+$0xA230]  }
0x24e: {  	s29 =	sld [smem:$0x7D6];
	s0 =	simm.s32 @!p3 $0x0;
	v26 =	vadd.f32 v48, v44;
	v44 =	vld [tilespmem:s16+$0x2A50];
	v25 =	vadd.f32 v25, v52;
	[tilespmem:s15+$0x7A40] =	vst v27  }
0x24f: {  	s31 =	sld [smem:$0x7D1];
	s0 =	simm.s32 @p3 $0x1;
	v23 =	vadd.f32 v47, v46;
	v60 =	vld [tilespmem:s22+$0xA250]  }
0x250: {  	[smem:$0x7D0] =	sst s0;
	s0 =	simm.s32 @!p4 $0x0;
	v24 =	vadd.f32 v26, v24;
	v46 =	vld [tilespmem:s21+$0x2A40];
	[tilespmem:s20+$0x7A20] =	vst v25  }
0x251: {  	s2 =	sld [smem:$0x7C1];
	s0 =	simm.s32 @p4 $0x1;
	v58 =	vld [tilespmem:s1+$0xA230];
	v23 =	vadd.f32 v23, v59  }
0x252: {  	[smem:$0x7D2] =	sst s0;
	s0 =	simm.s32 @!p2 $0x0;
	v22 =	vadd.f32 v53, v51;
	[tilespmem:s16+$0x7A30] =	vst v24;
	v51 =	vld [tilespmem:s18+$0x2A50]  }
0x253: {  	s7 =	sld [smem:$0x7D5];
	s0 =	simm.s32 @p2 $0x1;
	v34 =	vld [tilespmem:s17+$0xA240];
	[tilespmem:s21+$0x7A20] =	vst v23  }
0x254: {  	p0 =	por p4, p4;
	[smem:$0x7D3] =	sst s0;
	s0 =	simm.s32 @!p5 $0x0;
	v22 =	vadd.f32 v22, v29;
	v33 =	vld [tilespmem:s6+$0xA230]  }
0x255: {  	p6 =	seq.s32 s28, $0x1;
	s8 =	sld [smem:$0x7D2];
	s0 =	simm.s32 @p5 $0x1;
	v36 =	vpsel !p1, $0x0, v13;
	v28 =	vadd.f32 v60, v54;
	v54 =	vld [tilespmem:s20+$0x2A50]  }
0x256: {  	v35 =	vpsel !p6, $0x0, v11;
	p4 =	seq.s32 s31, $0x1;
	[smem:$0x7D4] =	sst s0;
	s0 =	sor.u32 $0xB, s3;
	v27 =	vpsel p3, v5, v36;
	[tilespmem:s18+$0x7A30] =	vst v22;
	v22 =	vld [tilespmem:s15+$0x2A60]  }
0x257: {  	p6 =	seq.s32 s29, $0x1;
	p1 =	seq.s32 s30, $0x1;
	v42 =	vpsel !p4, $0x0, v12;
	s9 =	sadd.s32 s23, s0;
	v25 =	vadd.f32 v58, v55;
	v39 =	vld [tilespmem:s25+$0xA240];
	v27 =	vadd.f32 v28, v27  }
0x258: {  	s28 =	smulhi.u32 $0x51EB851F, s9;
	v38 =	vpsel p6, v3, v35;
	v58 =	vld [tilespmem:s3+$0x15D];
	v26 =	vadd.f32 v34, v61;
	v34 =	vpsel !p4, $0x0, v13;
	p4 =	seq.s32 s8, $0x1;
	s8 =	sor.u32 $0xC, s3  }
0x259: {  	p3 =	seq.s32 s2, $0x1;
	v25 =	vadd.f32 v25, v38;
	[tilespmem:s15+$0x7A50] =	vst v27;
	v27 =	vpsel p0, v4, v42;
	p0 =	seq.s32 s7, $0x1;
	s31 =	sadd.s32 s23, s8;
	v38 =	vld [tilespmem:s3+$0x15F]  }
0x25a: {  	v45 =	vpsel !p2, $0x0, v12;
	v41 =	vpsel !p1, $0x0, v11;
	s7 =	sshrl.u32 s28, $0x6;
	v24 =	vadd.f32 v33, v63;
	v23 =	vld [tilespmem:s22+$0xA260];
	s29 =	smulhi.u32 $0x51EB851F, s31;
	s22 =	sor.u32 $0xD, s3  }
0x25b: {  	(v2sf) =	vpush v56, $0x0;
	v28 =	vpsel p3, v3, v41;
	v26 =	vadd.f32 v26, v27;
	v33 =	vld [tilespmem:s21+$0x2A50];
	s7 =	smul.u32 $0xC8, s7;
	[tilespmem:s20+$0x7A30] =	vst v25;
	s24 =	sadd.s32 s23, s22  }
0x25c: {  	v36 =	vpsel !p0, $0x0, v13;
	s22 =	sshll.u32 s22, $0x7;
	v43 =	vld [tilespmem:s1+$0xA240];
	v24 =	vadd.f32 v24, v28;
	v30 =	vadd.f32 v39, v37;
	s28 =	smulhi.u32 $0x51EB851F, s24  }
0x25d: {  	v28 =	vpsel p5, v4, v45;
	[tilespmem:s16+$0x7A40] =	vst v26;
	v39 =	vpsel p6, v5, v36;
	s14 =	sshrl.u32 s29, $0x6;
	s2 =	ssub.s32 s9, s7;
	v36 =	vld [tilespmem:s22+$0x2A00]  }
0x25e: {  	(v2sf) =	vpush v57, $0x0;
	v49 =	vld [tilespmem:s17+$0xA250];
	s14 =	smul.u32 $0xC8, s14;
	s7 =	sshll.u32 s2, $0x7;
	[tilespmem:s21+$0x7A30] =	vst v24;
	v47 =	vadd.f32 v30, v28;
	s2 =	sshrl.u32 s28, $0x6  }
0x25f: {  	s19 =	sshll.u32 s0, $0x7;
	v48 =	vld [tilespmem:s6+$0xA240];
	s0 =	smul.u32 $0xC8, s2;
	s2 =	sshll.u32 s8, $0x7  }
0x260: {  	[tilespmem:s18+$0x7A40] =	vst v47;
	v45 =	vld [tilespmem:s2+$0x2A00]  }
0x261: {  	(v2sf) =	vpush v58, $0x0;
	s9 =	ssub.s32 s31, s14;
	v53 =	vld [tilespmem:s25+$0xA250]  }
0x262: {  	s26 =	sor.u32 $0xE, s3;
	s9 =	sshll.u32 s9, $0x7;
	v25 =	vadd.f32 v43, v40;
	v43 =	vld [tilespmem:s19+$0x2A00]  }
0x263: {  	s29 =	sadd.s32 s23, s26;
	(v2sf) =	vpush v62, $0x0;
	v35 =	vld [tilespmem:s9+$0xA200]  }
0x264: {  	s30 =	sld [smem:$0x7C0];
	s31 =	smulhi.u32 $0x51EB851F, s29;
	v27 =	vadd.f32 v49, v44;
	v44 =	vld [tilespmem:s7+$0xA200]  }
0x265: {  	v50 =	vpsel !p0, $0x0, v12;
	s0 =	ssub.s32 s24, s0;
	s24 =	sshll.u32 s26, $0x7;
	v49 =	vld [tilespmem:s19+$0x2A10]  }
0x266: {  	v61 =	vpsel !p2, $0x0, v13;
	v52 =	vpsel p6, v4, v50;
	s28 =	sor.u32 $0xF, s3;
	s14 =	sshrl.u32 s31, $0x6;
	v58 =	vld [tilespmem:s24+$0x2A10]  }
0x267: {  	v55 =	vpsel !p1, $0x0, v12;
	v28 =	vpsel p5, v5, v61;
	p5 =	seq.s32 s30, $0x1;
	s30 =	sadd.s32 s23, s28;
	s14 =	smul.u32 $0xC8, s14;
	v25 =	vadd.f32 v25, v52;
	v52 =	vld [tilespmem:s2+$0x2A10]  }
0x268: {  	v59 =	vpsel p4, v5, v34;
	(v2sf) =	vpush v38, $0x0;
	s31 =	smulhi.u32 $0x51EB851F, s30;
	v24 =	vadd.f32 v48, v46;
	v46 =	vld [tilespmem:s24+$0x2A00]  }
0x269: {  	v27 =	vadd.f32 v27, v59;
	s8 =	ssub.s32 s29, s14;
	[tilespmem:s20+$0x7A40] =	vst v25;
	v25 =	vpsel p3, v4, v55;
	v55 =	vld [tilespmem:s22+$0x2A10]  }
0x26a: {  	s14 =	sshll.u32 s0, $0x7;
	s0 =	sshrl.u32 s31, $0x6;
	s31 =	spop (v2sf);
	v32 =	vld [tilespmem:s1+$0xA250];
	v24 =	vadd.f32 v24, v25  }
0x26b: {  	p0 =	seq.s32 s31, $0x1;
	v26 =	vadd.f32 v53, v51;
	[tilespmem:s16+$0x7A50] =	vst v27;
	v25 =	vld [tilespmem:s20+$0x2A60]  }
0x26c: {  	s0 =	smul.u32 $0xC8, s0;
	s26 =	simm.s32 @!p0 $0x0;
	[tilespmem:s21+$0x7A40] =	vst v24;
	v24 =	vld [tilespmem:s16+$0x2A60]  }
0x26d: {  	p6 =	seq.s32 s31, $0x2;
	s31 =	spop (v2sf);
	s26 =	simm.s32 @p0 $0x1;
	v63 =	vadd.f32 v26, v28;
	v28 =	vld [tilespmem:s17+$0xA260]  }
0x26e: {  	p1 =	seq.s32 s31, $0x2;
	s0 =	ssub.s32 s30, s0;
	v26 =	vld [tilespmem:s18+$0x2A60];
	[smem:$0x7D8] =	sst s26  }
0x26f: {  	v38 =	vpsel !p6, $0x0, v8;
	s26 =	sshll.u32 s8, $0x7;
	s8 =	sshll.u32 s28, $0x7;
	s28 =	simm.s32 @!p1 $0x0;
	v60 =	vld [tilespmem:s6+$0xA250]  }
0x270: {  	v38 =	vpsel p0, v0, v38;
	p0 =	seq.s32 s31, $0x1;
	s28 =	simm.s32 @p1 $0x1;
	v48 =	vld [tilespmem:s8+$0x2A00];
	s31 =	spop (v2sf)  }
0x271: {  	v47 =	vpsel !p1, $0x0, v8;
	v62 =	vld [tilespmem:s8+$0x2A10];
	[tilespmem:s18+$0x7A50] =	vst v63;
	[smem:$0x7D9] =	sst s28;
	s28 =	simm.s32 @!p0 $0x0;
	v37 =	vadd.f32 v32, v54;
	p1 =	seq.s32 s31, $0x2  }
0x272: {  	v29 =	vld [tilespmem:s25+$0xA260];
	v32 =	vadd.f32 v44, v43;
	s28 =	simm.s32 @p0 $0x1;
	s30 =	spop (v2sf);
	s29 =	simm.s32 @!p1 $0x0  }
0x273: {  	v34 =	vadd.f32 v35, v45;
	[smem:$0x7DA] =	sst s28;
	v40 =	vadd.f32 v37, v39;
	v37 =	vld [tilespmem:s14+$0xA200];
	v50 =	vpsel !p1, $0x0, v8;
	s29 =	simm.s32 @p1 $0x1;
	p1 =	seq.s32 s30, $0x2  }
0x274: {  	s28 =	sshll.u32 s0, $0x7;
	v39 =	vld [tilespmem:s26+$0xA200];
	v32 =	vadd.f32 v38, v32;
	v38 =	vpsel p0, v0, v47;
	[smem:$0x7DB] =	sst s29;
	s29 =	simm.s32 @!p1 $0x0  }
0x275: {  	p4 =	seq.s32 s30, $0x1;
	v34 =	vadd.f32 v38, v34;
	[tilespmem:s20+$0x7A50] =	vst v40;
	v40 =	vld [tilespmem:s28+$0xA200];
	s29 =	simm.s32 @p1 $0x1  }
0x276: {  	v41 =	vpsel !p5, $0x0, v13;
	v44 =	vld [tilespmem:s19+$0x2A20];
	p5 =	seq.s32 s31, $0x1;
	[tilespmem:s19+$0x7A00] =	vst v32;
	[smem:$0x7DC] =	sst s29;
	s29 =	simm.s32 @!p4 $0x0  }
0x277: {  	v27 =	vpsel p3, v5, v41;
	s31 =	spop (v2sf);
	v42 =	vadd.f32 v60, v33;
	s30 =	sld [smem:$0x7D9];
	v51 =	vld [tilespmem:s7+$0xA210];
	[tilespmem:s2+$0x7A00] =	vst v34;
	s29 =	simm.s32 @p4 $0x1  }
0x278: {  	v38 =	vpsel p5, v0, v50;
	v53 =	vpsel !p1, $0x0, v8;
	p1 =	seq.s32 s31, $0x2;
	v54 =	vld [tilespmem:s9+$0xA210];
	v36 =	vadd.f32 v37, v36;
	[smem:$0x7BF] =	sst s29  }
0x279: {  	v47 =	vld [tilespmem:s2+$0x2A20];
	v30 =	vadd.f32 v42, v27;
	v56 =	vpsel !p1, $0x0, v8;
	v33 =	vadd.f32 v39, v46;
	s29 =	sld [smem:$0x7D8]  }
0x27a: {  	p2 =	seq.s32 s31, $0x1;
	v50 =	vld [tilespmem:s22+$0x2A20];
	s31 =	sld [smem:$0x7DA];
	v36 =	vadd.f32 v38, v36;
	v38 =	vpsel p4, v0, v53;
	v35 =	vadd.f32 v40, v48  }
0x27b: {  	v27 =	vld [tilespmem:s1+$0xA260];
	[tilespmem:s21+$0x7A50] =	vst v30;
	v33 =	vadd.f32 v38, v33;
	v38 =	vpsel p2, v0, v56  }
0x27c: {  	v41 =	vpsel !p6, $0x0, v9;
	p3 =	seq.s32 s30, $0x1;
	v30 =	vld [tilespmem:s21+$0x2A60];
	v32 =	vadd.f32 v51, v49;
	[tilespmem:s22+$0x7A00] =	vst v36;
	v35 =	vadd.f32 v38, v35;
	p0 =	seq.s32 s29, $0x1  }
0x27d: {  	v61 =	vpsel !p3, $0x0, v9;
	p3 =	seq.s32 s31, $0x1;
	v34 =	vadd.f32 v54, v52;
	v57 =	vld [tilespmem:s14+$0xA210];
	[tilespmem:s24+$0x7A00] =	vst v33;
	v59 =	vpsel p0, v1, v41  }
0x27e: {  	v37 =	vpsel p3, v1, v61;
	s29 =	sld [smem:$0x7DB];
	v60 =	vld [tilespmem:s26+$0xA210];
	v32 =	vadd.f32 v32, v59;
	[tilespmem:s8+$0x7A00] =	vst v35  }
0x27f: {  	s30 =	sld [smem:$0x7DC];
	v34 =	vadd.f32 v34, v37;
	v63 =	vld [tilespmem:s28+$0xA210]  }
0x280: {  	s0 =	simm.s32 @!p1 $0x0;
	v31 =	vld [tilespmem:s6+$0xA260];
	[tilespmem:s19+$0x7A10] =	vst v32  }
0x281: {  	s0 =	simm.s32 @p1 $0x1;
	p3 =	seq.s32 s29, $0x1;
	[tilespmem:s2+$0x7A10] =	vst v34;
	v46 =	vld [tilespmem:s7+$0xA220]  }
0x282: {  	[smem:$0x7DD] =	sst s0;
	v51 =	vpsel !p1, $0x0, v9;
	v45 =	vpsel !p3, $0x0, v9;
	p3 =	seq.s32 s30, $0x1;
	v49 =	vld [tilespmem:s9+$0xA220];
	v36 =	vadd.f32 v57, v55  }
0x283: {  	s31 =	sld [smem:$0x7D9];
	v54 =	vld [tilespmem:s24+$0x2A20];
	v37 =	vpsel p5, v1, v45;
	v48 =	vpsel !p3, $0x0, v9;
	v33 =	vadd.f32 v60, v58  }
0x284: {  	s0 =	simm.s32 @!p2 $0x0;
	s29 =	sld [smem:$0x7DA];
	v58 =	vld [tilespmem:s8+$0x2A20];
	v36 =	vadd.f32 v36, v37;
	v37 =	vpsel p4, v1, v48;
	v35 =	vadd.f32 v63, v62  }
0x285: {  	s0 =	simm.s32 @p2 $0x1;
	v60 =	vld [tilespmem:s19+$0x2A30];
	v33 =	vadd.f32 v33, v37;
	v37 =	vpsel p2, v1, v51  }
0x286: {  	v53 =	vpsel !p6, $0x0, v10;
	[smem:$0x7C2] =	sst s0;
	p4 =	seq.s32 s31, $0x1;
	v63 =	vld [tilespmem:s2+$0x2A30];
	[tilespmem:s22+$0x7A10] =	vst v36;
	v32 =	vadd.f32 v46, v44;
	v35 =	vadd.f32 v35, v37  }
0x287: {  	s30 =	sld [smem:$0x7DB];
	v55 =	vpsel p0, v2, v53;
	v57 =	vpsel !p4, $0x0, v10;
	p2 =	seq.s32 s29, $0x1;
	v34 =	vadd.f32 v49, v47;
	v52 =	vld [tilespmem:s14+$0xA220];
	[tilespmem:s24+$0x7A10] =	vst v33  }
0x288: {  	s0 =	simm.s32 @!p6 $0x0;
	s31 =	sld [smem:$0x7BF];
	v37 =	vpsel p2, v2, v57;
	v56 =	vld [tilespmem:s26+$0xA220];
	v32 =	vadd.f32 v32, v55;
	[tilespmem:s8+$0x7A10] =	vst v35  }
0x289: {  	s0 =	simm.s32 @p6 $0x1;
	s29 =	sld [smem:$0x7DD];
	v34 =	vadd.f32 v34, v37;
	v59 =	vld [tilespmem:s28+$0xA220]  }
0x28a: {  	[smem:$0x7D7] =	sst s0;
	v46 =	vld [tilespmem:s22+$0x2A30];
	[tilespmem:s19+$0x7A20] =	vst v32  }
0x28b: {  	p6 =	seq.s32 s30, $0x1;
	s30 =	sld [smem:$0x7C2];
	[tilespmem:s2+$0x7A20] =	vst v34;
	v62 =	vld [tilespmem:s7+$0xA230]  }
0x28c: {  	v61 =	vpsel !p6, $0x0, v10;
	v44 =	vpsel !p3, $0x0, v10;
	p3 =	seq.s32 s31, $0x1;
	s31 =	sld [smem:$0x7D7];
	p6 =	seq.s32 s29, $0x1;
	v45 =	vld [tilespmem:s9+$0xA230];
	v36 =	vadd.f32 v52, v50  }
0x28d: {  	v37 =	vpsel p5, v2, v61;
	v47 =	vpsel !p6, $0x0, v10;
	v50 =	vld [tilespmem:s24+$0x2A30];
	v33 =	vadd.f32 v56, v54  }
0x28e: {  	p6 =	seq.s32 s30, $0x1;
	v54 =	vld [tilespmem:s8+$0x2A30];
	v36 =	vadd.f32 v36, v37;
	v37 =	vpsel p3, v2, v44;
	v35 =	vadd.f32 v59, v58  }
0x28f: {  	p1 =	por p0, p0;
	p0 =	seq.s32 s31, $0x1;
	v56 =	vld [tilespmem:s19+$0x2A40];
	v33 =	vadd.f32 v33, v37;
	v37 =	vpsel p6, v2, v47  }
0x290: {  	v49 =	vpsel !p0, $0x0, v11;
	v59 =	vld [tilespmem:s2+$0x2A40];
	[tilespmem:s22+$0x7A20] =	vst v36;
	v32 =	vadd.f32 v62, v60;
	v35 =	vadd.f32 v35, v37  }
0x291: {  	v53 =	vpsel !p4, $0x0, v11;
	s29 =	sld [smem:$0x7DB];
	v51 =	vpsel p1, v3, v49;
	v34 =	vadd.f32 v45, v63;
	v48 =	vld [tilespmem:s14+$0xA230];
	[tilespmem:s24+$0x7A20] =	vst v33  }
0x292: {  	s0 =	simm.s32 @!p5 $0x0;
	s30 =	sld [smem:$0x7DC];
	v37 =	vpsel p2, v3, v53;
	v52 =	vld [tilespmem:s26+$0xA230];
	v32 =	vadd.f32 v32, v51;
	[tilespmem:s8+$0x7A20] =	vst v35  }
0x293: {  	s0 =	simm.s32 @p5 $0x1;
	s31 =	sld [smem:$0x7DD];
	v34 =	vadd.f32 v34, v37;
	v55 =	vld [tilespmem:s28+$0xA230]  }
0x294: {  	[smem:$0x7BE] =	sst s0;
	p4 =	por p2, p2;
	v62 =	vld [tilespmem:s22+$0x2A40];
	[tilespmem:s19+$0x7A30] =	vst v32  }
0x295: {  	p0 =	seq.s32 s30, $0x1;
	p2 =	seq.s32 s29, $0x1;
	s29 =	sld [smem:$0x7D7];
	[tilespmem:s2+$0x7A30] =	vst v34;
	v58 =	vld [tilespmem:s7+$0xA240]  }
0x296: {  	s30 =	sld [smem:$0x7D8];
	p1 =	seq.s32 s31, $0x1;
	v60 =	vpsel !p0, $0x0, v11;
	v57 =	vpsel !p2, $0x0, v11;
	v61 =	vld [tilespmem:s9+$0xA240];
	v36 =	vadd.f32 v48, v46  }
0x297: {  	s31 =	sld [smem:$0x7D9];
	v63 =	vpsel !p1, $0x0, v11;
	v37 =	vpsel p5, v3, v57;
	v46 =	vld [tilespmem:s24+$0x2A40];
	v33 =	vadd.f32 v52, v50  }
0x298: {  	p2 =	seq.s32 s29, $0x1;
	s29 =	sld [smem:$0x7DB];
	v50 =	vld [tilespmem:s8+$0x2A40];
	v36 =	vadd.f32 v36, v37;
	v37 =	vpsel p3, v3, v60;
	v35 =	vadd.f32 v55, v54  }
0x299: {  	p5 =	seq.s32 s30, $0x1;
	s30 =	sld [smem:$0x7BE];
	v52 =	vld [tilespmem:s19+$0x2A50];
	v33 =	vadd.f32 v33, v37;
	v37 =	vpsel p6, v3, v63  }
0x29a: {  	v45 =	vpsel !p2, $0x0, v12;
	p3 =	seq.s32 s31, $0x1;
	v55 =	vld [tilespmem:s2+$0x2A50];
	s31 =	sld [smem:$0x7BF];
	[tilespmem:s22+$0x7A30] =	vst v36;
	v32 =	vadd.f32 v58, v56;
	v35 =	vadd.f32 v35, v37  }
0x29b: {  	v47 =	vpsel p5, v4, v45;
	p5 =	seq.s32 s29, $0x1;
	v49 =	vpsel !p3, $0x0, v12;
	v34 =	vadd.f32 v61, v59;
	v44 =	vld [tilespmem:s14+$0xA240];
	[tilespmem:s24+$0x7A30] =	vst v33  }
0x29c: {  	s29 =	sld [smem:$0x7CF];
	v53 =	vpsel !p5, $0x0, v12;
	p6 =	seq.s32 s30, $0x1;
	v37 =	vpsel p4, v4, v49;
	v48 =	vld [tilespmem:s26+$0xA240];
	v32 =	vadd.f32 v32, v47;
	[tilespmem:s8+$0x7A30] =	vst v35  }
0x29d: {  	v34 =	vadd.f32 v34, v37;
	v37 =	vpsel p6, v4, v53;
	p6 =	seq.s32 s31, $0x1;
	s31 =	sld [smem:$0x7D0];
	v51 =	vld [tilespmem:s28+$0xA240]  }
0x29e: {  	s30 =	sld [smem:$0x7C2];
	v58 =	vld [tilespmem:s22+$0x2A50];
	[tilespmem:s19+$0x7A40] =	vst v32  }
0x29f: {  	v22 =	vadd.f32 v23, v22;
	v59 =	vpsel !p1, $0x0, v12;
	p1 =	seq.s32 s29, $0x1;
	s29 =	sld [smem:$0x7D8];
	v54 =	vld [tilespmem:s7+$0xA250]  }
0x2a0: {  	v24 =	vadd.f32 v28, v24;
	v42 =	vpsel !p2, $0x0, v13;
	v49 =	vld [tilespmem:s19+$0x2A60];
	[tilespmem:s2+$0x7A40] =	vst v34;
	p2 =	seq.s32 s31, $0x1;
	s31 =	sld [smem:$0x7D2];
	v36 =	vadd.f32 v44, v62  }
0x2a1: {  	v56 =	vpsel !p0, $0x0, v12;
	v60 =	vpsel !p1, $0x0, v14;
	p1 =	seq.s32 s30, $0x1;
	s30 =	sld [smem:$0x7D1];
	v57 =	vld [tilespmem:s9+$0xA250];
	v33 =	vadd.f32 v48, v46  }
0x2a2: {  	v62 =	vld [tilespmem:s24+$0x2A50];
	v36 =	vadd.f32 v36, v37;
	v37 =	vpsel p6, v4, v56;
	v35 =	vadd.f32 v51, v50;
	p6 =	seq.s32 s29, $0x1;
	s29 =	sld [smem:$0x7BE]  }
0x2a3: {  	v45 =	vpsel !p3, $0x0, v13;
	v46 =	vld [tilespmem:s8+$0x2A50];
	p3 =	seq.s32 s31, $0x1;
	s31 =	sld [smem:$0x7D3];
	v33 =	vadd.f32 v33, v37;
	v37 =	vpsel p1, v4, v59  }
0x2a4: {  	v63 =	vpsel p2, v6, v60;
	p2 =	seq.s32 s30, $0x1;
	s30 =	sld [smem:$0x7DC];
	v56 =	vld [tilespmem:s22+$0x2A60];
	[tilespmem:s22+$0x7A40] =	vst v36;
	v32 =	vadd.f32 v54, v52;
	v35 =	vadd.f32 v35, v37  }
0x2a5: {  	v47 =	vpsel !p2, $0x0, v14;
	v50 =	vpsel !p5, $0x0, v13;
	v43 =	vpsel p6, v5, v42;
	v61 =	vld [tilespmem:s14+$0xA250];
	[tilespmem:s24+$0x7A40] =	vst v33;
	p5 =	seq.s32 s29, $0x1;
	s29 =	sld [smem:$0x7BF]  }
0x2a6: {  	v37 =	vpsel p3, v6, v47;
	v44 =	vld [tilespmem:s26+$0xA250];
	v23 =	vadd.f32 v32, v43;
	[tilespmem:s8+$0x7A40] =	vst v35;
	v32 =	vpsel p4, v5, v45;
	p4 =	seq.s32 s31, $0x1;
	s31 =	sld [smem:$0x7D4]  }
0x2a7: {  	v34 =	vadd.f32 v57, v55;
	p3 =	seq.s32 s30, $0x1;
	s30 =	sld [smem:$0x7DD];
	v24 =	vadd.f32 v24, v37;
	v48 =	vld [tilespmem:s28+$0xA250]  }
0x2a8: {  	v26 =	vadd.f32 v29, v26;
	v42 =	vld [tilespmem:s8+$0x2A60]  }
0x2a9: {  	v52 =	vld [tilespmem:s2+$0x2A60];
	v53 =	vpsel !p3, $0x0, v13;
	v32 =	vadd.f32 v34, v32;
	v54 =	vpsel !p4, $0x0, v14;
	[tilespmem:s16+$0x7A60] =	vst v24;
	p4 =	seq.s32 s29, $0x1;
	s29 =	sld [smem:$0x7D5];
	p6 =	seq.s32 s31, $0x1  }
0x2aa: {  	v34 =	vpsel p5, v5, v50;
	p0 =	seq.s32 s30, $0x1;
	[tilespmem:s19+$0x7A50] =	vst v23;
	v29 =	vld [tilespmem:s17+$0xA270];
	s31 =	sld [smem:$0x7D6];
	v36 =	vadd.f32 v61, v58;
	v58 =	vpsel p6, v6, v54  }
0x2ab: {  	v57 =	vpsel !p0, $0x0, v13;
	v51 =	vld [tilespmem:s7+$0xA260];
	[tilespmem:s2+$0x7A50] =	vst v32;
	v33 =	vadd.f32 v44, v62;
	v26 =	vadd.f32 v26, v58  }
0x2ac: {  	s30 =	sld [smem:$0x7C0];
	v55 =	vld [tilespmem:s9+$0xA260];
	p2 =	seq.s32 s29, $0x1;
	v34 =	vadd.f32 v36, v34;
	v36 =	vpsel p4, v5, v53;
	v35 =	vadd.f32 v48, v46  }
0x2ad: {  	s17 =	sld [smem:$0x7DB];
	v61 =	vld [tilespmem:s24+$0x2A60];
	v60 =	vpsel !p2, $0x0, v14;
	p6 =	seq.s32 s31, $0x1;
	v33 =	vadd.f32 v33, v36;
	v36 =	vpsel p1, v5, v57  }
0x2ae: {  	s29 =	sld [smem:$0x7C1];
	v40 =	vpsel p6, v6, v60;
	[tilespmem:s18+$0x7A60] =	vst v26;
	v60 =	vld [tilespmem:s4+$0x2A70];
	v35 =	vadd.f32 v35, v36  }
0x2af: {  	v22 =	vadd.f32 v22, v63;
	s31 =	sld [smem:$0x7D8];
	[tilespmem:s22+$0x7A50] =	vst v34;
	v34 =	vld [tilespmem:s25+$0xA270]  }
0x2b0: {  	v25 =	vadd.f32 v27, v25;
	p1 =	seq.s32 s30, $0x1;
	s30 =	sld [smem:$0x7D7];
	v59 =	vld [tilespmem:s14+$0xA260];
	[tilespmem:s8+$0x7A50] =	vst v35  }
0x2b1: {  	[tilespmem:s15+$0x7A60] =	vst v22;
	p2 =	seq.s32 s29, $0x1;
	s29 =	rddreg [dreg:$0x13];
	v46 =	vld [tilespmem:s28+$0xA260]  }
0x2b2: {  	v30 =	vadd.f32 v31, v30;
	v62 =	vpsel !p1, $0x0, v14;
	v43 =	vadd.f32 v25, v40;
	s25 =	sld [smem:$0x7C2];
	[tilespmem:s24+$0x7A50] =	vst v33;
	v36 =	vld [tilespmem:s29+$0xA270]  }
0x2b3: {  	v27 =	vpsel p2, v6, v62;
	s29 =	sld [smem:$0x7C4];
	v63 =	vld [tilespmem:s26+$0xA260]  }
0x2b4: {  	v54 =	vpsel !p3, $0x0, v14;
	p6 =	seq.s32 s30, $0x1;
	v44 =	vadd.f32 v30, v27;
	s30 =	sld [smem:$0x7D9];
	[tilespmem:s20+$0x7A60] =	vst v43;
	v43 =	vld [tilespmem:s11+$0x2A70]  }
0x2b5: {  	v57 =	vpsel !p0, $0x0, v14;
	v23 =	vadd.f32 v51, v49;
	v41 =	vpsel !p6, $0x0, v14;
	p6 =	seq.s32 s31, $0x1;
	s31 =	sld [smem:$0x7DA];
	v26 =	vld [tilespmem:s1+$0xA270];
	p3 =	seq.s32 s25, $0x1  }
0x2b6: {  	s1 =	sld [smem:$0x7C7];
	v45 =	vpsel p6, v6, v41;
	[tilespmem:s21+$0x7A60] =	vst v44;
	v58 =	vpsel p3, v6, v57;
	v57 =	vld [tilespmem:s18+$0x2A70];
	v30 =	vadd.f32 v46, v42  }
0x2b7: {  	v48 =	vadd.f32 v55, v52;
	s25 =	sld [smem:$0x7CD];
	v51 =	vadd.f32 v23, v45;
	v28 =	vld [tilespmem:s6+$0xA270]  }
0x2b8: {  	p6 =	seq.s32 s30, $0x1;
	s30 =	sld [smem:$0x7C5];
	v55 =	vadd.f32 v63, v61;
	v63 =	vld [tilespmem:s5+$0x2A70];
	v23 =	vadd.f32 v30, v58  }
0x2b9: {  	s6 =	sld [smem:$0x7C8];
	v47 =	vpsel !p6, $0x0, v14;
	p6 =	seq.s32 s31, $0x1;
	[tilespmem:s19+$0x7A60] =	vst v51;
	v51 =	vld [tilespmem:s10+$0x2A70]  }
0x2ba: {  	v50 =	vadd.f32 v59, v56;
	s31 =	sld [smem:$0x7C6];
	v24 =	vpsel p6, v6, v47;
	p6 =	seq.s32 s17, $0x1;
	v31 =	vld [tilespmem:s7+$0xA270];
	[tilespmem:s8+$0x7A60] =	vst v23  }
0x2bb: {  	v56 =	vpsel p4, v6, v54;
	v49 =	vpsel !p6, $0x0, v14;
	v52 =	vadd.f32 v48, v24;
	v23 =	vld [tilespmem:s28+$0xA270];
	s28 =	sld [smem:$0x7C3]  }
0x2bc: {  	s17 =	sld [smem:$0x7CC];
	v48 =	vld [tilespmem:s13+$0x2A70];
	v53 =	vpsel p5, v6, v49;
	v22 =	vadd.f32 v55, v56  }
0x2bd: {  	s7 =	sld [smem:$0x7C9];
	v55 =	vld [tilespmem:s16+$0x2A70];
	v24 =	vadd.f32 v50, v53;
	[tilespmem:s2+$0x7A60] =	vst v52  }
0x2be: {  	v25 =	vld [tilespmem:s9+$0xA270];
	[tilespmem:s24+$0x7A60] =	vst v22;
	s9 =	sld [smem:$0x7CA];
	p0 =	seq.s32 s28, $0x1  }
0x2bf: {  	[tilespmem:s22+$0x7A60] =	vst v24;
	v22 =	vld [tilespmem:s26+$0xA270];
	s26 =	sld [smem:$0x7CE];
	v59 =	vpsel !p0, $0x0, v15;
	p0 =	seq.s32 s29, $0x1  }
0x2c0: {  	v24 =	vld [tilespmem:s14+$0xA270];
	s14 =	sld [smem:$0x7CB];
	v27 =	vpsel p0, v7, v59;
	p0 =	seq.s32 s30, $0x1  }
0x2c1: {  	v16 =	vadd.f32 v16, v60;
	v53 =	vld [tilespmem:s12+$0x2A70];
	s28 =	sld [smem:$0x7CF];
	v61 =	vpsel !p0, $0x0, v15;
	p0 =	seq.s32 s31, $0x1  }
0x2c2: {  	v60 =	vpsel !p1, $0x0, v15;
	v58 =	vadd.f32 v20, v43;
	s29 =	sld [smem:$0x7D0];
	v62 =	vpsel !p0, $0x0, v15;
	p0 =	seq.s32 s1, $0x1  }
0x2c3: {  	v17 =	vadd.f32 v17, v63;
	v19 =	vadd.f32 v19, v51;
	s30 =	sld [smem:$0x7D1];
	v59 =	vld [tilespmem:s20+$0x2A70];
	v32 =	vpsel p0, v7, v61;
	p0 =	seq.s32 s6, $0x1  }
0x2c4: {  	v63 =	vpsel p2, v7, v60;
	v18 =	vadd.f32 v18, v48;
	s1 =	sld [smem:$0x7D3];
	v33 =	vpsel p0, v7, v62;
	p0 =	seq.s32 s7, $0x1  }
0x2c5: {  	v54 =	vld [tilespmem:s15+$0x2A70];
	v48 =	vadd.f32 v34, v57;
	v16 =	vadd.f32 v16, v27;
	s6 =	sld [smem:$0x7D4];
	v47 =	vpsel !p0, $0x0, v15;
	p0 =	seq.s32 s9, $0x1  }
0x2c6: {  	v43 =	vadd.f32 v29, v55;
	v61 =	vadd.f32 v21, v53;
	s7 =	sld [smem:$0x7D5];
	v37 =	vpsel p0, v7, v47;
	p0 =	seq.s32 s14, $0x1  }
0x2c7: {  	[tilespmem:s4+$0x7A70] =	vst v16;
	v17 =	vadd.f32 v17, v32;
	v62 =	vld [tilespmem:s21+$0x2A70];
	p6 =	seq.s32 s1, $0x1;
	s9 =	sld [smem:$0x7D6];
	v16 =	vadd.f32 v18, v33;
	v49 =	vpsel !p0, $0x0, v15;
	p0 =	seq.s32 s17, $0x1  }
0x2c8: {  	v46 =	vld [tilespmem:s2+$0x2A70];
	s31 =	sld [smem:$0x7D2];
	v51 =	vadd.f32 v26, v59;
	v45 =	vpsel !p6, $0x0, v15;
	p6 =	seq.s32 s6, $0x1;
	v50 =	vpsel !p0, $0x0, v15;
	p0 =	seq.s32 s25, $0x1  }
0x2c9: {  	[tilespmem:s5+$0x7A70] =	vst v17;
	s14 =	sld [smem:$0x7D7];
	v45 =	vpsel p6, v7, v45;
	p6 =	seq.s32 s7, $0x1;
	v17 =	vadd.f32 v19, v37;
	v39 =	vpsel p0, v7, v49;
	p0 =	seq.s32 s26, $0x1  }
0x2ca: {  	v37 =	vadd.f32 v36, v54;
	s17 =	sld [smem:$0x7D8];
	v56 =	vpsel !p6, $0x0, v15;
	p6 =	seq.s32 s9, $0x1;
	v40 =	vpsel p0, v7, v50;
	p0 =	seq.s32 s28, $0x1  }
0x2cb: {  	v53 =	vld [tilespmem:s8+$0x2A70];
	[tilespmem:s13+$0x7A70] =	vst v16;
	s25 =	sld [smem:$0x7D9];
	v18 =	vadd.f32 v48, v45;
	v38 =	vpsel p6, v7, v56;
	v52 =	vpsel !p0, $0x0, v15;
	p0 =	seq.s32 s29, $0x1  }
0x2cc: {  	[tilespmem:s10+$0x7A70] =	vst v17;
	s26 =	sld [smem:$0x7DA];
	v21 =	vadd.f32 v28, v62;
	v16 =	vadd.f32 v58, v39;
	v39 =	vld [tilespmem:s19+$0x2A70];
	v42 =	vpsel p0, v7, v52;
	p0 =	seq.s32 s30, $0x1  }
0x2cd: {  	p1 =	seq.s32 s14, $0x1;
	v49 =	vld [tilespmem:s22+$0x2A70];
	v56 =	vadd.f32 v25, v46;
	s28 =	sld [smem:$0x7DB];
	[tilespmem:s18+$0x7A70] =	vst v18;
	v17 =	vadd.f32 v61, v40;
	v44 =	vpsel !p0, $0x0, v15;
	p0 =	seq.s32 s31, $0x1  }
0x2ce: {  	v41 =	vpsel !p1, $0x0, v15;
	p2 =	seq.s32 s17, $0x1;
	[tilespmem:s11+$0x7A70] =	vst v16;
	v52 =	vld [tilespmem:s24+$0x2A70];
	v16 =	vadd.f32 v37, v42;
	v44 =	vpsel p0, v7, v44  }
0x2cf: {  	v19 =	vadd.f32 v51, v38;
	v47 =	vpsel p2, v7, v41;
	p6 =	seq.s32 s25, $0x1;
	s29 =	sld [smem:$0x7DC];
	[tilespmem:s12+$0x7A70] =	vst v17;
	v17 =	vadd.f32 v43, v44  }
0x2d0: {  	v55 =	vadd.f32 v21, v63;
	v61 =	vadd.f32 v23, v53;
	v50 =	vpsel !p6, $0x0, v15;
	p1 =	seq.s32 s26, $0x1;
	s30 =	sld [smem:$0x7DD];
	p2 =	seq.s32 s28, $0x1;
	[tilespmem:s15+$0x7A70] =	vst v16  }
0x2d1: {  	v16 =	vpsel p1, v7, v50;
	v54 =	vadd.f32 v31, v39;
	[tilespmem:s16+$0x7A70] =	vst v17;
	v17 =	vpsel !p2, $0x0, v15  }
0x2d2: {  	[tilespmem:s20+$0x7A70] =	vst v19;
	v24 =	vadd.f32 v24, v49;
	v16 =	vadd.f32 v56, v16;
	v17 =	vpsel p5, v7, v17;
	p5 =	seq.s32 s29, $0x1  }
0x2d3: {  	[tilespmem:s21+$0x7A70] =	vst v55;
	p0 =	slt.u32 s3, $0x40;
	p6 =	seq.s32 s30, $0x1;
	v58 =	vadd.f32 v54, v47;
	v60 =	vadd.f32 v22, v52;
	v57 =	vpsel !p5, $0x0, v15  }
.Ltmp1:
0x2d4: {  	v62 =	vpsel !p6, $0x0, v15;
	[tilespmem:s2+$0x7A70] =	vst v16;
	v17 =	vadd.f32 v24, v17;
	v59 =	vpsel p4, v7, v57;
	(pc) =	sbr.rel @p0 .LBB2_5-.Ltmp1, $4  }
0x2d5: {  	v63 =	vpsel p3, v7, v62;
	[tilespmem:s19+$0x7A70] =	vst v58;
	v16 =	vadd.f32 v60, v59  }
0x2d6: {  	[tilespmem:s22+$0x7A70] =	vst v17;
	v17 =	vadd.f32 v61, v63  }
0x2d7: {  	s31 =	sadd.s32 $0x10, s3;
	[tilespmem:s24+$0x7A70] =	vst v16  }
0x2d8: {  	s3 =	smov.u32 s31;
	[tilespmem:s8+$0x7A70] =	vst v17  }
0x2d9: {  	s5 =	rddreg [dreg:$0xd]  }
0x2da: {  	s5 =	sadd.s32 $0x1, s5  }
0x2db: {  	p0 =	sne.s32 s5, $0x28  }
.Ltmp2:
0x2dc: {  	s0 =	rddreg [dreg:$0xe];
	(pc) =	sbr.rel @p0 .LBB2_2-.Ltmp2, $4  }
0x2dd: {  	s0 =	smul.u32 $0x500, s0  }
0x2de: {  	s1 =	rddreg [dreg:$0x5]  }
0x2df: {  	s6 =	simm.s32 $0x0;
	s31 =	simm.s32 $0x7A00;
	s0 =	sadd.s32 s1, s0  }
0x2e0: {  	[hbm4b:s0+s6] =	stream.linear.scatter [tilespmem:s31], [sflag:$0x4], $0x2800, $0x38;
	[tilespmem:$0x10C00] =	vst v63  }
0x2e1: {  	s0 =	simm.s32 $0x3  }
0x2e2: {  	_ =	swait.ge [sflag:s0], $0x2800  }
0x2e3: {  	[sflag:s0] =	ssyncset.done $0x0  }
0x2e4: {  	s1 =	simm.s32 $0x4;
	[sflag:s0] =	ssyncadd.s32 $0xFFFFD800  }
0x2e5: {  	_ =	swait.ge [sflag:s1], $0x2800  }
0x2e6: {  	s2 =	rddreg [dreg:$0xc]  }
0x2e7: {  	s31 =	rddreg [dreg:$0xb];
	s2 =	sadd.s32 $0x1, s2  }
0x2e8: {  	p0 =	sne.s32 s2, s31  }
.Ltmp3:
0x2e9: {  	_ = 	snop;
	(pc) =	sbr.rel @p0 .LBB2_1-.Ltmp3, $3  }
0x2ea: {  	_ =	sdelay $0x1  }
0x2eb: {  	[sflag:s1] =	ssyncset.done $0x0  }
0x2ec: {  	[sflag:s1] =	ssyncadd.s32 $0xFFFFD800  }
0x2ed: {  	_ =	sfence.sel $0x180000  }
0x2ee: {  	[bflag:$0x0] =	sbarrier.arrive $0xFFFF  }
0x2ef: {  	_ =	strace $0x90000047  }
0x2f0: {  	s0 =	stileid.u32;
	[bflag:$0x2] =	sbarrier.arrive $0xFFFF  }
0x2f1: {  	p0 =	sne.s32 s0, $0x0;
	s0 =	rddreg [dreg:$0x6]  }
0x2f2: {  	s0 =	sadd.s32 @!p0 $0x100000, s0  }
0x2f3: {  	[sflag:s0] =	ssyncadd.tile.s32 @!p0 $0x1;
	_ =	shalt  }
.Lfunc_end2:
_tile_overlayer_lowered:
.L_overlay_start_2:
0x2f4: {  	(tag) =	ssettag $0x2  }
0x2f5: {  	s0 =	rddreg [dreg:$0x0];
	s2 =	stileid.u32  }
0x2f6: {  	s1 =	rddreg [dreg:$0x1];
	p0 =	sne.s32 s2, $0x0  }
0x2f7: {  	s3 =	rddreg [dreg:$0x2];
	[bflag:$0x3] =	sbarrier.arrive $0xFFFF;
	s2 =	simm.s32 @!p0 $0x1C05  }
0x2f8: {  	[timem:s3], [sflag:s2] =	dma.local @!p0 [hbm:s0], s1  }
0x2f9: {  	s0 =	simm.s32 @!p0 $0x5  }
0x2fa: {  	_ =	swait.ge @!p0 [sflag:s0], s1  }
0x2fb: {  	s1 =	ssub.s32 @!p0 $0x0, s1;
	[sflag:s0] =	ssyncset.done @!p0 $0x0  }
0x2fc: {  	[sflag:s0] =	ssyncadd.s32 @!p0 s1  }
0x2fd: {  	[bflag:$0x3] =	sbarrier.arrive $0xFFFF  }
0x2fe: {  	_ =	shalt  }

</sc_bundles>
